<compile_context>
chip_gen: v7x
topology: tpu7x:2x2x1
jax: 0.10.2.dev20260603
libtpu: 0.0.44.dev20260713+nightly
codegen_flags: <defaults>
</compile_context>

<pallas_src>
import jax
import jax.numpy as jnp
from jax import lax
from jax.experimental import pallas as pl
from jax.experimental.pallas import tpu as pltpu
from jax.experimental.pallas import tpu_sc as plsc

_D = 6
_F = 256
_N = 10000
_NNZ = 160000
_EPS = 1e-5

_NW = 32
_CH = 256
_NCHUNK = _NNZ // _CH
_TMAX = (_NCHUNK + _NW - 1) // _NW
_OUTW = _CH * _D
_NVOUT = _OUTW // 16


def _bf16_rne(u):
    return lax.shift_right_logical(
        u + jnp.int32(0x7FFF) + (lax.shift_right_logical(u, 16) & 1), 16)


def _table_body(x_ref, w_ref, o_ref):
    xb = x_ref[...]
    x3 = xb.reshape(xb.shape[0] // _D, _D, _F)
    m = (x3[:, 0] + x3[:, 1] + x3[:, 2] + x3[:, 3] + x3[:, 4]
         + x3[:, 5]) * (1.0 / _D)
    t = jnp.dot(jnp.concatenate([m, m * m], axis=1), w_ref[...],
                preferred_element_type=jnp.float32)
    u = lax.bitcast_convert_type(t, jnp.int32)
    bf = _bf16_rne(u)
    w01 = bf[:, 0:1] | lax.shift_left(bf[:, 1:2], 16)
    w23 = bf[:, 2:3] | lax.shift_left(bf[:, 3:4], 16)
    w45 = bf[:, 4:5] | lax.shift_left(bf[:, 5:6], 16)
    o_ref[...] = jnp.concatenate([w01, w23, w45, u[:, 6:7], u[:, 7:8]], axis=1)


def _build_table(x, w8, block=1000):
    n = x.shape[0] // _D
    return pl.pallas_call(
        _table_body,
        grid=(n // block,),
        in_specs=[
            pl.BlockSpec((block * _D, _F), lambda i: (i, 0)),
            pl.BlockSpec((2 * _F, 8), lambda i: (0, 0)),
        ],
        out_specs=pl.BlockSpec((block, 5), lambda i: (i, 0)),
        out_shape=jax.ShapeDtypeStruct((n, 5), jnp.int32),
    )(x, w8).reshape(-1)


def _hidx_body(x_ref, e_ref, j_ref, o_ref):
    idxf = x_ref[...].astype(jnp.float32)
    out = jnp.dot(idxf, e_ref[...], preferred_element_type=jnp.float32,
                  precision=lax.Precision.HIGHEST)
    o_ref[...] = (out + j_ref[...]).astype(jnp.int32)


def _build_hidx(rc2, block=2500):
    lidx = jnp.arange(128)
    col = jnp.arange(768)
    e6 = jnp.where(col[None, :] // _D == lidx[:, None], 6.0, 0.0).astype(jnp.float32)
    jmod = (col[None, :] % _D).astype(jnp.float32)
    n = rc2.shape[0]
    return pl.pallas_call(
        _hidx_body,
        grid=(n // block,),
        in_specs=[
            pl.BlockSpec((block, 128), lambda i: (i, 0)),
            pl.BlockSpec((128, 768), lambda i: (0, 0)),
            pl.BlockSpec((1, 768), lambda i: (0, 0)),
        ],
        out_specs=pl.BlockSpec((block, 768), lambda i: (i, 0)),
        out_shape=jax.ShapeDtypeStruct((n, 768), jnp.int32),
    )(rc2, e6, jmod)


def _rsqrt16(x):
    xi = plsc.bitcast(x, jnp.int32)
    yi = jnp.int32(0x5F3759DF) - lax.shift_right_logical(xi, 1)
    y = plsc.bitcast(yi, jnp.float32)
    for _ in range(3):
        y = y * (1.5 - 0.5 * x * y * y)
    return y


def _unpack6(w):
    out = []
    hi = jnp.int32(-65536)
    for k in range(3):
        out.append(plsc.bitcast(lax.shift_left(w[k], 16), jnp.float32))
        out.append(plsc.bitcast(w[k] & hi, jnp.float32))
    return out


def _sc_body(tx_hbm, te_hbm, row_hbm, col_hbm, par_hbm,
             attr_out,
             tx_v, te_v, ir0, ir1, ic0, ic1, par_v,
             a0, a1,
             si0, si1, so0, so1):
    cid = lax.axis_index("c")
    sid = lax.axis_index("s")
    wid = sid * 2 + cid

    pltpu.sync_copy(tx_hbm, tx_v)
    pltpu.sync_copy(te_hbm, te_v)
    pltpu.sync_copy(par_hbm, par_v)
    iota = lax.broadcasted_iota(jnp.int32, (16,), 0)
    bb = [par_v[pl.ds(16 * j, 16)] for j in range(_D)]
    irs, ics = (ir0, ir1), (ic0, ic1)
    ats = (a0, a1)
    sis, sos = (si0, si1), (so0, so1)

    def issue_in(t, b):
        c = wid + _NW * t

        @pl.when(c < _NCHUNK)
        def _():
            base = c * _CH
            pltpu.async_copy(row_hbm.at[pl.ds(base, _CH)], irs[b], sis[b])
            pltpu.async_copy(col_hbm.at[pl.ds(base, _CH)], ics[b], sis[b])

    def wait_in(b):
        pltpu.make_async_copy(row_hbm.at[pl.ds(0, _CH)], irs[b], sis[b]).wait()
        pltpu.make_async_copy(col_hbm.at[pl.ds(0, _CH)], ics[b], sis[b]).wait()

    def drain_out(b):
        pltpu.make_async_copy(ats[b], attr_out.at[pl.ds(0, _OUTW)], sos[b]).wait()

    def compute(b):
        idx_r, idx_c = irs[b], ics[b]
        attr_buf = ats[b]

        @plsc.parallel_loop(0, _CH, step=16, unroll=4)
        def _grp(i0):
            ir = idx_r[pl.ds(i0, 16)]
            ic = idx_c[pl.ds(i0, 16)]
            ir5 = ir * 5
            ic5 = ic * 5
            wx = [plsc.load_gather(tx_v, [ir5 + k]) for k in range(5)]
            we = [plsc.load_gather(te_v, [ic5 + k]) for k in range(5)]
            px = _unpack6(wx)
            pe = _unpack6(we)
            sx = plsc.bitcast(wx[3], jnp.float32)
            qx = plsc.bitcast(wx[4], jnp.float32)
            se = plsc.bitcast(we[3], jnp.float32)
            qe = plsc.bitcast(we[4], jnp.float32)
            mu = (sx + se) * (1.0 / (2 * _F))
            ms = (qx + qe) * (1.0 / (2 * _F))
            r = _rsqrt16(ms - mu * mu + _EPS)
            pos0 = (i0 + iota) * _D
            for j in range(_D):
                z = (px[j] + pe[j]) * r + bb[j]
                sig = 1.0 / (1.0 + jnp.exp(-z))
                plsc.store_scatter(attr_buf, [pos0 + j], sig)

    issue_in(0, 0)
    issue_in(1, 1)

    def outer(T, carry):
        for b in range(2):
            t = 2 * T + b
            c = wid + _NW * t

            @pl.when(c < _NCHUNK)
            def _(b=b, t=t, c=c):
                wait_in(b)

                @pl.when(t >= 2)
                def _():
                    drain_out(b)

                compute(b)
                base = c * _CH
                obase = base * _D
                pltpu.async_copy(ats[b], attr_out.at[pl.ds(obase, _OUTW)], sos[b])
                issue_in(t + 2, b)

        return carry

    lax.fori_loop(0, _TMAX // 2, outer, 0)
    drain_out(0)
    drain_out(1)


def _make_sc_call(interpret=False):
    return pl.kernel(
        _sc_body,
        out_type=jax.ShapeDtypeStruct((_NNZ * _D,), jnp.float32),
        mesh=plsc.VectorSubcoreMesh(
            core_axis_name="c", subcore_axis_name="s",
            num_cores=2, num_subcores=16),
        scratch_types=[
            pltpu.VMEM((_N * 5,), jnp.int32),
            pltpu.VMEM((_N * 5,), jnp.int32),
            pltpu.VMEM((_CH,), jnp.int32),
            pltpu.VMEM((_CH,), jnp.int32),
            pltpu.VMEM((_CH,), jnp.int32),
            pltpu.VMEM((_CH,), jnp.int32),
            pltpu.VMEM((16 * _D,), jnp.float32),
            pltpu.VMEM((_OUTW,), jnp.float32),
            pltpu.VMEM((_OUTW,), jnp.float32),
            pltpu.SemaphoreType.DMA,
            pltpu.SemaphoreType.DMA,
            pltpu.SemaphoreType.DMA,
            pltpu.SemaphoreType.DMA,
        ],
        compiler_params=pltpu.CompilerParams(needs_layout_passes=False),
        interpret=interpret,
    )


def kernel(x, e, hyperedge_index, ln_gamma, ln_beta, W, b):
    n = x.shape[0] // _D
    f = x.shape[1]
    Wg = ln_gamma[:, None] * W
    b2 = ln_beta @ W + b
    wsum = jnp.sum(Wg, axis=0)
    ones = jnp.ones((f, 1), jnp.float32)
    zeros = jnp.zeros((f, 1), jnp.float32)
    zcol = jnp.zeros((f, _D), jnp.float32)
    wx8 = jnp.concatenate([
        jnp.concatenate([Wg[:f] - wsum[None, :] / (2 * f), ones, zeros], axis=1),
        jnp.concatenate([zcol, zeros, ones], axis=1)], axis=0)
    we8 = jnp.concatenate([
        jnp.concatenate([Wg[f:] - wsum[None, :] / (2 * f), ones, zeros], axis=1),
        jnp.concatenate([zcol, zeros, ones], axis=1)], axis=0)
    params = jnp.repeat(b2, 16)

    tx = _build_table(x, wx8)
    te = _build_table(e, we8)

    row = hyperedge_index[0]
    col = hyperedge_index[1]
    hidx = _build_hidx(hyperedge_index.reshape(-1, 128)).reshape(2, _NNZ * _D)
    attr = _make_sc_call()(tx, te, row, col, params)
    return hidx, attr

# --- scband reference (transcript-rebuilt; emitter-appended) ---
"""Pipeline reference for scband-sheaf-builder-diag-67980742361298 (READ-ONLY COPY).

The authoritative reference and input builder live on the scoring server;
editing this copy changes nothing except your own understanding.
"""

import jax, jax.numpy as jnp
import numpy as np

D = 6          # args.heads (stalk dim)
F = 256        # args.MLP_hidden
N = 10000      # num_nodes == num_hyperedges
NNZ = 160000   # number of (node, hyperedge) incidences


def setup_inputs(seed: int = 0) -> dict:
    key = jax.random.key(seed)
    k1, k2, k3, k4 = jax.random.split(key, 4)
    x = jax.random.normal(k1, (N * D, F), dtype=jnp.float32)
    e = jax.random.normal(k2, (N * D, F), dtype=jnp.float32)
    hyperedge_index = jax.random.randint(k3, (2, NNZ), 0, N)
    # Learned params: MLP(num_layers=1, Normalization='ln', InputNorm=True):
    # LayerNorm(2F) followed by Linear(2F -> D)
    ln_gamma = jnp.ones((2 * F,), dtype=jnp.float32)
    ln_beta = jnp.zeros((2 * F,), dtype=jnp.float32)
    W = jax.random.normal(k4, (2 * F, D), dtype=jnp.float32) * (1.0 / np.sqrt(2 * F))
    b = jnp.zeros((D,), dtype=jnp.float32)
    return {"x": x, "e": e, "hyperedge_index": hyperedge_index,
            "ln_gamma": ln_gamma, "ln_beta": ln_beta, "W": W, "b": b}


def _layernorm(h, gamma, beta, eps=1e-5):
    mu = h.mean(axis=-1, keepdims=True)
    var = ((h - mu) ** 2).mean(axis=-1, keepdims=True)
    return (h - mu) / jnp.sqrt(var + eps) * gamma + beta


def reference(x, e, hyperedge_index, ln_gamma, ln_beta, W, b):
    d = D
    # torch code derives num_nodes = row.max()+1; with dense random indices this
    # equals x.shape[0] // d, which we use for shape-stability under jit.
    num_nodes = x.shape[0] // d
    num_edges = e.shape[0] // d
    xm = x.reshape(num_nodes, d, -1).mean(axis=1)
    em = e.reshape(num_edges, d, -1).mean(axis=1)
    row = hyperedge_index[0]
    col = hyperedge_index[1]
    # predict_blocks (MLP_var1): gather + concat + LN + Linear + sigmoid
    xs = jnp.take(xm, row, axis=0)
    es = jnp.take(em, col, axis=0)
    h_sheaf = jnp.concatenate([xs, es], axis=-1)
    h_sheaf = _layernorm(h_sheaf, ln_gamma, ln_beta)
    h_sheaf = h_sheaf @ W + b
    h_sheaf = jax.nn.sigmoid(h_sheaf)  # args.sheaf_act == 'sigmoid'
    # expand incidence indices to stalk-dim blocks
    d_range = jnp.arange(d).reshape(1, -1, 1)
    hidx = d * hyperedge_index[:, None, :] + d_range          # [2, d, nnz]
    h_sheaf_index = jnp.transpose(hidx, (0, 2, 1)).reshape(2, -1)  # [2, nnz*d]
    h_sheaf_attributes = h_sheaf.reshape(-1)                  # [nnz*d]
    return (h_sheaf_index, h_sheaf_attributes)

if __name__ == "__main__":
    import jax
    _d = setup_inputs()
    print(jax.jit(kernel)(*tuple(_d.values())))

</pallas_src>

<mosaic_0001>
#map = affine_map<(d0, d1) -> (0)>
module attributes {stable_mosaic.version = 14 : i64} {
  func.func @_sc_body(%arg0: i32, %arg1: i32, %arg2: memref<50000xi32, #tpu.memory_space<hbm>>, %arg3: memref<50000xi32, #tpu.memory_space<hbm>>, %arg4: memref<160000xi32, #tpu.memory_space<hbm>>, %arg5: memref<160000xi32, #tpu.memory_space<hbm>>, %arg6: memref<96xf32, #tpu.memory_space<hbm>>, %arg7: memref<960000xf32, #tpu.memory_space<hbm>>, %arg8: memref<50000xi32, #tpu.memory_space<vmem>>, %arg9: memref<50000xi32, #tpu.memory_space<vmem>>, %arg10: memref<256xi32, #tpu.memory_space<vmem>>, %arg11: memref<256xi32, #tpu.memory_space<vmem>>, %arg12: memref<256xi32, #tpu.memory_space<vmem>>, %arg13: memref<256xi32, #tpu.memory_space<vmem>>, %arg14: memref<96xf32, #tpu.memory_space<vmem>>, %arg15: memref<1536xf32, #tpu.memory_space<vmem>>, %arg16: memref<1536xf32, #tpu.memory_space<vmem>>, %arg17: memref<!tpu.dma_semaphore, #tpu.memory_space<semaphore_mem>>, %arg18: memref<!tpu.dma_semaphore, #tpu.memory_space<semaphore_mem>>, %arg19: memref<!tpu.dma_semaphore, #tpu.memory_space<semaphore_mem>>, %arg20: memref<!tpu.dma_semaphore, #tpu.memory_space<semaphore_mem>>) attributes {dimension_semantics = [#tpu.dimension_semantics<core_parallel>, #tpu.dimension_semantics<subcore_parallel>], iteration_bounds = array<i64: 2, 16>, scalar_prefetch = 0 : i64, scratch_operands = 13 : i64, tpu.core_type = #tpu.core_type<sc_vector_subcore>, window_params = [{transform_indices = #map}, {transform_indices = #map}, {transform_indices = #map}, {transform_indices = #map}, {transform_indices = #map}, {transform_indices = #map}]} {
    %mul3A = arith.constant 2 : i32
    %mul3A_0 = arith.muli %arg1, %mul3A : i32
    %add3A = arith.addi %mul3A_0, %arg0 : i32
    "tpu.region"() ({
      %run_scoped3A = tpu.sem_alloc : memref<!tpu.dma_semaphore, #tpu.memory_space<semaphore_mem>>
      tpu.enqueue_dma source(%arg2 : memref<50000xi32, #tpu.memory_space<hbm>>) target(%arg8 : memref<50000xi32, #tpu.memory_space<vmem>>) target_semaphore(%run_scoped3A : memref<!tpu.dma_semaphore, #tpu.memory_space<semaphore_mem>>)
      tpu.wait_dma2 semaphore(%run_scoped3A : memref<!tpu.dma_semaphore, #tpu.memory_space<semaphore_mem>>) src(%arg2 : memref<50000xi32, #tpu.memory_space<hbm>>) dst(%arg8 : memref<50000xi32, #tpu.memory_space<vmem>>)
      tpu.yield
    }) : () -> ()
    "tpu.region"() ({
      %run_scoped3A = tpu.sem_alloc : memref<!tpu.dma_semaphore, #tpu.memory_space<semaphore_mem>>
      tpu.enqueue_dma source(%arg3 : memref<50000xi32, #tpu.memory_space<hbm>>) target(%arg9 : memref<50000xi32, #tpu.memory_space<vmem>>) target_semaphore(%run_scoped3A : memref<!tpu.dma_semaphore, #tpu.memory_space<semaphore_mem>>)
      tpu.wait_dma2 semaphore(%run_scoped3A : memref<!tpu.dma_semaphore, #tpu.memory_space<semaphore_mem>>) src(%arg3 : memref<50000xi32, #tpu.memory_space<hbm>>) dst(%arg9 : memref<50000xi32, #tpu.memory_space<vmem>>)
      tpu.yield
    }) : () -> ()
    "tpu.region"() ({
      %run_scoped3A = tpu.sem_alloc : memref<!tpu.dma_semaphore, #tpu.memory_space<semaphore_mem>>
      tpu.enqueue_dma source(%arg6 : memref<96xf32, #tpu.memory_space<hbm>>) target(%arg14 : memref<96xf32, #tpu.memory_space<vmem>>) target_semaphore(%run_scoped3A : memref<!tpu.dma_semaphore, #tpu.memory_space<semaphore_mem>>)
      tpu.wait_dma2 semaphore(%run_scoped3A : memref<!tpu.dma_semaphore, #tpu.memory_space<semaphore_mem>>) src(%arg6 : memref<96xf32, #tpu.memory_space<hbm>>) dst(%arg14 : memref<96xf32, #tpu.memory_space<vmem>>)
      tpu.yield
    }) : () -> ()
    %iota3A = tpu.iota {dimensions = array<i32: 0>} : vector<16xi32>
    %get3A = arith.constant 0 : index
    %get3A_1 = tpu.vector_load %arg14[%get3A] {strides = array<i32>} : memref<96xf32, #tpu.memory_space<vmem>>, vector<16xf32>,
    %get3A_2 = arith.constant 16 : index
    %get3A_3 = tpu.vector_load %arg14[%get3A_2] {strides = array<i32>} : memref<96xf32, #tpu.memory_space<vmem>>, vector<16xf32>,
    %get3A_4 = arith.constant 32 : index
    %get3A_5 = tpu.vector_load %arg14[%get3A_4] {strides = array<i32>} : memref<96xf32, #tpu.memory_space<vmem>>, vector<16xf32>,
    %get3A_6 = arith.constant 48 : index
    %get3A_7 = tpu.vector_load %arg14[%get3A_6] {strides = array<i32>} : memref<96xf32, #tpu.memory_space<vmem>>, vector<16xf32>,
    %get3A_8 = arith.constant 64 : index
    %get3A_9 = tpu.vector_load %arg14[%get3A_8] {strides = array<i32>} : memref<96xf32, #tpu.memory_space<vmem>>, vector<16xf32>,
    %get3A_10 = arith.constant 80 : index
    %get3A_11 = tpu.vector_load %arg14[%get3A_10] {strides = array<i32>} : memref<96xf32, #tpu.memory_space<vmem>>, vector<16xf32>,
    %add3A_12 = arith.constant 0 : i32
    %add3A_13 = arith.addi %add3A, %add3A_12 : i32
    %lt3A = arith.constant 625 : i32
    %lt3A_14 = arith.cmpi slt, %add3A_13, %lt3A : i32
    %convert_element_type3A = arith.extui %lt3A_14 : i1 to i32
    %cond3A = arith.constant 0 : i32
    %cond3A_15 = arith.cmpi ne, %convert_element_type3A, %cond3A : i32
    scf.if %cond3A_15 {
      %mul3A_35 = arith.constant 256 : i32
      %mul3A_36 = arith.muli %add3A_13, %mul3A_35 : i32
      %dma_start3A = tpu.memref_slice %arg4[%mul3A_36] : memref<160000xi32, #tpu.memory_space<hbm>> -> memref<256xi32, #tpu.memory_space<hbm>>
      %dma_start3A_37 = tpu.memref_slice %arg4[%mul3A_36] : memref<160000xi32, #tpu.memory_space<hbm>> -> memref<256xi32, #tpu.memory_space<hbm>>
      tpu.enqueue_dma source(%dma_start3A_37 : memref<256xi32, #tpu.memory_space<hbm>>) target(%arg10 : memref<256xi32, #tpu.memory_space<vmem>>) target_semaphore(%arg17 : memref<!tpu.dma_semaphore, #tpu.memory_space<semaphore_mem>>)
      %dma_start3A_38 = tpu.memref_slice %arg5[%mul3A_36] : memref<160000xi32, #tpu.memory_space<hbm>> -> memref<256xi32, #tpu.memory_space<hbm>>
      %dma_start3A_39 = tpu.memref_slice %arg5[%mul3A_36] : memref<160000xi32, #tpu.memory_space<hbm>> -> memref<256xi32, #tpu.memory_space<hbm>>
      tpu.enqueue_dma source(%dma_start3A_39 : memref<256xi32, #tpu.memory_space<hbm>>) target(%arg12 : memref<256xi32, #tpu.memory_space<vmem>>) target_semaphore(%arg17 : memref<!tpu.dma_semaphore, #tpu.memory_space<semaphore_mem>>)
    } else {
    }
    %add3A_16 = arith.constant 32 : i32
    %add3A_17 = arith.addi %add3A, %add3A_16 : i32
    %lt3A_18 = arith.constant 625 : i32
    %lt3A_19 = arith.cmpi slt, %add3A_17, %lt3A_18 : i32
    %convert_element_type3A_20 = arith.extui %lt3A_19 : i1 to i32
    %cond3A_21 = arith.constant 0 : i32
    %cond3A_22 = arith.cmpi ne, %convert_element_type3A_20, %cond3A_21 : i32
    scf.if %cond3A_22 {
      %mul3A_35 = arith.constant 256 : i32
      %mul3A_36 = arith.muli %add3A_17, %mul3A_35 : i32
      %dma_start3A = tpu.memref_slice %arg4[%mul3A_36] : memref<160000xi32, #tpu.memory_space<hbm>> -> memref<256xi32, #tpu.memory_space<hbm>>
      %dma_start3A_37 = tpu.memref_slice %arg4[%mul3A_36] : memref<160000xi32, #tpu.memory_space<hbm>> -> memref<256xi32, #tpu.memory_space<hbm>>
      tpu.enqueue_dma source(%dma_start3A_37 : memref<256xi32, #tpu.memory_space<hbm>>) target(%arg11 : memref<256xi32, #tpu.memory_space<vmem>>) target_semaphore(%arg18 : memref<!tpu.dma_semaphore, #tpu.memory_space<semaphore_mem>>)
      %dma_start3A_38 = tpu.memref_slice %arg5[%mul3A_36] : memref<160000xi32, #tpu.memory_space<hbm>> -> memref<256xi32, #tpu.memory_space<hbm>>
      %dma_start3A_39 = tpu.memref_slice %arg5[%mul3A_36] : memref<160000xi32, #tpu.memory_space<hbm>> -> memref<256xi32, #tpu.memory_space<hbm>>
      tpu.enqueue_dma source(%dma_start3A_39 : memref<256xi32, #tpu.memory_space<hbm>>) target(%arg13 : memref<256xi32, #tpu.memory_space<vmem>>) target_semaphore(%arg18 : memref<!tpu.dma_semaphore, #tpu.memory_space<semaphore_mem>>)
    } else {
    }
    %scan3A = arith.constant 0 : i32
    %scan3A_23 = arith.constant 0 : i32
    %scan3A_24 = arith.constant 10 : i32
    %scan3A_25 = arith.addi %scan3A_23, %scan3A_24 : i32
    %scan3A_26 = arith.constant 1 : i32
    scf.for %scan3A_35 = %scan3A_23 to %scan3A_25 step %scan3A_26  : i32 {
      %mul3A_36 = arith.constant 2 : i32
      %mul3A_37 = arith.muli %mul3A_36, %scan3A_35 : i32
      %add3A_38 = arith.constant 0 : i32
      %add3A_39 = arith.addi %mul3A_37, %add3A_38 : i32
      %mul3A_40 = arith.constant 32 : i32
      %mul3A_41 = arith.muli %mul3A_40, %add3A_39 : i32
      %add3A_42 = arith.addi %add3A, %mul3A_41 : i32
      %lt3A_43 = arith.constant 625 : i32
      %lt3A_44 = arith.cmpi slt, %add3A_42, %lt3A_43 : i32
      %convert_element_type3A_45 = arith.extui %lt3A_44 : i1 to i32
      %cond3A_46 = arith.constant 0 : i32
      %cond3A_47 = arith.cmpi ne, %convert_element_type3A_45, %cond3A_46 : i32
      scf.if %cond3A_47 {
        %dma_wait3A_60 = arith.constant 0 : i32
        %dma_wait3A_61 = tpu.memref_slice %arg4[%dma_wait3A_60] : memref<160000xi32, #tpu.memory_space<hbm>> -> memref<256xi32, #tpu.memory_space<hbm>>
        %dma_wait3A_62 = arith.constant 0 : i32
        %dma_wait3A_63 = tpu.memref_slice %arg4[%dma_wait3A_62] : memref<160000xi32, #tpu.memory_space<hbm>> -> memref<256xi32, #tpu.memory_space<hbm>>
        tpu.wait_dma2 semaphore(%arg17 : memref<!tpu.dma_semaphore, #tpu.memory_space<semaphore_mem>>) src(%dma_wait3A_63 : memref<256xi32, #tpu.memory_space<hbm>>) dst(%arg10 : memref<256xi32, #tpu.memory_space<vmem>>)
        %dma_wait3A_64 = arith.constant 0 : i32
        %dma_wait3A_65 = tpu.memref_slice %arg5[%dma_wait3A_64] : memref<160000xi32, #tpu.memory_space<hbm>> -> memref<256xi32, #tpu.memory_space<hbm>>
        %dma_wait3A_66 = arith.constant 0 : i32
        %dma_wait3A_67 = tpu.memref_slice %arg5[%dma_wait3A_66] : memref<160000xi32, #tpu.memory_space<hbm>> -> memref<256xi32, #tpu.memory_space<hbm>>
        tpu.wait_dma2 semaphore(%arg17 : memref<!tpu.dma_semaphore, #tpu.memory_space<semaphore_mem>>) src(%dma_wait3A_67 : memref<256xi32, #tpu.memory_space<hbm>>) dst(%arg12 : memref<256xi32, #tpu.memory_space<vmem>>)
        %ge3A = arith.constant 2 : i32
        %ge3A_68 = arith.cmpi sge, %add3A_39, %ge3A : i32
        %convert_element_type3A_69 = arith.extui %ge3A_68 : i1 to i32
        %cond3A_70 = arith.constant 0 : i32
        %cond3A_71 = arith.cmpi ne, %convert_element_type3A_69, %cond3A_70 : i32
        scf.if %cond3A_71 {
          %dma_wait3A_89 = arith.constant 0 : i32
          %dma_wait3A_90 = tpu.memref_slice %arg7[%dma_wait3A_89] : memref<960000xf32, #tpu.memory_space<hbm>> -> memref<1536xf32, #tpu.memory_space<hbm>>
          %dma_wait3A_91 = arith.constant 0 : i32
          %dma_wait3A_92 = tpu.memref_slice %arg7[%dma_wait3A_91] : memref<960000xf32, #tpu.memory_space<hbm>> -> memref<1536xf32, #tpu.memory_space<hbm>>
          tpu.wait_dma2 semaphore(%arg19 : memref<!tpu.dma_semaphore, #tpu.memory_space<semaphore_mem>>) src(%arg15 : memref<1536xf32, #tpu.memory_space<vmem>>) dst(%dma_wait3A_92 : memref<1536xf32, #tpu.memory_space<hbm>>)
        } else {
        }
        %parallel_loop3A = arith.constant 0 : i32
        %parallel_loop3A_72 = arith.constant 256 : i32
        %parallel_loop3A_73 = arith.constant 16 : i32
        scf.for %parallel_loop3A_89 = %parallel_loop3A to %parallel_loop3A_72 step %parallel_loop3A_73  : i32 {
          %parallel_loop3A_90 = arith.index_cast %parallel_loop3A_89 : i32 to index
          %parallel_loop3A_91 = tpu.vector_load %arg10[%parallel_loop3A_90] {strides = array<i32>} : memref<256xi32, #tpu.memory_space<vmem>>, vector<16xi32>,
          %parallel_loop3A_92 = arith.index_cast %parallel_loop3A_89 : i32 to index
          %parallel_loop3A_93 = tpu.vector_load %arg12[%parallel_loop3A_92] {strides = array<i32>} : memref<256xi32, #tpu.memory_space<vmem>>, vector<16xi32>,
          %parallel_loop3A_94 = arith.constant 5 : i32
          %parallel_loop3A_95 = vector.broadcast %parallel_loop3A_94 : i32 to vector<16xi32>
          %parallel_loop3A_96 = arith.muli %parallel_loop3A_91, %parallel_loop3A_95 : vector<16xi32>
          %parallel_loop3A_97 = arith.constant 5 : i32
          %parallel_loop3A_98 = vector.broadcast %parallel_loop3A_97 : i32 to vector<16xi32>
          %parallel_loop3A_99 = arith.muli %parallel_loop3A_93, %parallel_loop3A_98 : vector<16xi32>
          %parallel_loop3A_100 = arith.constant 0 : i32
          %parallel_loop3A_101 = vector.broadcast %parallel_loop3A_100 : i32 to vector<16xi32>
          %parallel_loop3A_102 = arith.addi %parallel_loop3A_96, %parallel_loop3A_101 : vector<16xi32>
          %parallel_loop3A_103 = tpu.vector_load_idx %arg8[%parallel_loop3A_102] : memref<50000xi32, #tpu.memory_space<vmem>>[vector<16xi32>], vector<16xi32>,
          %parallel_loop3A_104 = arith.constant 1 : i32
          %parallel_loop3A_105 = vector.broadcast %parallel_loop3A_104 : i32 to vector<16xi32>
          %parallel_loop3A_106 = arith.addi %parallel_loop3A_96, %parallel_loop3A_105 : vector<16xi32>
          %parallel_loop3A_107 = tpu.vector_load_idx %arg8[%parallel_loop3A_106] : memref<50000xi32, #tpu.memory_space<vmem>>[vector<16xi32>], vector<16xi32>,
          %parallel_loop3A_108 = arith.constant 2 : i32
          %parallel_loop3A_109 = vector.broadcast %parallel_loop3A_108 : i32 to vector<16xi32>
          %parallel_loop3A_110 = arith.addi %parallel_loop3A_96, %parallel_loop3A_109 : vector<16xi32>
          %parallel_loop3A_111 = tpu.vector_load_idx %arg8[%parallel_loop3A_110] : memref<50000xi32, #tpu.memory_space<vmem>>[vector<16xi32>], vector<16xi32>,
          %parallel_loop3A_112 = arith.constant 3 : i32
          %parallel_loop3A_113 = vector.broadcast %parallel_loop3A_112 : i32 to vector<16xi32>
          %parallel_loop3A_114 = arith.addi %parallel_loop3A_96, %parallel_loop3A_113 : vector<16xi32>
          %parallel_loop3A_115 = tpu.vector_load_idx %arg8[%parallel_loop3A_114] : memref<50000xi32, #tpu.memory_space<vmem>>[vector<16xi32>], vector<16xi32>,
          %parallel_loop3A_116 = arith.constant 4 : i32
          %parallel_loop3A_117 = vector.broadcast %parallel_loop3A_116 : i32 to vector<16xi32>
          %parallel_loop3A_118 = arith.addi %parallel_loop3A_96, %parallel_loop3A_117 : vector<16xi32>
          %parallel_loop3A_119 = tpu.vector_load_idx %arg8[%parallel_loop3A_118] : memref<50000xi32, #tpu.memory_space<vmem>>[vector<16xi32>], vector<16xi32>,
          %parallel_loop3A_120 = arith.constant 0 : i32
          %parallel_loop3A_121 = vector.broadcast %parallel_loop3A_120 : i32 to vector<16xi32>
          %parallel_loop3A_122 = arith.addi %parallel_loop3A_99, %parallel_loop3A_121 : vector<16xi32>
          %parallel_loop3A_123 = tpu.vector_load_idx %arg9[%parallel_loop3A_122] : memref<50000xi32, #tpu.memory_space<vmem>>[vector<16xi32>], vector<16xi32>,
          %parallel_loop3A_124 = arith.constant 1 : i32
          %parallel_loop3A_125 = vector.broadcast %parallel_loop3A_124 : i32 to vector<16xi32>
          %parallel_loop3A_126 = arith.addi %parallel_loop3A_99, %parallel_loop3A_125 : vector<16xi32>
          %parallel_loop3A_127 = tpu.vector_load_idx %arg9[%parallel_loop3A_126] : memref<50000xi32, #tpu.memory_space<vmem>>[vector<16xi32>], vector<16xi32>,
          %parallel_loop3A_128 = arith.constant 2 : i32
          %parallel_loop3A_129 = vector.broadcast %parallel_loop3A_128 : i32 to vector<16xi32>
          %parallel_loop3A_130 = arith.addi %parallel_loop3A_99, %parallel_loop3A_129 : vector<16xi32>
          %parallel_loop3A_131 = tpu.vector_load_idx %arg9[%parallel_loop3A_130] : memref<50000xi32, #tpu.memory_space<vmem>>[vector<16xi32>], vector<16xi32>,
          %parallel_loop3A_132 = arith.constant 3 : i32
          %parallel_loop3A_133 = vector.broadcast %parallel_loop3A_132 : i32 to vector<16xi32>
          %parallel_loop3A_134 = arith.addi %parallel_loop3A_99, %parallel_loop3A_133 : vector<16xi32>
          %parallel_loop3A_135 = tpu.vector_load_idx %arg9[%parallel_loop3A_134] : memref<50000xi32, #tpu.memory_space<vmem>>[vector<16xi32>], vector<16xi32>,
          %parallel_loop3A_136 = arith.constant 4 : i32
          %parallel_loop3A_137 = vector.broadcast %parallel_loop3A_136 : i32 to vector<16xi32>
          %parallel_loop3A_138 = arith.addi %parallel_loop3A_99, %parallel_loop3A_137 : vector<16xi32>
          %parallel_loop3A_139 = tpu.vector_load_idx %arg9[%parallel_loop3A_138] : memref<50000xi32, #tpu.memory_space<vmem>>[vector<16xi32>], vector<16xi32>,
          %parallel_loop3A_140 = arith.constant 16 : i32
          %parallel_loop3A_141 = vector.broadcast %parallel_loop3A_140 : i32 to vector<16xi32>
          %parallel_loop3A_142 = arith.shli %parallel_loop3A_103, %parallel_loop3A_141 : vector<16xi32>
          %parallel_loop3A_143 = vector.bitcast %parallel_loop3A_142 : vector<16xi32> to vector<16xf32>
          %parallel_loop3A_144 = arith.constant -65536 : i32
          %parallel_loop3A_145 = vector.broadcast %parallel_loop3A_144 : i32 to vector<16xi32>
          %parallel_loop3A_146 = arith.andi %parallel_loop3A_103, %parallel_loop3A_145 : vector<16xi32>
          %parallel_loop3A_147 = vector.bitcast %parallel_loop3A_146 : vector<16xi32> to vector<16xf32>
          %parallel_loop3A_148 = arith.constant 16 : i32
          %parallel_loop3A_149 = vector.broadcast %parallel_loop3A_148 : i32 to vector<16xi32>
          %parallel_loop3A_150 = arith.shli %parallel_loop3A_107, %parallel_loop3A_149 : vector<16xi32>
          %parallel_loop3A_151 = vector.bitcast %parallel_loop3A_150 : vector<16xi32> to vector<16xf32>
          %parallel_loop3A_152 = arith.constant -65536 : i32
          %parallel_loop3A_153 = vector.broadcast %parallel_loop3A_152 : i32 to vector<16xi32>
          %parallel_loop3A_154 = arith.andi %parallel_loop3A_107, %parallel_loop3A_153 : vector<16xi32>
          %parallel_loop3A_155 = vector.bitcast %parallel_loop3A_154 : vector<16xi32> to vector<16xf32>
          %parallel_loop3A_156 = arith.constant 16 : i32
          %parallel_loop3A_157 = vector.broadcast %parallel_loop3A_156 : i32 to vector<16xi32>
          %parallel_loop3A_158 = arith.shli %parallel_loop3A_111, %parallel_loop3A_157 : vector<16xi32>
          %parallel_loop3A_159 = vector.bitcast %parallel_loop3A_158 : vector<16xi32> to vector<16xf32>
          %parallel_loop3A_160 = arith.constant -65536 : i32
          %parallel_loop3A_161 = vector.broadcast %parallel_loop3A_160 : i32 to vector<16xi32>
          %parallel_loop3A_162 = arith.andi %parallel_loop3A_111, %parallel_loop3A_161 : vector<16xi32>
          %parallel_loop3A_163 = vector.bitcast %parallel_loop3A_162 : vector<16xi32> to vector<16xf32>
          %parallel_loop3A_164 = arith.constant 16 : i32
          %parallel_loop3A_165 = vector.broadcast %parallel_loop3A_164 : i32 to vector<16xi32>
          %parallel_loop3A_166 = arith.shli %parallel_loop3A_123, %parallel_loop3A_165 : vector<16xi32>
          %parallel_loop3A_167 = vector.bitcast %parallel_loop3A_166 : vector<16xi32> to vector<16xf32>
          %parallel_loop3A_168 = arith.constant -65536 : i32
          %parallel_loop3A_169 = vector.broadcast %parallel_loop3A_168 : i32 to vector<16xi32>
          %parallel_loop3A_170 = arith.andi %parallel_loop3A_123, %parallel_loop3A_169 : vector<16xi32>
          %parallel_loop3A_171 = vector.bitcast %parallel_loop3A_170 : vector<16xi32> to vector<16xf32>
          %parallel_loop3A_172 = arith.constant 16 : i32
          %parallel_loop3A_173 = vector.broadcast %parallel_loop3A_172 : i32 to vector<16xi32>
          %parallel_loop3A_174 = arith.shli %parallel_loop3A_127, %parallel_loop3A_173 : vector<16xi32>
          %parallel_loop3A_175 = vector.bitcast %parallel_loop3A_174 : vector<16xi32> to vector<16xf32>
          %parallel_loop3A_176 = arith.constant -65536 : i32
          %parallel_loop3A_177 = vector.broadcast %parallel_loop3A_176 : i32 to vector<16xi32>
          %parallel_loop3A_178 = arith.andi %parallel_loop3A_127, %parallel_loop3A_177 : vector<16xi32>
          %parallel_loop3A_179 = vector.bitcast %parallel_loop3A_178 : vector<16xi32> to vector<16xf32>
          %parallel_loop3A_180 = arith.constant 16 : i32
          %parallel_loop3A_181 = vector.broadcast %parallel_loop3A_180 : i32 to vector<16xi32>
          %parallel_loop3A_182 = arith.shli %parallel_loop3A_131, %parallel_loop3A_181 : vector<16xi32>
          %parallel_loop3A_183 = vector.bitcast %parallel_loop3A_182 : vector<16xi32> to vector<16xf32>
          %parallel_loop3A_184 = arith.constant -65536 : i32
          %parallel_loop3A_185 = vector.broadcast %parallel_loop3A_184 : i32 to vector<16xi32>
          %parallel_loop3A_186 = arith.andi %parallel_loop3A_131, %parallel_loop3A_185 : vector<16xi32>
          %parallel_loop3A_187 = vector.bitcast %parallel_loop3A_186 : vector<16xi32> to vector<16xf32>
          %parallel_loop3A_188 = vector.bitcast %parallel_loop3A_115 : vector<16xi32> to vector<16xf32>
          %parallel_loop3A_189 = vector.bitcast %parallel_loop3A_119 : vector<16xi32> to vector<16xf32>
          %parallel_loop3A_190 = vector.bitcast %parallel_loop3A_135 : vector<16xi32> to vector<16xf32>
          %parallel_loop3A_191 = vector.bitcast %parallel_loop3A_139 : vector<16xi32> to vector<16xf32>
          %parallel_loop3A_192 = arith.addf %parallel_loop3A_188, %parallel_loop3A_190 : vector<16xf32>
          %parallel_loop3A_193 = arith.constant 0.001953125 : f32
          %parallel_loop3A_194 = vector.broadcast %parallel_loop3A_193 : f32 to vector<16xf32>
          %parallel_loop3A_195 = arith.mulf %parallel_loop3A_192, %parallel_loop3A_194 : vector<16xf32>
          %parallel_loop3A_196 = arith.addf %parallel_loop3A_189, %parallel_loop3A_191 : vector<16xf32>
          %parallel_loop3A_197 = arith.constant 0.001953125 : f32
          %parallel_loop3A_198 = vector.broadcast %parallel_loop3A_197 : f32 to vector<16xf32>
          %parallel_loop3A_199 = arith.mulf %parallel_loop3A_196, %parallel_loop3A_198 : vector<16xf32>
          %parallel_loop3A_200 = arith.mulf %parallel_loop3A_195, %parallel_loop3A_195 : vector<16xf32>
          %parallel_loop3A_201 = arith.subf %parallel_loop3A_199, %parallel_loop3A_200 : vector<16xf32>
          %parallel_loop3A_202 = arith.constant 9.99999974E-6 : f32
          %parallel_loop3A_203 = vector.broadcast %parallel_loop3A_202 : f32 to vector<16xf32>
          %parallel_loop3A_204 = arith.addf %parallel_loop3A_201, %parallel_loop3A_203 : vector<16xf32>
          %parallel_loop3A_205 = vector.bitcast %parallel_loop3A_204 : vector<16xf32> to vector<16xi32>
          %parallel_loop3A_206 = arith.constant 1 : i32
          %parallel_loop3A_207 = vector.broadcast %parallel_loop3A_206 : i32 to vector<16xi32>
          %parallel_loop3A_208 = arith.shrui %parallel_loop3A_205, %parallel_loop3A_207 : vector<16xi32>
          %parallel_loop3A_209 = arith.constant 1597463007 : i32
          %parallel_loop3A_210 = vector.broadcast %parallel_loop3A_209 : i32 to vector<16xi32>
          %parallel_loop3A_211 = arith.subi %parallel_loop3A_210, %parallel_loop3A_208 : vector<16xi32>
          %parallel_loop3A_212 = vector.bitcast %parallel_loop3A_211 : vector<16xi32> to vector<16xf32>
          %parallel_loop3A_213 = arith.constant 5.000000e-01 : f32
          %parallel_loop3A_214 = vector.broadcast %parallel_loop3A_213 : f32 to vector<16xf32>
          %parallel_loop3A_215 = arith.mulf %parallel_loop3A_214, %parallel_loop3A_204 : vector<16xf32>
          %parallel_loop3A_216 = arith.mulf %parallel_loop3A_215, %parallel_loop3A_212 : vector<16xf32>
          %parallel_loop3A_217 = arith.mulf %parallel_loop3A_216, %parallel_loop3A_212 : vector<16xf32>
          %parallel_loop3A_218 = arith.constant 1.500000e+00 : f32
          %parallel_loop3A_219 = vector.broadcast %parallel_loop3A_218 : f32 to vector<16xf32>
          %parallel_loop3A_220 = arith.subf %parallel_loop3A_219, %parallel_loop3A_217 : vector<16xf32>
          %parallel_loop3A_221 = arith.mulf %parallel_loop3A_212, %parallel_loop3A_220 : vector<16xf32>
          %parallel_loop3A_222 = arith.constant 5.000000e-01 : f32
          %parallel_loop3A_223 = vector.broadcast %parallel_loop3A_222 : f32 to vector<16xf32>
          %parallel_loop3A_224 = arith.mulf %parallel_loop3A_223, %parallel_loop3A_204 : vector<16xf32>
          %parallel_loop3A_225 = arith.mulf %parallel_loop3A_224, %parallel_loop3A_221 : vector<16xf32>
          %parallel_loop3A_226 = arith.mulf %parallel_loop3A_225, %parallel_loop3A_221 : vector<16xf32>
          %parallel_loop3A_227 = arith.constant 1.500000e+00 : f32
          %parallel_loop3A_228 = vector.broadcast %parallel_loop3A_227 : f32 to vector<16xf32>
          %parallel_loop3A_229 = arith.subf %parallel_loop3A_228, %parallel_loop3A_226 : vector<16xf32>
          %parallel_loop3A_230 = arith.mulf %parallel_loop3A_221, %parallel_loop3A_229 : vector<16xf32>
          %parallel_loop3A_231 = arith.constant 5.000000e-01 : f32
          %parallel_loop3A_232 = vector.broadcast %parallel_loop3A_231 : f32 to vector<16xf32>
          %parallel_loop3A_233 = arith.mulf %parallel_loop3A_232, %parallel_loop3A_204 : vector<16xf32>
          %parallel_loop3A_234 = arith.mulf %parallel_loop3A_233, %parallel_loop3A_230 : vector<16xf32>
          %parallel_loop3A_235 = arith.mulf %parallel_loop3A_234, %parallel_loop3A_230 : vector<16xf32>
          %parallel_loop3A_236 = arith.constant 1.500000e+00 : f32
          %parallel_loop3A_237 = vector.broadcast %parallel_loop3A_236 : f32 to vector<16xf32>
          %parallel_loop3A_238 = arith.subf %parallel_loop3A_237, %parallel_loop3A_235 : vector<16xf32>
          %parallel_loop3A_239 = arith.mulf %parallel_loop3A_230, %parallel_loop3A_238 : vector<16xf32>
          %parallel_loop3A_240 = vector.broadcast %parallel_loop3A_89 : i32 to vector<16xi32>
          %parallel_loop3A_241 = arith.addi %parallel_loop3A_240, %iota3A : vector<16xi32>
          %parallel_loop3A_242 = arith.constant 6 : i32
          %parallel_loop3A_243 = vector.broadcast %parallel_loop3A_242 : i32 to vector<16xi32>
          %parallel_loop3A_244 = arith.muli %parallel_loop3A_241, %parallel_loop3A_243 : vector<16xi32>
          %parallel_loop3A_245 = arith.addf %parallel_loop3A_143, %parallel_loop3A_167 : vector<16xf32>
          %parallel_loop3A_246 = arith.mulf %parallel_loop3A_245, %parallel_loop3A_239 : vector<16xf32>
          %parallel_loop3A_247 = arith.addf %parallel_loop3A_246, %get3A_1 : vector<16xf32>
          %parallel_loop3A_248 = arith.constant 0.000000e+00 : f32
          %parallel_loop3A_249 = vector.broadcast %parallel_loop3A_248 : f32 to vector<16xf32>
          %parallel_loop3A_250 = arith.subf %parallel_loop3A_249, %parallel_loop3A_247 : vector<16xf32>
          %parallel_loop3A_251 = math.exp %parallel_loop3A_250 : vector<16xf32>
          %parallel_loop3A_252 = arith.constant 1.000000e+00 : f32
          %parallel_loop3A_253 = vector.broadcast %parallel_loop3A_252 : f32 to vector<16xf32>
          %parallel_loop3A_254 = arith.addf %parallel_loop3A_253, %parallel_loop3A_251 : vector<16xf32>
          %parallel_loop3A_255 = arith.constant 1.000000e+00 : f32
          %parallel_loop3A_256 = vector.broadcast %parallel_loop3A_255 : f32 to vector<16xf32>
          %parallel_loop3A_257 = arith.divf %parallel_loop3A_256, %parallel_loop3A_254 : vector<16xf32>
          %parallel_loop3A_258 = arith.constant 0 : i32
          %parallel_loop3A_259 = vector.broadcast %parallel_loop3A_258 : i32 to vector<16xi32>
          %parallel_loop3A_260 = arith.addi %parallel_loop3A_244, %parallel_loop3A_259 : vector<16xi32>
          tpu.vector_store_idx %arg15[%parallel_loop3A_260], %parallel_loop3A_257 : memref<1536xf32, #tpu.memory_space<vmem>>[vector<16xi32>], vector<16xf32>,
          %parallel_loop3A_261 = arith.addf %parallel_loop3A_147, %parallel_loop3A_171 : vector<16xf32>
          %parallel_loop3A_262 = arith.mulf %parallel_loop3A_261, %parallel_loop3A_239 : vector<16xf32>
          %parallel_loop3A_263 = arith.addf %parallel_loop3A_262, %get3A_3 : vector<16xf32>
          %parallel_loop3A_264 = arith.constant 0.000000e+00 : f32
          %parallel_loop3A_265 = vector.broadcast %parallel_loop3A_264 : f32 to vector<16xf32>
          %parallel_loop3A_266 = arith.subf %parallel_loop3A_265, %parallel_loop3A_263 : vector<16xf32>
          %parallel_loop3A_267 = math.exp %parallel_loop3A_266 : vector<16xf32>
          %parallel_loop3A_268 = arith.constant 1.000000e+00 : f32
          %parallel_loop3A_269 = vector.broadcast %parallel_loop3A_268 : f32 to vector<16xf32>
          %parallel_loop3A_270 = arith.addf %parallel_loop3A_269, %parallel_loop3A_267 : vector<16xf32>
          %parallel_loop3A_271 = arith.constant 1.000000e+00 : f32
          %parallel_loop3A_272 = vector.broadcast %parallel_loop3A_271 : f32 to vector<16xf32>
          %parallel_loop3A_273 = arith.divf %parallel_loop3A_272, %parallel_loop3A_270 : vector<16xf32>
          %parallel_loop3A_274 = arith.constant 1 : i32
          %parallel_loop3A_275 = vector.broadcast %parallel_loop3A_274 : i32 to vector<16xi32>
          %parallel_loop3A_276 = arith.addi %parallel_loop3A_244, %parallel_loop3A_275 : vector<16xi32>
          tpu.vector_store_idx %arg15[%parallel_loop3A_276], %parallel_loop3A_273 : memref<1536xf32, #tpu.memory_space<vmem>>[vector<16xi32>], vector<16xf32>,
          %parallel_loop3A_277 = arith.addf %parallel_loop3A_151, %parallel_loop3A_175 : vector<16xf32>
          %parallel_loop3A_278 = arith.mulf %parallel_loop3A_277, %parallel_loop3A_239 : vector<16xf32>
          %parallel_loop3A_279 = arith.addf %parallel_loop3A_278, %get3A_5 : vector<16xf32>
          %parallel_loop3A_280 = arith.constant 0.000000e+00 : f32
          %parallel_loop3A_281 = vector.broadcast %parallel_loop3A_280 : f32 to vector<16xf32>
          %parallel_loop3A_282 = arith.subf %parallel_loop3A_281, %parallel_loop3A_279 : vector<16xf32>
          %parallel_loop3A_283 = math.exp %parallel_loop3A_282 : vector<16xf32>
          %parallel_loop3A_284 = arith.constant 1.000000e+00 : f32
          %parallel_loop3A_285 = vector.broadcast %parallel_loop3A_284 : f32 to vector<16xf32>
          %parallel_loop3A_286 = arith.addf %parallel_loop3A_285, %parallel_loop3A_283 : vector<16xf32>
          %parallel_loop3A_287 = arith.constant 1.000000e+00 : f32
          %parallel_loop3A_288 = vector.broadcast %parallel_loop3A_287 : f32 to vector<16xf32>
          %parallel_loop3A_289 = arith.divf %parallel_loop3A_288, %parallel_loop3A_286 : vector<16xf32>
          %parallel_loop3A_290 = arith.constant 2 : i32
          %parallel_loop3A_291 = vector.broadcast %parallel_loop3A_290 : i32 to vector<16xi32>
          %parallel_loop3A_292 = arith.addi %parallel_loop3A_244, %parallel_loop3A_291 : vector<16xi32>
          tpu.vector_store_idx %arg15[%parallel_loop3A_292], %parallel_loop3A_289 : memref<1536xf32, #tpu.memory_space<vmem>>[vector<16xi32>], vector<16xf32>,
          %parallel_loop3A_293 = arith.addf %parallel_loop3A_155, %parallel_loop3A_179 : vector<16xf32>
          %parallel_loop3A_294 = arith.mulf %parallel_loop3A_293, %parallel_loop3A_239 : vector<16xf32>
          %parallel_loop3A_295 = arith.addf %parallel_loop3A_294, %get3A_7 : vector<16xf32>
          %parallel_loop3A_296 = arith.constant 0.000000e+00 : f32
          %parallel_loop3A_297 = vector.broadcast %parallel_loop3A_296 : f32 to vector<16xf32>
          %parallel_loop3A_298 = arith.subf %parallel_loop3A_297, %parallel_loop3A_295 : vector<16xf32>
          %parallel_loop3A_299 = math.exp %parallel_loop3A_298 : vector<16xf32>
          %parallel_loop3A_300 = arith.constant 1.000000e+00 : f32
          %parallel_loop3A_301 = vector.broadcast %parallel_loop3A_300 : f32 to vector<16xf32>
          %parallel_loop3A_302 = arith.addf %parallel_loop3A_301, %parallel_loop3A_299 : vector<16xf32>
          %parallel_loop3A_303 = arith.constant 1.000000e+00 : f32
          %parallel_loop3A_304 = vector.broadcast %parallel_loop3A_303 : f32 to vector<16xf32>
          %parallel_loop3A_305 = arith.divf %parallel_loop3A_304, %parallel_loop3A_302 : vector<16xf32>
          %parallel_loop3A_306 = arith.constant 3 : i32
          %parallel_loop3A_307 = vector.broadcast %parallel_loop3A_306 : i32 to vector<16xi32>
          %parallel_loop3A_308 = arith.addi %parallel_loop3A_244, %parallel_loop3A_307 : vector<16xi32>
          tpu.vector_store_idx %arg15[%parallel_loop3A_308], %parallel_loop3A_305 : memref<1536xf32, #tpu.memory_space<vmem>>[vector<16xi32>], vector<16xf32>,
          %parallel_loop3A_309 = arith.addf %parallel_loop3A_159, %parallel_loop3A_183 : vector<16xf32>
          %parallel_loop3A_310 = arith.mulf %parallel_loop3A_309, %parallel_loop3A_239 : vector<16xf32>
          %parallel_loop3A_311 = arith.addf %parallel_loop3A_310, %get3A_9 : vector<16xf32>
          %parallel_loop3A_312 = arith.constant 0.000000e+00 : f32
          %parallel_loop3A_313 = vector.broadcast %parallel_loop3A_312 : f32 to vector<16xf32>
          %parallel_loop3A_314 = arith.subf %parallel_loop3A_313, %parallel_loop3A_311 : vector<16xf32>
          %parallel_loop3A_315 = math.exp %parallel_loop3A_314 : vector<16xf32>
          %parallel_loop3A_316 = arith.constant 1.000000e+00 : f32
          %parallel_loop3A_317 = vector.broadcast %parallel_loop3A_316 : f32 to vector<16xf32>
          %parallel_loop3A_318 = arith.addf %parallel_loop3A_317, %parallel_loop3A_315 : vector<16xf32>
          %parallel_loop3A_319 = arith.constant 1.000000e+00 : f32
          %parallel_loop3A_320 = vector.broadcast %parallel_loop3A_319 : f32 to vector<16xf32>
          %parallel_loop3A_321 = arith.divf %parallel_loop3A_320, %parallel_loop3A_318 : vector<16xf32>
          %parallel_loop3A_322 = arith.constant 4 : i32
          %parallel_loop3A_323 = vector.broadcast %parallel_loop3A_322 : i32 to vector<16xi32>
          %parallel_loop3A_324 = arith.addi %parallel_loop3A_244, %parallel_loop3A_323 : vector<16xi32>
          tpu.vector_store_idx %arg15[%parallel_loop3A_324], %parallel_loop3A_321 : memref<1536xf32, #tpu.memory_space<vmem>>[vector<16xi32>], vector<16xf32>,
          %parallel_loop3A_325 = arith.addf %parallel_loop3A_163, %parallel_loop3A_187 : vector<16xf32>
          %parallel_loop3A_326 = arith.mulf %parallel_loop3A_325, %parallel_loop3A_239 : vector<16xf32>
          %parallel_loop3A_327 = arith.addf %parallel_loop3A_326, %get3A_11 : vector<16xf32>
          %parallel_loop3A_328 = arith.constant 0.000000e+00 : f32
          %parallel_loop3A_329 = vector.broadcast %parallel_loop3A_328 : f32 to vector<16xf32>
          %parallel_loop3A_330 = arith.subf %parallel_loop3A_329, %parallel_loop3A_327 : vector<16xf32>
          %parallel_loop3A_331 = math.exp %parallel_loop3A_330 : vector<16xf32>
          %parallel_loop3A_332 = arith.constant 1.000000e+00 : f32
          %parallel_loop3A_333 = vector.broadcast %parallel_loop3A_332 : f32 to vector<16xf32>
          %parallel_loop3A_334 = arith.addf %parallel_loop3A_333, %parallel_loop3A_331 : vector<16xf32>
          %parallel_loop3A_335 = arith.constant 1.000000e+00 : f32
          %parallel_loop3A_336 = vector.broadcast %parallel_loop3A_335 : f32 to vector<16xf32>
          %parallel_loop3A_337 = arith.divf %parallel_loop3A_336, %parallel_loop3A_334 : vector<16xf32>
          %parallel_loop3A_338 = arith.constant 5 : i32
          %parallel_loop3A_339 = vector.broadcast %parallel_loop3A_338 : i32 to vector<16xi32>
          %parallel_loop3A_340 = arith.addi %parallel_loop3A_244, %parallel_loop3A_339 : vector<16xi32>
          tpu.vector_store_idx %arg15[%parallel_loop3A_340], %parallel_loop3A_337 : memref<1536xf32, #tpu.memory_space<vmem>>[vector<16xi32>], vector<16xf32>,
        } {sc.loop_unroll_factor = 4 : i64, sc.parallel_access}
        %mul3A_74 = arith.constant 256 : i32
        %mul3A_75 = arith.muli %add3A_42, %mul3A_74 : i32
        %mul3A_76 = arith.constant 6 : i32
        %mul3A_77 = arith.muli %mul3A_75, %mul3A_76 : i32
        %dma_start3A = tpu.memref_slice %arg7[%mul3A_77] : memref<960000xf32, #tpu.memory_space<hbm>> -> memref<1536xf32, #tpu.memory_space<hbm>>
        %dma_start3A_78 = tpu.memref_slice %arg7[%mul3A_77] : memref<960000xf32, #tpu.memory_space<hbm>> -> memref<1536xf32, #tpu.memory_space<hbm>>
        tpu.enqueue_dma source(%arg15 : memref<1536xf32, #tpu.memory_space<vmem>>) target(%dma_start3A_78 : memref<1536xf32, #tpu.memory_space<hbm>>) target_semaphore(%arg19 : memref<!tpu.dma_semaphore, #tpu.memory_space<semaphore_mem>>)
        %add3A_79 = arith.constant 2 : i32
        %add3A_80 = arith.addi %add3A_39, %add3A_79 : i32
        %mul3A_81 = arith.constant 32 : i32
        %mul3A_82 = arith.muli %mul3A_81, %add3A_80 : i32
        %add3A_83 = arith.addi %add3A, %mul3A_82 : i32
        %lt3A_84 = arith.constant 625 : i32
        %lt3A_85 = arith.cmpi slt, %add3A_83, %lt3A_84 : i32
        %convert_element_type3A_86 = arith.extui %lt3A_85 : i1 to i32
        %cond3A_87 = arith.constant 0 : i32
        %cond3A_88 = arith.cmpi ne, %convert_element_type3A_86, %cond3A_87 : i32
        scf.if %cond3A_88 {
          %mul3A_89 = arith.constant 256 : i32
          %mul3A_90 = arith.muli %add3A_83, %mul3A_89 : i32
          %dma_start3A_91 = tpu.memref_slice %arg4[%mul3A_90] : memref<160000xi32, #tpu.memory_space<hbm>> -> memref<256xi32, #tpu.memory_space<hbm>>
          %dma_start3A_92 = tpu.memref_slice %arg4[%mul3A_90] : memref<160000xi32, #tpu.memory_space<hbm>> -> memref<256xi32, #tpu.memory_space<hbm>>
          tpu.enqueue_dma source(%dma_start3A_92 : memref<256xi32, #tpu.memory_space<hbm>>) target(%arg10 : memref<256xi32, #tpu.memory_space<vmem>>) target_semaphore(%arg17 : memref<!tpu.dma_semaphore, #tpu.memory_space<semaphore_mem>>)
          %dma_start3A_93 = tpu.memref_slice %arg5[%mul3A_90] : memref<160000xi32, #tpu.memory_space<hbm>> -> memref<256xi32, #tpu.memory_space<hbm>>
          %dma_start3A_94 = tpu.memref_slice %arg5[%mul3A_90] : memref<160000xi32, #tpu.memory_space<hbm>> -> memref<256xi32, #tpu.memory_space<hbm>>
          tpu.enqueue_dma source(%dma_start3A_94 : memref<256xi32, #tpu.memory_space<hbm>>) target(%arg12 : memref<256xi32, #tpu.memory_space<vmem>>) target_semaphore(%arg17 : memref<!tpu.dma_semaphore, #tpu.memory_space<semaphore_mem>>)
        } else {
        }
      } else {
      }
      %mul3A_48 = arith.constant 2 : i32
      %mul3A_49 = arith.muli %mul3A_48, %scan3A_35 : i32
      %add3A_50 = arith.constant 1 : i32
      %add3A_51 = arith.addi %mul3A_49, %add3A_50 : i32
      %mul3A_52 = arith.constant 32 : i32
      %mul3A_53 = arith.muli %mul3A_52, %add3A_51 : i32
      %add3A_54 = arith.addi %add3A, %mul3A_53 : i32
      %lt3A_55 = arith.constant 625 : i32
      %lt3A_56 = arith.cmpi slt, %add3A_54, %lt3A_55 : i32
      %convert_element_type3A_57 = arith.extui %lt3A_56 : i1 to i32
      %cond3A_58 = arith.constant 0 : i32
      %cond3A_59 = arith.cmpi ne, %convert_element_type3A_57, %cond3A_58 : i32
      scf.if %cond3A_59 {
        %dma_wait3A_60 = arith.constant 0 : i32
        %dma_wait3A_61 = tpu.memref_slice %arg4[%dma_wait3A_60] : memref<160000xi32, #tpu.memory_space<hbm>> -> memref<256xi32, #tpu.memory_space<hbm>>
        %dma_wait3A_62 = arith.constant 0 : i32
        %dma_wait3A_63 = tpu.memref_slice %arg4[%dma_wait3A_62] : memref<160000xi32, #tpu.memory_space<hbm>> -> memref<256xi32, #tpu.memory_space<hbm>>
        tpu.wait_dma2 semaphore(%arg18 : memref<!tpu.dma_semaphore, #tpu.memory_space<semaphore_mem>>) src(%dma_wait3A_63 : memref<256xi32, #tpu.memory_space<hbm>>) dst(%arg11 : memref<256xi32, #tpu.memory_space<vmem>>)
        %dma_wait3A_64 = arith.constant 0 : i32
        %dma_wait3A_65 = tpu.memref_slice %arg5[%dma_wait3A_64] : memref<160000xi32, #tpu.memory_space<hbm>> -> memref<256xi32, #tpu.memory_space<hbm>>
        %dma_wait3A_66 = arith.constant 0 : i32
        %dma_wait3A_67 = tpu.memref_slice %arg5[%dma_wait3A_66] : memref<160000xi32, #tpu.memory_space<hbm>> -> memref<256xi32, #tpu.memory_space<hbm>>
        tpu.wait_dma2 semaphore(%arg18 : memref<!tpu.dma_semaphore, #tpu.memory_space<semaphore_mem>>) src(%dma_wait3A_67 : memref<256xi32, #tpu.memory_space<hbm>>) dst(%arg13 : memref<256xi32, #tpu.memory_space<vmem>>)
        %ge3A = arith.constant 2 : i32
        %ge3A_68 = arith.cmpi sge, %add3A_51, %ge3A : i32
        %convert_element_type3A_69 = arith.extui %ge3A_68 : i1 to i32
        %cond3A_70 = arith.constant 0 : i32
        %cond3A_71 = arith.cmpi ne, %convert_element_type3A_69, %cond3A_70 : i32
        scf.if %cond3A_71 {
          %dma_wait3A_89 = arith.constant 0 : i32
          %dma_wait3A_90 = tpu.memref_slice %arg7[%dma_wait3A_89] : memref<960000xf32, #tpu.memory_space<hbm>> -> memref<1536xf32, #tpu.memory_space<hbm>>
          %dma_wait3A_91 = arith.constant 0 : i32
          %dma_wait3A_92 = tpu.memref_slice %arg7[%dma_wait3A_91] : memref<960000xf32, #tpu.memory_space<hbm>> -> memref<1536xf32, #tpu.memory_space<hbm>>
          tpu.wait_dma2 semaphore(%arg20 : memref<!tpu.dma_semaphore, #tpu.memory_space<semaphore_mem>>) src(%arg16 : memref<1536xf32, #tpu.memory_space<vmem>>) dst(%dma_wait3A_92 : memref<1536xf32, #tpu.memory_space<hbm>>)
        } else {
        }
        %parallel_loop3A = arith.constant 0 : i32
        %parallel_loop3A_72 = arith.constant 256 : i32
        %parallel_loop3A_73 = arith.constant 16 : i32
        scf.for %parallel_loop3A_89 = %parallel_loop3A to %parallel_loop3A_72 step %parallel_loop3A_73  : i32 {
          %parallel_loop3A_90 = arith.index_cast %parallel_loop3A_89 : i32 to index
          %parallel_loop3A_91 = tpu.vector_load %arg11[%parallel_loop3A_90] {strides = array<i32>} : memref<256xi32, #tpu.memory_space<vmem>>, vector<16xi32>,
          %parallel_loop3A_92 = arith.index_cast %parallel_loop3A_89 : i32 to index
          %parallel_loop3A_93 = tpu.vector_load %arg13[%parallel_loop3A_92] {strides = array<i32>} : memref<256xi32, #tpu.memory_space<vmem>>, vector<16xi32>,
          %parallel_loop3A_94 = arith.constant 5 : i32
          %parallel_loop3A_95 = vector.broadcast %parallel_loop3A_94 : i32 to vector<16xi32>
          %parallel_loop3A_96 = arith.muli %parallel_loop3A_91, %parallel_loop3A_95 : vector<16xi32>
          %parallel_loop3A_97 = arith.constant 5 : i32
          %parallel_loop3A_98 = vector.broadcast %parallel_loop3A_97 : i32 to vector<16xi32>
          %parallel_loop3A_99 = arith.muli %parallel_loop3A_93, %parallel_loop3A_98 : vector<16xi32>
          %parallel_loop3A_100 = arith.constant 0 : i32
          %parallel_loop3A_101 = vector.broadcast %parallel_loop3A_100 : i32 to vector<16xi32>
          %parallel_loop3A_102 = arith.addi %parallel_loop3A_96, %parallel_loop3A_101 : vector<16xi32>
          %parallel_loop3A_103 = tpu.vector_load_idx %arg8[%parallel_loop3A_102] : memref<50000xi32, #tpu.memory_space<vmem>>[vector<16xi32>], vector<16xi32>,
          %parallel_loop3A_104 = arith.constant 1 : i32
          %parallel_loop3A_105 = vector.broadcast %parallel_loop3A_104 : i32 to vector<16xi32>
          %parallel_loop3A_106 = arith.addi %parallel_loop3A_96, %parallel_loop3A_105 : vector<16xi32>
          %parallel_loop3A_107 = tpu.vector_load_idx %arg8[%parallel_loop3A_106] : memref<50000xi32, #tpu.memory_space<vmem>>[vector<16xi32>], vector<16xi32>,
          %parallel_loop3A_108 = arith.constant 2 : i32
          %parallel_loop3A_109 = vector.broadcast %parallel_loop3A_108 : i32 to vector<16xi32>
          %parallel_loop3A_110 = arith.addi %parallel_loop3A_96, %parallel_loop3A_109 : vector<16xi32>
          %parallel_loop3A_111 = tpu.vector_load_idx %arg8[%parallel_loop3A_110] : memref<50000xi32, #tpu.memory_space<vmem>>[vector<16xi32>], vector<16xi32>,
          %parallel_loop3A_112 = arith.constant 3 : i32
          %parallel_loop3A_113 = vector.broadcast %parallel_loop3A_112 : i32 to vector<16xi32>
          %parallel_loop3A_114 = arith.addi %parallel_loop3A_96, %parallel_loop3A_113 : vector<16xi32>
          %parallel_loop3A_115 = tpu.vector_load_idx %arg8[%parallel_loop3A_114] : memref<50000xi32, #tpu.memory_space<vmem>>[vector<16xi32>], vector<16xi32>,
          %parallel_loop3A_116 = arith.constant 4 : i32
          %parallel_loop3A_117 = vector.broadcast %parallel_loop3A_116 : i32 to vector<16xi32>
          %parallel_loop3A_118 = arith.addi %parallel_loop3A_96, %parallel_loop3A_117 : vector<16xi32>
          %parallel_loop3A_119 = tpu.vector_load_idx %arg8[%parallel_loop3A_118] : memref<50000xi32, #tpu.memory_space<vmem>>[vector<16xi32>], vector<16xi32>,
          %parallel_loop3A_120 = arith.constant 0 : i32
          %parallel_loop3A_121 = vector.broadcast %parallel_loop3A_120 : i32 to vector<16xi32>
          %parallel_loop3A_122 = arith.addi %parallel_loop3A_99, %parallel_loop3A_121 : vector<16xi32>
          %parallel_loop3A_123 = tpu.vector_load_idx %arg9[%parallel_loop3A_122] : memref<50000xi32, #tpu.memory_space<vmem>>[vector<16xi32>], vector<16xi32>,
          %parallel_loop3A_124 = arith.constant 1 : i32
          %parallel_loop3A_125 = vector.broadcast %parallel_loop3A_124 : i32 to vector<16xi32>
          %parallel_loop3A_126 = arith.addi %parallel_loop3A_99, %parallel_loop3A_125 : vector<16xi32>
          %parallel_loop3A_127 = tpu.vector_load_idx %arg9[%parallel_loop3A_126] : memref<50000xi32, #tpu.memory_space<vmem>>[vector<16xi32>], vector<16xi32>,
          %parallel_loop3A_128 = arith.constant 2 : i32
          %parallel_loop3A_129 = vector.broadcast %parallel_loop3A_128 : i32 to vector<16xi32>
          %parallel_loop3A_130 = arith.addi %parallel_loop3A_99, %parallel_loop3A_129 : vector<16xi32>
          %parallel_loop3A_131 = tpu.vector_load_idx %arg9[%parallel_loop3A_130] : memref<50000xi32, #tpu.memory_space<vmem>>[vector<16xi32>], vector<16xi32>,
          %parallel_loop3A_132 = arith.constant 3 : i32
          %parallel_loop3A_133 = vector.broadcast %parallel_loop3A_132 : i32 to vector<16xi32>
          %parallel_loop3A_134 = arith.addi %parallel_loop3A_99, %parallel_loop3A_133 : vector<16xi32>
          %parallel_loop3A_135 = tpu.vector_load_idx %arg9[%parallel_loop3A_134] : memref<50000xi32, #tpu.memory_space<vmem>>[vector<16xi32>], vector<16xi32>,
          %parallel_loop3A_136 = arith.constant 4 : i32
          %parallel_loop3A_137 = vector.broadcast %parallel_loop3A_136 : i32 to vector<16xi32>
          %parallel_loop3A_138 = arith.addi %parallel_loop3A_99, %parallel_loop3A_137 : vector<16xi32>
          %parallel_loop3A_139 = tpu.vector_load_idx %arg9[%parallel_loop3A_138] : memref<50000xi32, #tpu.memory_space<vmem>>[vector<16xi32>], vector<16xi32>,
          %parallel_loop3A_140 = arith.constant 16 : i32
          %parallel_loop3A_141 = vector.broadcast %parallel_loop3A_140 : i32 to vector<16xi32>
          %parallel_loop3A_142 = arith.shli %parallel_loop3A_103, %parallel_loop3A_141 : vector<16xi32>
          %parallel_loop3A_143 = vector.bitcast %parallel_loop3A_142 : vector<16xi32> to vector<16xf32>
          %parallel_loop3A_144 = arith.constant -65536 : i32
          %parallel_loop3A_145 = vector.broadcast %parallel_loop3A_144 : i32 to vector<16xi32>
          %parallel_loop3A_146 = arith.andi %parallel_loop3A_103, %parallel_loop3A_145 : vector<16xi32>
          %parallel_loop3A_147 = vector.bitcast %parallel_loop3A_146 : vector<16xi32> to vector<16xf32>
          %parallel_loop3A_148 = arith.constant 16 : i32
          %parallel_loop3A_149 = vector.broadcast %parallel_loop3A_148 : i32 to vector<16xi32>
          %parallel_loop3A_150 = arith.shli %parallel_loop3A_107, %parallel_loop3A_149 : vector<16xi32>
          %parallel_loop3A_151 = vector.bitcast %parallel_loop3A_150 : vector<16xi32> to vector<16xf32>
          %parallel_loop3A_152 = arith.constant -65536 : i32
          %parallel_loop3A_153 = vector.broadcast %parallel_loop3A_152 : i32 to vector<16xi32>
          %parallel_loop3A_154 = arith.andi %parallel_loop3A_107, %parallel_loop3A_153 : vector<16xi32>
          %parallel_loop3A_155 = vector.bitcast %parallel_loop3A_154 : vector<16xi32> to vector<16xf32>
          %parallel_loop3A_156 = arith.constant 16 : i32
          %parallel_loop3A_157 = vector.broadcast %parallel_loop3A_156 : i32 to vector<16xi32>
          %parallel_loop3A_158 = arith.shli %parallel_loop3A_111, %parallel_loop3A_157 : vector<16xi32>
          %parallel_loop3A_159 = vector.bitcast %parallel_loop3A_158 : vector<16xi32> to vector<16xf32>
          %parallel_loop3A_160 = arith.constant -65536 : i32
          %parallel_loop3A_161 = vector.broadcast %parallel_loop3A_160 : i32 to vector<16xi32>
          %parallel_loop3A_162 = arith.andi %parallel_loop3A_111, %parallel_loop3A_161 : vector<16xi32>
          %parallel_loop3A_163 = vector.bitcast %parallel_loop3A_162 : vector<16xi32> to vector<16xf32>
          %parallel_loop3A_164 = arith.constant 16 : i32
          %parallel_loop3A_165 = vector.broadcast %parallel_loop3A_164 : i32 to vector<16xi32>
          %parallel_loop3A_166 = arith.shli %parallel_loop3A_123, %parallel_loop3A_165 : vector<16xi32>
          %parallel_loop3A_167 = vector.bitcast %parallel_loop3A_166 : vector<16xi32> to vector<16xf32>
          %parallel_loop3A_168 = arith.constant -65536 : i32
          %parallel_loop3A_169 = vector.broadcast %parallel_loop3A_168 : i32 to vector<16xi32>
          %parallel_loop3A_170 = arith.andi %parallel_loop3A_123, %parallel_loop3A_169 : vector<16xi32>
          %parallel_loop3A_171 = vector.bitcast %parallel_loop3A_170 : vector<16xi32> to vector<16xf32>
          %parallel_loop3A_172 = arith.constant 16 : i32
          %parallel_loop3A_173 = vector.broadcast %parallel_loop3A_172 : i32 to vector<16xi32>
          %parallel_loop3A_174 = arith.shli %parallel_loop3A_127, %parallel_loop3A_173 : vector<16xi32>
          %parallel_loop3A_175 = vector.bitcast %parallel_loop3A_174 : vector<16xi32> to vector<16xf32>
          %parallel_loop3A_176 = arith.constant -65536 : i32
          %parallel_loop3A_177 = vector.broadcast %parallel_loop3A_176 : i32 to vector<16xi32>
          %parallel_loop3A_178 = arith.andi %parallel_loop3A_127, %parallel_loop3A_177 : vector<16xi32>
          %parallel_loop3A_179 = vector.bitcast %parallel_loop3A_178 : vector<16xi32> to vector<16xf32>
          %parallel_loop3A_180 = arith.constant 16 : i32
          %parallel_loop3A_181 = vector.broadcast %parallel_loop3A_180 : i32 to vector<16xi32>
          %parallel_loop3A_182 = arith.shli %parallel_loop3A_131, %parallel_loop3A_181 : vector<16xi32>
          %parallel_loop3A_183 = vector.bitcast %parallel_loop3A_182 : vector<16xi32> to vector<16xf32>
          %parallel_loop3A_184 = arith.constant -65536 : i32
          %parallel_loop3A_185 = vector.broadcast %parallel_loop3A_184 : i32 to vector<16xi32>
          %parallel_loop3A_186 = arith.andi %parallel_loop3A_131, %parallel_loop3A_185 : vector<16xi32>
          %parallel_loop3A_187 = vector.bitcast %parallel_loop3A_186 : vector<16xi32> to vector<16xf32>
          %parallel_loop3A_188 = vector.bitcast %parallel_loop3A_115 : vector<16xi32> to vector<16xf32>
          %parallel_loop3A_189 = vector.bitcast %parallel_loop3A_119 : vector<16xi32> to vector<16xf32>
          %parallel_loop3A_190 = vector.bitcast %parallel_loop3A_135 : vector<16xi32> to vector<16xf32>
          %parallel_loop3A_191 = vector.bitcast %parallel_loop3A_139 : vector<16xi32> to vector<16xf32>
          %parallel_loop3A_192 = arith.addf %parallel_loop3A_188, %parallel_loop3A_190 : vector<16xf32>
          %parallel_loop3A_193 = arith.constant 0.001953125 : f32
          %parallel_loop3A_194 = vector.broadcast %parallel_loop3A_193 : f32 to vector<16xf32>
          %parallel_loop3A_195 = arith.mulf %parallel_loop3A_192, %parallel_loop3A_194 : vector<16xf32>
          %parallel_loop3A_196 = arith.addf %parallel_loop3A_189, %parallel_loop3A_191 : vector<16xf32>
          %parallel_loop3A_197 = arith.constant 0.001953125 : f32
          %parallel_loop3A_198 = vector.broadcast %parallel_loop3A_197 : f32 to vector<16xf32>
          %parallel_loop3A_199 = arith.mulf %parallel_loop3A_196, %parallel_loop3A_198 : vector<16xf32>
          %parallel_loop3A_200 = arith.mulf %parallel_loop3A_195, %parallel_loop3A_195 : vector<16xf32>
          %parallel_loop3A_201 = arith.subf %parallel_loop3A_199, %parallel_loop3A_200 : vector<16xf32>
          %parallel_loop3A_202 = arith.constant 9.99999974E-6 : f32
          %parallel_loop3A_203 = vector.broadcast %parallel_loop3A_202 : f32 to vector<16xf32>
          %parallel_loop3A_204 = arith.addf %parallel_loop3A_201, %parallel_loop3A_203 : vector<16xf32>
          %parallel_loop3A_205 = vector.bitcast %parallel_loop3A_204 : vector<16xf32> to vector<16xi32>
          %parallel_loop3A_206 = arith.constant 1 : i32
          %parallel_loop3A_207 = vector.broadcast %parallel_loop3A_206 : i32 to vector<16xi32>
          %parallel_loop3A_208 = arith.shrui %parallel_loop3A_205, %parallel_loop3A_207 : vector<16xi32>
          %parallel_loop3A_209 = arith.constant 1597463007 : i32
          %parallel_loop3A_210 = vector.broadcast %parallel_loop3A_209 : i32 to vector<16xi32>
          %parallel_loop3A_211 = arith.subi %parallel_loop3A_210, %parallel_loop3A_208 : vector<16xi32>
          %parallel_loop3A_212 = vector.bitcast %parallel_loop3A_211 : vector<16xi32> to vector<16xf32>
          %parallel_loop3A_213 = arith.constant 5.000000e-01 : f32
          %parallel_loop3A_214 = vector.broadcast %parallel_loop3A_213 : f32 to vector<16xf32>
          %parallel_loop3A_215 = arith.mulf %parallel_loop3A_214, %parallel_loop3A_204 : vector<16xf32>
          %parallel_loop3A_216 = arith.mulf %parallel_loop3A_215, %parallel_loop3A_212 : vector<16xf32>
          %parallel_loop3A_217 = arith.mulf %parallel_loop3A_216, %parallel_loop3A_212 : vector<16xf32>
          %parallel_loop3A_218 = arith.constant 1.500000e+00 : f32
          %parallel_loop3A_219 = vector.broadcast %parallel_loop3A_218 : f32 to vector<16xf32>
          %parallel_loop3A_220 = arith.subf %parallel_loop3A_219, %parallel_loop3A_217 : vector<16xf32>
          %parallel_loop3A_221 = arith.mulf %parallel_loop3A_212, %parallel_loop3A_220 : vector<16xf32>
          %parallel_loop3A_222 = arith.constant 5.000000e-01 : f32
          %parallel_loop3A_223 = vector.broadcast %parallel_loop3A_222 : f32 to vector<16xf32>
          %parallel_loop3A_224 = arith.mulf %parallel_loop3A_223, %parallel_loop3A_204 : vector<16xf32>
          %parallel_loop3A_225 = arith.mulf %parallel_loop3A_224, %parallel_loop3A_221 : vector<16xf32>
          %parallel_loop3A_226 = arith.mulf %parallel_loop3A_225, %parallel_loop3A_221 : vector<16xf32>
          %parallel_loop3A_227 = arith.constant 1.500000e+00 : f32
          %parallel_loop3A_228 = vector.broadcast %parallel_loop3A_227 : f32 to vector<16xf32>
          %parallel_loop3A_229 = arith.subf %parallel_loop3A_228, %parallel_loop3A_226 : vector<16xf32>
          %parallel_loop3A_230 = arith.mulf %parallel_loop3A_221, %parallel_loop3A_229 : vector<16xf32>
          %parallel_loop3A_231 = arith.constant 5.000000e-01 : f32
          %parallel_loop3A_232 = vector.broadcast %parallel_loop3A_231 : f32 to vector<16xf32>
          %parallel_loop3A_233 = arith.mulf %parallel_loop3A_232, %parallel_loop3A_204 : vector<16xf32>
          %parallel_loop3A_234 = arith.mulf %parallel_loop3A_233, %parallel_loop3A_230 : vector<16xf32>
          %parallel_loop3A_235 = arith.mulf %parallel_loop3A_234, %parallel_loop3A_230 : vector<16xf32>
          %parallel_loop3A_236 = arith.constant 1.500000e+00 : f32
          %parallel_loop3A_237 = vector.broadcast %parallel_loop3A_236 : f32 to vector<16xf32>
          %parallel_loop3A_238 = arith.subf %parallel_loop3A_237, %parallel_loop3A_235 : vector<16xf32>
          %parallel_loop3A_239 = arith.mulf %parallel_loop3A_230, %parallel_loop3A_238 : vector<16xf32>
          %parallel_loop3A_240 = vector.broadcast %parallel_loop3A_89 : i32 to vector<16xi32>
          %parallel_loop3A_241 = arith.addi %parallel_loop3A_240, %iota3A : vector<16xi32>
          %parallel_loop3A_242 = arith.constant 6 : i32
          %parallel_loop3A_243 = vector.broadcast %parallel_loop3A_242 : i32 to vector<16xi32>
          %parallel_loop3A_244 = arith.muli %parallel_loop3A_241, %parallel_loop3A_243 : vector<16xi32>
          %parallel_loop3A_245 = arith.addf %parallel_loop3A_143, %parallel_loop3A_167 : vector<16xf32>
          %parallel_loop3A_246 = arith.mulf %parallel_loop3A_245, %parallel_loop3A_239 : vector<16xf32>
          %parallel_loop3A_247 = arith.addf %parallel_loop3A_246, %get3A_1 : vector<16xf32>
          %parallel_loop3A_248 = arith.constant 0.000000e+00 : f32
          %parallel_loop3A_249 = vector.broadcast %parallel_loop3A_248 : f32 to vector<16xf32>
          %parallel_loop3A_250 = arith.subf %parallel_loop3A_249, %parallel_loop3A_247 : vector<16xf32>
          %parallel_loop3A_251 = math.exp %parallel_loop3A_250 : vector<16xf32>
          %parallel_loop3A_252 = arith.constant 1.000000e+00 : f32
          %parallel_loop3A_253 = vector.broadcast %parallel_loop3A_252 : f32 to vector<16xf32>
          %parallel_loop3A_254 = arith.addf %parallel_loop3A_253, %parallel_loop3A_251 : vector<16xf32>
          %parallel_loop3A_255 = arith.constant 1.000000e+00 : f32
          %parallel_loop3A_256 = vector.broadcast %parallel_loop3A_255 : f32 to vector<16xf32>
          %parallel_loop3A_257 = arith.divf %parallel_loop3A_256, %parallel_loop3A_254 : vector<16xf32>
          %parallel_loop3A_258 = arith.constant 0 : i32
          %parallel_loop3A_259 = vector.broadcast %parallel_loop3A_258 : i32 to vector<16xi32>
          %parallel_loop3A_260 = arith.addi %parallel_loop3A_244, %parallel_loop3A_259 : vector<16xi32>
          tpu.vector_store_idx %arg16[%parallel_loop3A_260], %parallel_loop3A_257 : memref<1536xf32, #tpu.memory_space<vmem>>[vector<16xi32>], vector<16xf32>,
          %parallel_loop3A_261 = arith.addf %parallel_loop3A_147, %parallel_loop3A_171 : vector<16xf32>
          %parallel_loop3A_262 = arith.mulf %parallel_loop3A_261, %parallel_loop3A_239 : vector<16xf32>
          %parallel_loop3A_263 = arith.addf %parallel_loop3A_262, %get3A_3 : vector<16xf32>
          %parallel_loop3A_264 = arith.constant 0.000000e+00 : f32
          %parallel_loop3A_265 = vector.broadcast %parallel_loop3A_264 : f32 to vector<16xf32>
          %parallel_loop3A_266 = arith.subf %parallel_loop3A_265, %parallel_loop3A_263 : vector<16xf32>
          %parallel_loop3A_267 = math.exp %parallel_loop3A_266 : vector<16xf32>
          %parallel_loop3A_268 = arith.constant 1.000000e+00 : f32
          %parallel_loop3A_269 = vector.broadcast %parallel_loop3A_268 : f32 to vector<16xf32>
          %parallel_loop3A_270 = arith.addf %parallel_loop3A_269, %parallel_loop3A_267 : vector<16xf32>
          %parallel_loop3A_271 = arith.constant 1.000000e+00 : f32
          %parallel_loop3A_272 = vector.broadcast %parallel_loop3A_271 : f32 to vector<16xf32>
          %parallel_loop3A_273 = arith.divf %parallel_loop3A_272, %parallel_loop3A_270 : vector<16xf32>
          %parallel_loop3A_274 = arith.constant 1 : i32
          %parallel_loop3A_275 = vector.broadcast %parallel_loop3A_274 : i32 to vector<16xi32>
          %parallel_loop3A_276 = arith.addi %parallel_loop3A_244, %parallel_loop3A_275 : vector<16xi32>
          tpu.vector_store_idx %arg16[%parallel_loop3A_276], %parallel_loop3A_273 : memref<1536xf32, #tpu.memory_space<vmem>>[vector<16xi32>], vector<16xf32>,
          %parallel_loop3A_277 = arith.addf %parallel_loop3A_151, %parallel_loop3A_175 : vector<16xf32>
          %parallel_loop3A_278 = arith.mulf %parallel_loop3A_277, %parallel_loop3A_239 : vector<16xf32>
          %parallel_loop3A_279 = arith.addf %parallel_loop3A_278, %get3A_5 : vector<16xf32>
          %parallel_loop3A_280 = arith.constant 0.000000e+00 : f32
          %parallel_loop3A_281 = vector.broadcast %parallel_loop3A_280 : f32 to vector<16xf32>
          %parallel_loop3A_282 = arith.subf %parallel_loop3A_281, %parallel_loop3A_279 : vector<16xf32>
          %parallel_loop3A_283 = math.exp %parallel_loop3A_282 : vector<16xf32>
          %parallel_loop3A_284 = arith.constant 1.000000e+00 : f32
          %parallel_loop3A_285 = vector.broadcast %parallel_loop3A_284 : f32 to vector<16xf32>
          %parallel_loop3A_286 = arith.addf %parallel_loop3A_285, %parallel_loop3A_283 : vector<16xf32>
          %parallel_loop3A_287 = arith.constant 1.000000e+00 : f32
          %parallel_loop3A_288 = vector.broadcast %parallel_loop3A_287 : f32 to vector<16xf32>
          %parallel_loop3A_289 = arith.divf %parallel_loop3A_288, %parallel_loop3A_286 : vector<16xf32>
          %parallel_loop3A_290 = arith.constant 2 : i32
          %parallel_loop3A_291 = vector.broadcast %parallel_loop3A_290 : i32 to vector<16xi32>
          %parallel_loop3A_292 = arith.addi %parallel_loop3A_244, %parallel_loop3A_291 : vector<16xi32>
          tpu.vector_store_idx %arg16[%parallel_loop3A_292], %parallel_loop3A_289 : memref<1536xf32, #tpu.memory_space<vmem>>[vector<16xi32>], vector<16xf32>,
          %parallel_loop3A_293 = arith.addf %parallel_loop3A_155, %parallel_loop3A_179 : vector<16xf32>
          %parallel_loop3A_294 = arith.mulf %parallel_loop3A_293, %parallel_loop3A_239 : vector<16xf32>
          %parallel_loop3A_295 = arith.addf %parallel_loop3A_294, %get3A_7 : vector<16xf32>
          %parallel_loop3A_296 = arith.constant 0.000000e+00 : f32
          %parallel_loop3A_297 = vector.broadcast %parallel_loop3A_296 : f32 to vector<16xf32>
          %parallel_loop3A_298 = arith.subf %parallel_loop3A_297, %parallel_loop3A_295 : vector<16xf32>
          %parallel_loop3A_299 = math.exp %parallel_loop3A_298 : vector<16xf32>
          %parallel_loop3A_300 = arith.constant 1.000000e+00 : f32
          %parallel_loop3A_301 = vector.broadcast %parallel_loop3A_300 : f32 to vector<16xf32>
          %parallel_loop3A_302 = arith.addf %parallel_loop3A_301, %parallel_loop3A_299 : vector<16xf32>
          %parallel_loop3A_303 = arith.constant 1.000000e+00 : f32
          %parallel_loop3A_304 = vector.broadcast %parallel_loop3A_303 : f32 to vector<16xf32>
          %parallel_loop3A_305 = arith.divf %parallel_loop3A_304, %parallel_loop3A_302 : vector<16xf32>
          %parallel_loop3A_306 = arith.constant 3 : i32
          %parallel_loop3A_307 = vector.broadcast %parallel_loop3A_306 : i32 to vector<16xi32>
          %parallel_loop3A_308 = arith.addi %parallel_loop3A_244, %parallel_loop3A_307 : vector<16xi32>
          tpu.vector_store_idx %arg16[%parallel_loop3A_308], %parallel_loop3A_305 : memref<1536xf32, #tpu.memory_space<vmem>>[vector<16xi32>], vector<16xf32>,
          %parallel_loop3A_309 = arith.addf %parallel_loop3A_159, %parallel_loop3A_183 : vector<16xf32>
          %parallel_loop3A_310 = arith.mulf %parallel_loop3A_309, %parallel_loop3A_239 : vector<16xf32>
          %parallel_loop3A_311 = arith.addf %parallel_loop3A_310, %get3A_9 : vector<16xf32>
          %parallel_loop3A_312 = arith.constant 0.000000e+00 : f32
          %parallel_loop3A_313 = vector.broadcast %parallel_loop3A_312 : f32 to vector<16xf32>
          %parallel_loop3A_314 = arith.subf %parallel_loop3A_313, %parallel_loop3A_311 : vector<16xf32>
          %parallel_loop3A_315 = math.exp %parallel_loop3A_314 : vector<16xf32>
          %parallel_loop3A_316 = arith.constant 1.000000e+00 : f32
          %parallel_loop3A_317 = vector.broadcast %parallel_loop3A_316 : f32 to vector<16xf32>
          %parallel_loop3A_318 = arith.addf %parallel_loop3A_317, %parallel_loop3A_315 : vector<16xf32>
          %parallel_loop3A_319 = arith.constant 1.000000e+00 : f32
          %parallel_loop3A_320 = vector.broadcast %parallel_loop3A_319 : f32 to vector<16xf32>
          %parallel_loop3A_321 = arith.divf %parallel_loop3A_320, %parallel_loop3A_318 : vector<16xf32>
          %parallel_loop3A_322 = arith.constant 4 : i32
          %parallel_loop3A_323 = vector.broadcast %parallel_loop3A_322 : i32 to vector<16xi32>
          %parallel_loop3A_324 = arith.addi %parallel_loop3A_244, %parallel_loop3A_323 : vector<16xi32>
          tpu.vector_store_idx %arg16[%parallel_loop3A_324], %parallel_loop3A_321 : memref<1536xf32, #tpu.memory_space<vmem>>[vector<16xi32>], vector<16xf32>,
          %parallel_loop3A_325 = arith.addf %parallel_loop3A_163, %parallel_loop3A_187 : vector<16xf32>
          %parallel_loop3A_326 = arith.mulf %parallel_loop3A_325, %parallel_loop3A_239 : vector<16xf32>
          %parallel_loop3A_327 = arith.addf %parallel_loop3A_326, %get3A_11 : vector<16xf32>
          %parallel_loop3A_328 = arith.constant 0.000000e+00 : f32
          %parallel_loop3A_329 = vector.broadcast %parallel_loop3A_328 : f32 to vector<16xf32>
          %parallel_loop3A_330 = arith.subf %parallel_loop3A_329, %parallel_loop3A_327 : vector<16xf32>
          %parallel_loop3A_331 = math.exp %parallel_loop3A_330 : vector<16xf32>
          %parallel_loop3A_332 = arith.constant 1.000000e+00 : f32
          %parallel_loop3A_333 = vector.broadcast %parallel_loop3A_332 : f32 to vector<16xf32>
          %parallel_loop3A_334 = arith.addf %parallel_loop3A_333, %parallel_loop3A_331 : vector<16xf32>
          %parallel_loop3A_335 = arith.constant 1.000000e+00 : f32
          %parallel_loop3A_336 = vector.broadcast %parallel_loop3A_335 : f32 to vector<16xf32>
          %parallel_loop3A_337 = arith.divf %parallel_loop3A_336, %parallel_loop3A_334 : vector<16xf32>
          %parallel_loop3A_338 = arith.constant 5 : i32
          %parallel_loop3A_339 = vector.broadcast %parallel_loop3A_338 : i32 to vector<16xi32>
          %parallel_loop3A_340 = arith.addi %parallel_loop3A_244, %parallel_loop3A_339 : vector<16xi32>
          tpu.vector_store_idx %arg16[%parallel_loop3A_340], %parallel_loop3A_337 : memref<1536xf32, #tpu.memory_space<vmem>>[vector<16xi32>], vector<16xf32>,
        } {sc.loop_unroll_factor = 4 : i64, sc.parallel_access}
        %mul3A_74 = arith.constant 256 : i32
        %mul3A_75 = arith.muli %add3A_54, %mul3A_74 : i32
        %mul3A_76 = arith.constant 6 : i32
        %mul3A_77 = arith.muli %mul3A_75, %mul3A_76 : i32
        %dma_start3A = tpu.memref_slice %arg7[%mul3A_77] : memref<960000xf32, #tpu.memory_space<hbm>> -> memref<1536xf32, #tpu.memory_space<hbm>>
        %dma_start3A_78 = tpu.memref_slice %arg7[%mul3A_77] : memref<960000xf32, #tpu.memory_space<hbm>> -> memref<1536xf32, #tpu.memory_space<hbm>>
        tpu.enqueue_dma source(%arg16 : memref<1536xf32, #tpu.memory_space<vmem>>) target(%dma_start3A_78 : memref<1536xf32, #tpu.memory_space<hbm>>) target_semaphore(%arg20 : memref<!tpu.dma_semaphore, #tpu.memory_space<semaphore_mem>>)
        %add3A_79 = arith.constant 2 : i32
        %add3A_80 = arith.addi %add3A_51, %add3A_79 : i32
        %mul3A_81 = arith.constant 32 : i32
        %mul3A_82 = arith.muli %mul3A_81, %add3A_80 : i32
        %add3A_83 = arith.addi %add3A, %mul3A_82 : i32
        %lt3A_84 = arith.constant 625 : i32
        %lt3A_85 = arith.cmpi slt, %add3A_83, %lt3A_84 : i32
        %convert_element_type3A_86 = arith.extui %lt3A_85 : i1 to i32
        %cond3A_87 = arith.constant 0 : i32
        %cond3A_88 = arith.cmpi ne, %convert_element_type3A_86, %cond3A_87 : i32
        scf.if %cond3A_88 {
          %mul3A_89 = arith.constant 256 : i32
          %mul3A_90 = arith.muli %add3A_83, %mul3A_89 : i32
          %dma_start3A_91 = tpu.memref_slice %arg4[%mul3A_90] : memref<160000xi32, #tpu.memory_space<hbm>> -> memref<256xi32, #tpu.memory_space<hbm>>
          %dma_start3A_92 = tpu.memref_slice %arg4[%mul3A_90] : memref<160000xi32, #tpu.memory_space<hbm>> -> memref<256xi32, #tpu.memory_space<hbm>>
          tpu.enqueue_dma source(%dma_start3A_92 : memref<256xi32, #tpu.memory_space<hbm>>) target(%arg11 : memref<256xi32, #tpu.memory_space<vmem>>) target_semaphore(%arg18 : memref<!tpu.dma_semaphore, #tpu.memory_space<semaphore_mem>>)
          %dma_start3A_93 = tpu.memref_slice %arg5[%mul3A_90] : memref<160000xi32, #tpu.memory_space<hbm>> -> memref<256xi32, #tpu.memory_space<hbm>>
          %dma_start3A_94 = tpu.memref_slice %arg5[%mul3A_90] : memref<160000xi32, #tpu.memory_space<hbm>> -> memref<256xi32, #tpu.memory_space<hbm>>
          tpu.enqueue_dma source(%dma_start3A_94 : memref<256xi32, #tpu.memory_space<hbm>>) target(%arg13 : memref<256xi32, #tpu.memory_space<vmem>>) target_semaphore(%arg18 : memref<!tpu.dma_semaphore, #tpu.memory_space<semaphore_mem>>)
        } else {
        }
      } else {
      }
    }
    %scan3A_27 = arith.constant 10 : i32
    %dma_wait3A = arith.constant 0 : i32
    %dma_wait3A_28 = tpu.memref_slice %arg7[%dma_wait3A] : memref<960000xf32, #tpu.memory_space<hbm>> -> memref<1536xf32, #tpu.memory_space<hbm>>
    %dma_wait3A_29 = arith.constant 0 : i32
    %dma_wait3A_30 = tpu.memref_slice %arg7[%dma_wait3A_29] : memref<960000xf32, #tpu.memory_space<hbm>> -> memref<1536xf32, #tpu.memory_space<hbm>>
    tpu.wait_dma2 semaphore(%arg19 : memref<!tpu.dma_semaphore, #tpu.memory_space<semaphore_mem>>) src(%arg15 : memref<1536xf32, #tpu.memory_space<vmem>>) dst(%dma_wait3A_30 : memref<1536xf32, #tpu.memory_space<hbm>>)
    %dma_wait3A_31 = arith.constant 0 : i32
    %dma_wait3A_32 = tpu.memref_slice %arg7[%dma_wait3A_31] : memref<960000xf32, #tpu.memory_space<hbm>> -> memref<1536xf32, #tpu.memory_space<hbm>>
    %dma_wait3A_33 = arith.constant 0 : i32
    %dma_wait3A_34 = tpu.memref_slice %arg7[%dma_wait3A_33] : memref<960000xf32, #tpu.memory_space<hbm>> -> memref<1536xf32, #tpu.memory_space<hbm>>
    tpu.wait_dma2 semaphore(%arg20 : memref<!tpu.dma_semaphore, #tpu.memory_space<semaphore_mem>>) src(%arg16 : memref<1536xf32, #tpu.memory_space<vmem>>) dst(%dma_wait3A_34 : memref<1536xf32, #tpu.memory_space<hbm>>)
    return
  }
}

module attributes {stable_mosaic.version = 14 : i64} {
  func.func @_table_body(%arg0: i32, %arg1: memref<6000x256xf32, #tpu.memory_space<vmem>>, %arg2: memref<512x8xf32, #tpu.memory_space<vmem>>, %arg3: memref<1000x5xi32, #tpu.memory_space<vmem>>) attributes {dimension_semantics = [#tpu.dimension_semantics<arbitrary>], iteration_bounds = array<i64: 10>, scalar_prefetch = 0 : i64, scratch_operands = 0 : i64, tpu.core_type = #tpu.core_type<tc>, window_params = [{transform_indices = @transform_0, window_bounds = array<i64: 6000, 256>}, {pipeline_mode = #tpu.pipeline_mode<synchronous>, transform_indices = @transform_1, window_bounds = array<i64: 512, 8>}, {transform_indices = @transform_2, window_bounds = array<i64: 1000, 5>}]} {
    %get3A = arith.constant 0 : index
    %get3A_0 = arith.constant 0 : index
    %get3A_1 = vector.load %arg1[%get3A, %get3A_0] : memref<6000x256xf32, #tpu.memory_space<vmem>>, vector<6000x256xf32>
    %reshape3A = vector.shape_cast %get3A_1 : vector<6000x256xf32> to vector<1000x6x256xf32>
    %slice3A = vector.extract_strided_slice %reshape3A {offsets = [0, 0, 0], sizes = [1000, 1, 256], strides = [1, 1, 1]} : vector<1000x6x256xf32> to vector<1000x1x256xf32>
    %squeeze3A = vector.shape_cast %slice3A : vector<1000x1x256xf32> to vector<1000x256xf32>
    %slice3A_2 = vector.extract_strided_slice %reshape3A {offsets = [0, 1, 0], sizes = [1000, 1, 256], strides = [1, 1, 1]} : vector<1000x6x256xf32> to vector<1000x1x256xf32>
    %squeeze3A_3 = vector.shape_cast %slice3A_2 : vector<1000x1x256xf32> to vector<1000x256xf32>
    %add3A = arith.addf %squeeze3A, %squeeze3A_3 : vector<1000x256xf32>
    %slice3A_4 = vector.extract_strided_slice %reshape3A {offsets = [0, 2, 0], sizes = [1000, 1, 256], strides = [1, 1, 1]} : vector<1000x6x256xf32> to vector<1000x1x256xf32>
    %squeeze3A_5 = vector.shape_cast %slice3A_4 : vector<1000x1x256xf32> to vector<1000x256xf32>
    %add3A_6 = arith.addf %add3A, %squeeze3A_5 : vector<1000x256xf32>
    %slice3A_7 = vector.extract_strided_slice %reshape3A {offsets = [0, 3, 0], sizes = [1000, 1, 256], strides = [1, 1, 1]} : vector<1000x6x256xf32> to vector<1000x1x256xf32>
    %squeeze3A_8 = vector.shape_cast %slice3A_7 : vector<1000x1x256xf32> to vector<1000x256xf32>
    %add3A_9 = arith.addf %add3A_6, %squeeze3A_8 : vector<1000x256xf32>
    %slice3A_10 = vector.extract_strided_slice %reshape3A {offsets = [0, 4, 0], sizes = [1000, 1, 256], strides = [1, 1, 1]} : vector<1000x6x256xf32> to vector<1000x1x256xf32>
    %squeeze3A_11 = vector.shape_cast %slice3A_10 : vector<1000x1x256xf32> to vector<1000x256xf32>
    %add3A_12 = arith.addf %add3A_9, %squeeze3A_11 : vector<1000x256xf32>
    %slice3A_13 = vector.extract_strided_slice %reshape3A {offsets = [0, 5, 0], sizes = [1000, 1, 256], strides = [1, 1, 1]} : vector<1000x6x256xf32> to vector<1000x1x256xf32>
    %squeeze3A_14 = vector.shape_cast %slice3A_13 : vector<1000x1x256xf32> to vector<1000x256xf32>
    %add3A_15 = arith.addf %add3A_12, %squeeze3A_14 : vector<1000x256xf32>
    %mul3A = arith.constant 0.166666672 : f32
    %mul3A_16 = vector.broadcast %mul3A : f32 to vector<1000x256xf32>
    %mul3A_17 = arith.mulf %add3A_15, %mul3A_16 : vector<1000x256xf32>
    %mul3A_18 = arith.mulf %mul3A_17, %mul3A_17 : vector<1000x256xf32>
    %concatenate3A = tpu.concatenate %mul3A_17, %mul3A_18 in 1 : vector<1000x256xf32>, vector<1000x256xf32> -> vector<1000x512xf32>
    %get3A_19 = arith.constant 0 : index
    %get3A_20 = arith.constant 0 : index
    %get3A_21 = vector.load %arg2[%get3A_19, %get3A_20] : memref<512x8xf32, #tpu.memory_space<vmem>>, vector<512x8xf32>
    %dot_general3A = arith.constant dense<0.000000e+00> : vector<1000x8xf32>
    %dot_general3A_22 = tpu.matmul %concatenate3A, %get3A_21, %dot_general3A {dimension_numbers = #tpu.dot_dimension_numbers<[1], [0], [0], [1], [0, 0, 1, 1], [], []>, transpose_lhs_hint = false} : vector<1000x512xf32>, vector<512x8xf32>, vector<1000x8xf32> -> vector<1000x8xf32>
    %bitcast_convert_type3A = tpu.bitcast %dot_general3A_22 : vector<1000x8xf32> -> vector<1000x8xi32>
    %add3A_23 = arith.constant 32767 : i32
    %add3A_24 = vector.broadcast %add3A_23 : i32 to vector<1000x8xi32>
    %add3A_25 = arith.addi %bitcast_convert_type3A, %add3A_24 : vector<1000x8xi32>
    %shift_right_logical3A = arith.constant 16 : i32
    %shift_right_logical3A_26 = vector.broadcast %shift_right_logical3A : i32 to vector<1000x8xi32>
    %shift_right_logical3A_27 = arith.shrui %bitcast_convert_type3A, %shift_right_logical3A_26 : vector<1000x8xi32>
    %and3A = arith.constant 1 : i32
    %and3A_28 = vector.broadcast %and3A : i32 to vector<1000x8xi32>
    %and3A_29 = arith.andi %shift_right_logical3A_27, %and3A_28 : vector<1000x8xi32>
    %add3A_30 = arith.addi %add3A_25, %and3A_29 : vector<1000x8xi32>
    %shift_right_logical3A_31 = arith.constant 16 : i32
    %shift_right_logical3A_32 = vector.broadcast %shift_right_logical3A_31 : i32 to vector<1000x8xi32>
    %shift_right_logical3A_33 = arith.shrui %add3A_30, %shift_right_logical3A_32 : vector<1000x8xi32>
    %slice3A_34 = vector.extract_strided_slice %shift_right_logical3A_33 {offsets = [0, 0], sizes = [1000, 1], strides = [1, 1]} : vector<1000x8xi32> to vector<1000x1xi32>
    %slice3A_35 = vector.extract_strided_slice %shift_right_logical3A_33 {offsets = [0, 1], sizes = [1000, 1], strides = [1, 1]} : vector<1000x8xi32> to vector<1000x1xi32>
    %shift_left3A = arith.constant 16 : i32
    %shift_left3A_36 = vector.broadcast %shift_left3A : i32 to vector<1000x1xi32>
    %shift_left3A_37 = arith.shli %slice3A_35, %shift_left3A_36 : vector<1000x1xi32>
    %or3A = arith.ori %slice3A_34, %shift_left3A_37 : vector<1000x1xi32>
    %slice3A_38 = vector.extract_strided_slice %shift_right_logical3A_33 {offsets = [0, 2], sizes = [1000, 1], strides = [1, 1]} : vector<1000x8xi32> to vector<1000x1xi32>
    %slice3A_39 = vector.extract_strided_slice %shift_right_logical3A_33 {offsets = [0, 3], sizes = [1000, 1], strides = [1, 1]} : vector<1000x8xi32> to vector<1000x1xi32>
    %shift_left3A_40 = arith.constant 16 : i32
    %shift_left3A_41 = vector.broadcast %shift_left3A_40 : i32 to vector<1000x1xi32>
    %shift_left3A_42 = arith.shli %slice3A_39, %shift_left3A_41 : vector<1000x1xi32>
    %or3A_43 = arith.ori %slice3A_38, %shift_left3A_42 : vector<1000x1xi32>
    %slice3A_44 = vector.extract_strided_slice %shift_right_logical3A_33 {offsets = [0, 4], sizes = [1000, 1], strides = [1, 1]} : vector<1000x8xi32> to vector<1000x1xi32>
    %slice3A_45 = vector.extract_strided_slice %shift_right_logical3A_33 {offsets = [0, 5], sizes = [1000, 1], strides = [1, 1]} : vector<1000x8xi32> to vector<1000x1xi32>
    %shift_left3A_46 = arith.constant 16 : i32
    %shift_left3A_47 = vector.broadcast %shift_left3A_46 : i32 to vector<1000x1xi32>
    %shift_left3A_48 = arith.shli %slice3A_45, %shift_left3A_47 : vector<1000x1xi32>
    %or3A_49 = arith.ori %slice3A_44, %shift_left3A_48 : vector<1000x1xi32>
    %slice3A_50 = vector.extract_strided_slice %bitcast_convert_type3A {offsets = [0, 6], sizes = [1000, 1], strides = [1, 1]} : vector<1000x8xi32> to vector<1000x1xi32>
    %slice3A_51 = vector.extract_strided_slice %bitcast_convert_type3A {offsets = [0, 7], sizes = [1000, 1], strides = [1, 1]} : vector<1000x8xi32> to vector<1000x1xi32>
    %concatenate3A_52 = tpu.concatenate %or3A, %or3A_43, %or3A_49, %slice3A_50, %slice3A_51 in 1 : vector<1000x1xi32>, vector<1000x1xi32>, vector<1000x1xi32>, vector<1000x1xi32>, vector<1000x1xi32> -> vector<1000x5xi32>
    %swap3A = arith.constant 0 : index
    %swap3A_53 = arith.constant 0 : index
    %swap3A_54 = vector.load %arg3[%swap3A, %swap3A_53] : memref<1000x5xi32, #tpu.memory_space<vmem>>, vector<1000x5xi32>
    tpu.vector_store %arg3[%swap3A, %swap3A_53], %concatenate3A_52 {strides = array<i32>} : memref<1000x5xi32, #tpu.memory_space<vmem>>, vector<1000x5xi32>,
    return
  }
  func.func @transform_0(%arg0: i32) -> (i32, i32) {
    %c0_i32 = arith.constant 0 : i32
    %c0_i32_0 = arith.constant 0 : i32
    return %arg0, %c0_i32 : i32, i32
  }
  func.func @transform_1(%arg0: i32) -> (i32, i32) {
    %c0_i32 = arith.constant 0 : i32
    %c0_i32_0 = arith.constant 0 : i32
    %c0_i32_1 = arith.constant 0 : i32
    return %c0_i32, %c0_i32_0 : i32, i32
  }
  func.func @transform_2(%arg0: i32) -> (i32, i32) {
    %c0_i32 = arith.constant 0 : i32
    %c0_i32_0 = arith.constant 0 : i32
    return %arg0, %c0_i32 : i32, i32
  }
}

module attributes {stable_mosaic.version = 14 : i64} {
  func.func @_hidx_body(%arg0: i32, %arg1: memref<2500x128xi32, #tpu.memory_space<vmem>>, %arg2: memref<128x768xf32, #tpu.memory_space<vmem>>, %arg3: memref<1x768xf32, #tpu.memory_space<vmem>>, %arg4: memref<2500x768xi32, #tpu.memory_space<vmem>>) attributes {dimension_semantics = [#tpu.dimension_semantics<arbitrary>], iteration_bounds = array<i64: 1>, scalar_prefetch = 0 : i64, scratch_operands = 0 : i64, tpu.core_type = #tpu.core_type<tc>, window_params = [{transform_indices = @transform_0, window_bounds = array<i64: 2500, 128>}, {pipeline_mode = #tpu.pipeline_mode<synchronous>, transform_indices = @transform_1, window_bounds = array<i64: 128, 768>}, {pipeline_mode = #tpu.pipeline_mode<synchronous>, transform_indices = @transform_2, window_bounds = array<i64: 1, 768>}, {transform_indices = @transform_3, window_bounds = array<i64: 2500, 768>}]} {
    %get3A = arith.constant 0 : index
    %get3A_0 = arith.constant 0 : index
    %get3A_1 = vector.load %arg1[%get3A, %get3A_0] : memref<2500x128xi32, #tpu.memory_space<vmem>>, vector<2500x128xi32>
    %convert_element_type3A = arith.sitofp %get3A_1 : vector<2500x128xi32> to vector<2500x128xf32>
    %get3A_2 = arith.constant 0 : index
    %get3A_3 = arith.constant 0 : index
    %get3A_4 = vector.load %arg2[%get3A_2, %get3A_3] : memref<128x768xf32, #tpu.memory_space<vmem>>, vector<128x768xf32>
    %dot_general3A = arith.constant dense<0.000000e+00> : vector<2500x768xf32>
    %dot_general3A_5 = tpu.matmul %convert_element_type3A, %get3A_4, %dot_general3A {dimension_numbers = #tpu.dot_dimension_numbers<[1], [0], [0], [1], [0, 0, 1, 1], [], []>, precision = #tpu.contract_precision<fp32>, transpose_lhs_hint = false} : vector<2500x128xf32>, vector<128x768xf32>, vector<2500x768xf32> -> vector<2500x768xf32>
    %get3A_6 = arith.constant 0 : index
    %get3A_7 = arith.constant 0 : index
    %get3A_8 = vector.load %arg3[%get3A_6, %get3A_7] : memref<1x768xf32, #tpu.memory_space<vmem>>, vector<1x768xf32>
    %add3A = vector.broadcast %get3A_8 : vector<1x768xf32> to vector<2500x768xf32>
    %add3A_9 = arith.addf %dot_general3A_5, %add3A : vector<2500x768xf32>
    %convert_element_type3A_10 = arith.fptosi %add3A_9 : vector<2500x768xf32> to vector<2500x768xi32>
    %swap3A = arith.constant 0 : index
    %swap3A_11 = arith.constant 0 : index
    %swap3A_12 = vector.load %arg4[%swap3A, %swap3A_11] : memref<2500x768xi32, #tpu.memory_space<vmem>>, vector<2500x768xi32>
    tpu.vector_store %arg4[%swap3A, %swap3A_11], %convert_element_type3A_10 {strides = array<i32>} : memref<2500x768xi32, #tpu.memory_space<vmem>>, vector<2500x768xi32>,
    return
  }
  func.func @transform_0(%arg0: i32) -> (i32, i32) {
    %c0_i32 = arith.constant 0 : i32
    %c0_i32_0 = arith.constant 0 : i32
    return %arg0, %c0_i32 : i32, i32
  }
  func.func @transform_1(%arg0: i32) -> (i32, i32) {
    %c0_i32 = arith.constant 0 : i32
    %c0_i32_0 = arith.constant 0 : i32
    %c0_i32_1 = arith.constant 0 : i32
    return %c0_i32, %c0_i32_0 : i32, i32
  }
  func.func @transform_2(%arg0: i32) -> (i32, i32) {
    %c0_i32 = arith.constant 0 : i32
    %c0_i32_0 = arith.constant 0 : i32
    %c0_i32_1 = arith.constant 0 : i32
    return %c0_i32, %c0_i32_0 : i32, i32
  }
  func.func @transform_3(%arg0: i32) -> (i32, i32) {
    %c0_i32 = arith.constant 0 : i32
    %c0_i32_0 = arith.constant 0 : i32
    return %arg0, %c0_i32 : i32, i32
  }
}

</mosaic_0001>

<sc_bundles>
// kernel: kernel.6.cloned.1.call-start
scs
__scs_entry_jumppad:
0x0: {  	(pc) =	sbr.rel $0x88, $3  }
0x1: {  	(tag) =	ssettag $0x0;
	lr =	simm.s32 $0x1  }
0x2: {  	[smem:$0x3F9A] =	sst lr;
	_ =	strace $0xD0000000  }
0x3: {  	_ = 	snop  }
0x4: {  	_ = 	snop  }
0x5: {  	_ = 	snop  }
0x6: {  	_ = 	snop  }
0x7: {  	_ = 	snop  }
__scs_overlays_trampoline_lowered:
0x8: {  	[smem:$0x3FA9] =	sst s0  }
0x9: {  	[smem:$0x3FAA] =	sst s1  }
0xa: {  	[smem:$0x3FAB] =	sst s2  }
0xb: {  	[smem:$0x3FAC] =	sst s3  }
0xc: {  	[smem:$0x3FAD] =	sst s4  }
0xd: {  	[smem:$0x3FAE] =	sst s5  }
0xe: {  	[smem:$0x3FAF] =	sst s6  }
0xf: {  	[smem:$0x3FB0] =	sst s7  }
0x10: {  	[smem:$0x3FB1] =	sst s8  }
0x11: {  	[smem:$0x3FB2] =	sst s9;
	s0 =	simm.s32 @!p0 $0x0  }
0x12: {  	s1 =	sld [smem:$0x3F98];
	s0 =	simm.s32 @p0 $0x1  }
0x13: {  	[smem:$0x3FB3] =	sst s0;
	s0 =	simm.s32 @!p1 $0x0  }
0x14: {  	s2 =	sld [smem:$0x3F97];
	s0 =	simm.s32 @p1 $0x1  }
0x15: {  	[smem:$0x3FB4] =	sst s0;
	s0 =	simm.s32 @!p2 $0x0  }
0x16: {  	s3 =	sld [smem:$0x3FDB];
	s0 =	simm.s32 @p2 $0x1  }
0x17: {  	s4 =	simm.s32 $0x1BF5;
	[smem:$0x3FB6] =	sst s0  }
0x18: {  	s0 =	sld [smem:$0x3F99];
	_ =	swait.ge [sflag:s4], $0x0  }
0x19: {  	s7 =	sld [smem:$0x3F9A]  }
0x1a: {  	s8 =	sadd.s32 $0xFFFFE003, lr  }
0x1b: {  	s9 =	sadd.s32 $0xFFFFFEF7, lr;
	s5 =	simm.s32 $0xFFFFFFFF;
	p2 =	slt.u32 s8, $0xFFFFF086  }
0x1c: {  	p1 =	slt.u32 s9, $0xF7A;
	s5 =	simm.s32 @!p2 $0x0  }
0x1d: {  	s5 =	simm.s32 @p1 $0x1;
	p0 =	seq.s32 s7, s2  }
0x1e: {  	s7 =	smul.u32 @!p0 $0xF7A, s2;
	p2 =	seq.s32 @!p0 s5, $0x0  }
0x1f: {  	s9 =	smul.u32 $0xF7A, s1;
	s8 =	simm.s32 @!p0 $0x1BF5;
	p2 =	por !p2, p0  }
0x20: {  	[sflag:s8] =	ssyncset.s32 @!p0 $0xFFFFF086;
	s6 =	sadd.s32 @!p0 s3, s7;
	s7 =	simm.s32 @!p0 $0x108  }
0x21: {  	s3 =	sadd.s32 s3, s9;
	s6 =	sadd.s32 @!p0 $0x88, s6;
	s7 =	simm.s32 @p2 $0x1082  }
0x22: {  	[simem:s7], [sflag:s8] =	dma.local @!p0 [hbm:s6], $0xF7A  }
0x23: {  	s9 =	sor.u32 $0xD0000000, s2;
	s6 =	simm.s32 $0x108;
	_ =	swait.ge @!p0 [sflag:s8], $0x0  }
0x24: {  	s3 =	sadd.s32 $0x88, s3;
	s6 =	simm.s32 @!p1 $0x1082;
	[sflag:s4] =	ssyncset.s32 $0xFFFFF086  }
0x25: {  	[simem:s6], [sflag:s4] =	dma.local [hbm:s3], $0xF7A  }
0x26: {  	[smem:$0x3F9A] =	sst s1;
	(tag) =	ssettag s2;
	_ =	strace s9  }
0x27: {  	s1 =	sld [smem:$0x3FAA]  }
0x28: {  	s2 =	sld [smem:$0x3FAB]  }
0x29: {  	s4 =	sld [smem:$0x3FAD]  }
0x2a: {  	p0 =	seq.s32 s5, $0x0;
	s5 =	sld [smem:$0x3FAE]  }
0x2b: {  	s6 =	sld [smem:$0x3FAF]  }
0x2c: {  	s7 =	sld [smem:$0x3FB0]  }
0x2d: {  	s3 =	simm.s32 $0x108;
	s8 =	sld [smem:$0x3FB1]  }
0x2e: {  	s3 =	simm.s32 @!p0 $0x1082;
	s9 =	sld [smem:$0x3FB2]  }
0x2f: {  	lr =	sadd.s32 s0, s3;
	s0 =	sld [smem:$0x3FA9]  }
0x30: {  	s3 =	sld [smem:$0x3FAC]  }
0x31: {  	[smem:$0x3FB5] =	sst s10  }
0x32: {  	s10 =	sld [smem:$0x3FB3];
	_ =	sdelay $0x3  }
0x33: {  	p0 =	seq.s32 s10, $0x1;
	s10 =	sld [smem:$0x3FB5];
	_ =	sdelay $0x3  }
0x34: {  	[smem:$0x3FB5] =	sst s10  }
0x35: {  	s10 =	sld [smem:$0x3FB4];
	_ =	sdelay $0x3  }
0x36: {  	p1 =	seq.s32 s10, $0x1;
	s10 =	sld [smem:$0x3FB5];
	_ =	sdelay $0x3  }
0x37: {  	[smem:$0x3FB5] =	sst s10  }
0x38: {  	s10 =	sld [smem:$0x3FB6]  }
0x39: {  	_ = 	snop;
	(pc) =	sbr.ind lr, $3  }
0x3a: {  	_ = 	snop  }
0x3b: {  	_ = 	snop  }
0x3c: {  	p2 =	seq.s32 s10, $0x1;
	s10 =	sld [smem:$0x3FB5]  }
0x3d: {  	_ =	shalt  }
0x3e: {  	_ =	shalt  }
0x3f: {  	_ =	shalt  }
0x40: {  	_ =	shalt  }
0x41: {  	_ =	shalt  }
0x42: {  	_ =	shalt  }
0x43: {  	_ =	shalt  }
0x44: {  	_ =	shalt  }
0x45: {  	_ =	shalt  }
0x46: {  	_ =	shalt  }
0x47: {  	_ =	shalt  }
0x48: {  	_ =	shalt  }
0x49: {  	_ =	shalt  }
0x4a: {  	_ =	shalt  }
0x4b: {  	_ =	shalt  }
0x4c: {  	_ =	shalt  }
0x4d: {  	_ =	shalt  }
0x4e: {  	_ =	shalt  }
0x4f: {  	_ =	shalt  }
0x50: {  	_ =	shalt  }
0x51: {  	_ =	shalt  }
0x52: {  	_ =	shalt  }
0x53: {  	_ =	shalt  }
0x54: {  	_ =	shalt  }
0x55: {  	_ =	shalt  }
0x56: {  	_ =	shalt  }
0x57: {  	_ =	shalt  }
0x58: {  	_ =	shalt  }
0x59: {  	_ =	shalt  }
0x5a: {  	_ =	shalt  }
0x5b: {  	_ =	shalt  }
0x5c: {  	_ =	shalt  }
0x5d: {  	_ =	shalt  }
0x5e: {  	_ =	shalt  }
0x5f: {  	_ =	shalt  }
0x60: {  	_ =	shalt  }
0x61: {  	_ =	shalt  }
0x62: {  	_ =	shalt  }
0x63: {  	_ =	shalt  }
0x64: {  	_ =	shalt  }
0x65: {  	_ =	shalt  }
0x66: {  	_ =	shalt  }
0x67: {  	_ =	shalt  }
0x68: {  	_ =	shalt  }
0x69: {  	_ =	shalt  }
0x6a: {  	_ =	shalt  }
0x6b: {  	_ =	shalt  }
0x6c: {  	_ =	shalt  }
0x6d: {  	_ =	shalt  }
0x6e: {  	_ =	shalt  }
0x6f: {  	_ =	shalt  }
0x70: {  	_ =	shalt  }
0x71: {  	_ =	shalt  }
0x72: {  	_ =	shalt  }
0x73: {  	_ =	shalt  }
0x74: {  	_ =	shalt  }
0x75: {  	_ =	shalt  }
0x76: {  	_ =	shalt  }
0x77: {  	_ =	shalt  }
0x78: {  	_ =	shalt  }
0x79: {  	_ =	shalt  }
0x7a: {  	_ =	shalt  }
0x7b: {  	_ =	shalt  }
0x7c: {  	_ =	shalt  }
0x7d: {  	_ =	shalt  }
0x7e: {  	_ =	shalt  }
0x7f: {  	_ =	shalt  }
0x80: {  	_ =	shalt  }
0x81: {  	_ =	shalt  }
0x82: {  	_ =	shalt  }
0x83: {  	_ =	shalt  }
0x84: {  	_ =	shalt  }
0x85: {  	_ =	shalt  }
0x86: {  	_ =	shalt  }
0x87: {  	_ =	shalt  }
.Lfunc_end0:
.L_simem_size_0:
called_computation_lowered:
.L_overlay_start_0:
0x88: {  	s2 =	sld [smem:$0x3FD9]  }
0x89: {  	s3 =	sld [smem:$0x3FFE];
	_ =	sdelay $0x1  }
0x8a: {  	s1 =	srdreg.scid  }
0x8b: {  	s0 =	sand.u32 $0x1, s1  }
0x8c: {  	s14 =	sshll.u32 s0, $0xA;
	s2 =	sadd.s32 s3, s2  }
0x8d: {  	s2 =	sadd.s32 s2, s14  }
0x8e: {  	[smem:$0x3FC1] =	sst s2  }
0x8f: {  	_ = 	snop  }
0x90: {  	s2 =	sld [smem:$0x3FD0];
	_ =	sdelay $0x2  }
0x91: {  	s15 =	simm.s32 $0xA;
	s4 =	simm.s32 $0x10  }
0x92: {  	[smem:s4], [sflag:s15] =	dma.local [hbm:s2], $0x1  }
0x93: {  	_ =	swait.eq [sflag:s15], $0x1  }
0x94: {  	[sflag:s15] =	ssyncset.done $0x0  }
0x95: {  	[sflag:s15] =	ssyncadd.s32 $0xFFFFFFFF  }
0x96: {  	s16 =	sld [smem:$0x11];
	(tm) =	ssettm $0x1  }
0x97: {  	s17 =	sld [smem:$0x3FFB];
	_ =	sdelay $0x3  }
0x98: {  	_ =	strace s17  }
0x99: {  	s3 =	sld [smem:$0x3FFC];
	_ =	sdelay $0x3  }
0x9a: {  	_ =	strace s3  }
0x9b: {  	s3 =	sld [smem:$0x3FFD];
	_ =	sdelay $0x3  }
0x9c: {  	_ =	strace s3  }
0x9d: {  	_ =	strace $0x8FFFFFFF  }
0x9e: {  	s18 =	sld [smem:$0x3FDB];
	_ =	sdelay $0x1  }
0x9f: {  	s19 =	simm.s32 $_scs_section_size  }
0xa0: {  	s5 =	simm.s32 $_size__tile_overlayer_lowered;
	s6 =	simm.s32 $_tile_overlayer_lowered  }
0xa1: {  	s22 =	simm.s32 $0x1BFF;
	s21 =	sshll.u32 s6, $0x1;
	s3 =	sadd.s32 s19, s18  }
0xa2: {  	s7 =	simm.s32 $0x0;
	s20 =	sshll.u32 s5, $0x1;
	s5 =	sadd.s32 s21, s3  }
0xa3: {  	[timem:s7], [sflag:s22] =	dma.local [hbm:s5], s20  }
0xa4: {  	_ =	swait.ge [sflag:s22], s20  }
0xa5: {  	s4 =	ssub.s32 $0x0, s20;
	[sflag:s22] =	ssyncset.done $0x0  }
0xa6: {  	[sflag:s22] =	ssyncadd.s32 s4;
	_ =	sdelay $0x1  }
0xa7: {  	s23 =	simm.s32 $0x1B8B  }
0xa8: {  	_ =	swait.ge [sflag:s23], $0x1  }
0xa9: {  	[sflag:s23] =	ssyncset.done $0x0  }
0xaa: {  	s25 =	simm.s32 $0x1B8E;
	s24 =	sld [smem:$0x3FFE];
	[sflag:s23] =	ssyncadd.s32 $0xFFFFFFFF  }
0xab: {  	s26 =	simm.s32 $execute0_lowered;
	[smem:$0x3FD2] =	sst s25  }
0xac: {  	s5 =	sshll.u32 s26, $0x1;
	_ =	strace $0x80000046;
	[dreg:$0x1] =	wrdreg $0xFFFFFFFF  }
0xad: {  	s28 =	simm.s32 $_size_execute0_lowered;
	s3 =	sadd.s32 s3, s5;
	[dreg:$0x0] =	wrdreg $0x0  }
0xae: {  	s5 =	sshll.u32 s28, $0x1;
	[dreg:$0x2] =	wrdreg s3  }
0xaf: {  	[dreg:$0x3] =	wrdreg s5  }
0xb0: {  	[dreg:$0x4] =	wrdreg $0xC0  }
0xb1: {  	_ =	task [dreg:s7], $0x5FFFF  }
0xb2: {  	[dreg:$0x1] =	wrdreg $0xFFFFFFFF  }
0xb3: {  	[dreg:$0x0] =	wrdreg $0x60  }
0xb4: {  	[dreg:$0x2] =	wrdreg s24  }
0xb5: {  	[dreg:$0x3] =	wrdreg s16  }
0xb6: {  	[dreg:$0x4] =	wrdreg $0x9  }
0xb7: {  	_ =	task.clear_ibuf [dreg:s7], $0x5FFFF;
	_ =	strace $0x90000046  }
0xb8: {  	s29 =	simm.s32 $0x9;
	_ =	strace $0x80000048  }
0xb9: {  	_ =	swait.ge [sflag:s29], $0x1  }
0xba: {  	[sflag:s29] =	ssyncadd.s32 $0xFFFFFFFF  }
0xbb: {  	_ =	strace $0x90000048  }
0xbc: {  	_ =	sfence  }
0xbd: {  	s30 =	sld [smem:$0x0];
	_ =	sdelay $0x2  }
0xbe: {  	s31 =	sshll.u32 s1, $0xD;
	s1 =	sshrl.u32 s1, $0x2  }
0xbf: {  	s3 =	sand.u32 $0x4000, s31;
	s1 =	sadd.s32 s1, s30  }
0xc0: {  	s0 =	sor.u32 s3, s0;
	s1 =	sshll.u32 s1, $0x11  }
0xc1: {  	s0 =	sor.u32 s1, s0  }
0xc2: {  	s0 =	sadd.s32 $0x8F2B, s0  }
0xc3: {  	[sflag:s0] =	ssyncadd.remote.s32 $0x1  }
0xc4: {  	_ =	sfence.sel $0xFFFF  }
0xc5: {  	[dreg:$0x0] =	wrdreg $0xFFFFFFFF;
	(pc) =	sbr.abs _section_cstart, $3  }
0xc6: {  	[dreg:$0x1] =	wrdreg $0xFFFFFFFF  }
0xc7: {  	_ =	task.clear_ibuf [dreg:s7], $0x2FFFF;
	_ =	strace $0x9FFFFFFF  }
0xc8: {  	(tm) =	ssettm $0x7FFFFFFF  }
0xc9: {  	_ =	shalt  }
tec
execute0_lowered:
.L_overlay_start_1:
0x0: {  	(tag) =	ssettag $0x1  }
0x1: {  	s0 =	rddreg [dreg:$0x0]  }
0x2: {  	s1 =	rddreg [dreg:$0x1]  }
0x3: {  	s2 =	simm.s32 $0x0;
	s23 =	srdreg.scid;
	s4 =	stileid.u32  }
0x4: {  	s17 =	simm.s32 $0x5;
	s18 =	simm.s32 $0xC380;
	s28 =	simm.s32 $0x19180  }
0x5: {  	s29 =	simm.s32 $0x3;
	s30 =	simm.s32 $0x4;
	s31 =	simm.s32 $0x0  }
0x6: {  	v0 =	vlaneseq.u32;
	[smem:$0x7FF] =	sst s2;
	s3 =	sadd.s32 $0x400, s0;
	s5 =	sadd.s32 $0x1E00, s0  }
0x7: {  	s7 =	sshll.u32 s4, $0x1;
	s6 =	sadd.s32 $0x8800, s0;
	s8 =	sadd.s32 $0x3800, s0;
	v3 =	vmul.u32 $0x6, v0  }
0x8: {  	_ =	strace $0x80000047;
	[dreg:$0x3] =	wrdreg s3;
	s3 =	sand.u32 $0x1, s23  }
0x9: {  	s9 =	sadd.s32 $0xD800, s0;
	s10 =	ssub.s32 $0x2, s3;
	s7 =	sor.u32 s3, s7;
	v0 =	vadd.s32 $0x2, v3;
	[tilespmem:$0x1FFA0] =	vst v3  }
.Ltmp0:
0xa: {  	v1 =	vadd.s32 $0x3, v3;
	s24 =	sshrl.u32 s10, $0x1;
	s11 =	sshll.u32 s7, $0x5;
	[tilespmem:$0x1FFB0] =	vst v0;
	(pc) =	sbr.rel .LBB2_1-.Ltmp0, $4  }
0xb: {  	v2 =	vadd.s32 $0x4, v3;
	s14 =	sor.u32 $0x40, s7;
	s15 =	sor.u32 $0x60, s7;
	[tilespmem:$0x1FFC0] =	vst v1;
	s25 =	ssub.s32 s10, s24  }
0xc: {  	v57 =	vadd.s32 $0x5, v3;
	[tilespmem:$0x1FFD0] =	vst v2;
	s26 =	sor.u32 $0x400, s11;
	s10 =	sadd.s32 s6, s11;
	s11 =	sadd.s32 s8, s11  }
0xd: {  	v11 =	vor.u32 $0x1, v3;
	[tilespmem:$0x1FFE0] =	vst v57;
	s24 =	simm.s32 $0x1;
	s12 =	sadd.s32 s6, s26;
	s13 =	sadd.s32 s8, s26  }
0xe: {  	v62 =	vmov v3;
	[tilespmem:$0x1FFF0] =	vst v11;
	s16 =	smax.u32 s25, $0x1;
	s25 =	simm.s32 $0x18B80;
	s26 =	simm.s32 $0x2  }
.LBB2_9:
0xf: {  	s31 =	sadd.s32 $0x1, s31  }
0x10: {  	_ =	swait.ge [sflag:s29], $0x600;
	p0 =	sne.s32 s31, s16  }
.Ltmp1:
0x11: {  	[sflag:s29] =	ssyncset.done $0x0;
	(pc) =	sbr.rel @!p0 .LBB2_10-.Ltmp1, $4  }
0x12: {  	[sflag:s29] =	ssyncadd.s32 $0xFFFFFA00  }
0x13: {  	_ =	swait.ge [sflag:s30], $0x600  }
0x14: {  	[sflag:s30] =	ssyncset.done $0x0  }
0x15: {  	[sflag:s30] =	ssyncadd.s32 $0xFFFFFA00  }
.LBB2_1:
0x16: {  	s0 =	rddreg [dreg:$0x3]  }
0x17: {  	[tilespmem:s2], [sflag:$0x5] =	stream.linear.gather [hbm4b:s0+s2], $0xC380, $0x38;
	[tilespmem:$0x19780] =	vst v63  }
0x18: {  	_ =	swait.ge [sflag:s17], $0xC380  }
0x19: {  	[sflag:s17] =	ssyncset.done $0x0  }
0x1a: {  	[sflag:s17] =	ssyncadd.s32 $0xFFFF3C80  }
0x1b: {  	[tilespmem:s18], [sflag:$0x5] =	stream.linear.gather [hbm4b:s5+s2], $0xC380, $0x38;
	[tilespmem:$0x19780] =	vst v63  }
0x1c: {  	_ =	swait.ge [sflag:s17], $0xC380  }
0x1d: {  	[sflag:s17] =	ssyncset.done $0x0  }
0x1e: {  	s19 =	simm.s32 $0x18B00;
	[sflag:s17] =	ssyncadd.s32 $0xFFFF3C80  }
0x1f: {  	[tilespmem:s19], [sflag:$0x5] =	stream.linear.gather [hbm4b:s9+s2], $0x80, $0x38;
	[tilespmem:$0x19780] =	vst v63  }
0x20: {  	_ =	swait.ge [sflag:s17], $0x80  }
0x21: {  	[sflag:s17] =	ssyncset.done $0x0  }
0x22: {  	[sflag:s17] =	ssyncadd.s32 $0xFFFFFF80  }
0x23: {  	v54 =	vld [tilespmem:$0x18B00]  }
0x24: {  	v53 =	vld [tilespmem:$0x18B10]  }
0x25: {  	v56 =	vld [tilespmem:$0x18B20]  }
0x26: {  	v55 =	vld [tilespmem:$0x18B30]  }
0x27: {  	s20 =	simm.s32 $0x18700;
	v3 =	vld [tilespmem:$0x18B40]  }
0x28: {  	v4 =	vld [tilespmem:$0x18B50];
	[tilespmem:s20], [sflag:$0x1] =	stream.linear.gather [hbm4b:s10+s2], $0x100, $0x38  }
0x29: {  	s21 =	simm.s32 $0x18900  }
0x2a: {  	[tilespmem:s21], [sflag:$0x1] =	stream.linear.gather [hbm4b:s11+s2], $0x100, $0x38;
	[tilespmem:$0x19780] =	vst v63  }
0x2b: {  	s22 =	simm.s32 $0x18800  }
0x2c: {  	[tilespmem:s22], [sflag:$0x2] =	stream.linear.gather [hbm4b:s12+s2], $0x100, $0x38;
	[tilespmem:$0x19780] =	vst v63  }
0x2d: {  	[tilespmem:$0x1FF40] =	vst v54  }
0x2e: {  	[tilespmem:$0x1FF50] =	vst v53  }
.Ltmp2:
0x2f: {  	[tilespmem:$0x1FF60] =	vst v56;
	(pc) =	sbr.rel .LBB2_2-.Ltmp2, $4  }
0x30: {  	[tilespmem:$0x1FF70] =	vst v55  }
0x31: {  	[tilespmem:$0x1FF80] =	vst v3  }
0x32: {  	s23 =	simm.s32 $0x18A00;
	s0 =	simm.s32 $0x0;
	[tilespmem:$0x1FF90] =	vst v4  }
0x33: {  	[tilespmem:s23], [sflag:$0x2] =	stream.linear.gather [hbm4b:s13+s2], $0x100, $0x38;
	[tilespmem:$0x19780] =	vst v63  }
.LBB2_8:
0x34: {  	s0 =	sadd.s32 $0x1, s0  }
0x35: {  	p0 =	sne.s32 s0, $0xA  }
.Ltmp3:
0x36: {  	v0 =	vld [tilespmem:$0x1FFB0];
	(pc) =	sbr.rel @!p0 .LBB2_9-.Ltmp3, $4  }
0x37: {  	v1 =	vld [tilespmem:$0x1FFC0]  }
0x38: {  	v2 =	vld [tilespmem:$0x1FFD0]  }
0x39: {  	v3 =	vld [tilespmem:$0x1FF80]  }
0x3a: {  	v4 =	vld [tilespmem:$0x1FF90]  }
.LBB2_2:
0x3b: {  	_ =	swait.ge [sflag:s24], $0x100  }
0x3c: {  	[sflag:s24] =	ssyncset.done $0x0  }
0x3d: {  	[sflag:s24] =	ssyncadd.s32 $0xFFFFFF00  }
0x3e: {  	_ =	swait.ge [sflag:s24], $0x100  }
0x3f: {  	p0 =	seq.s32 s0, $0x0;
	[sflag:s24] =	ssyncset.done $0x0  }
0x40: {  	s3 =	simm.s32 @!p0 $0x3;
	[sflag:s24] =	ssyncadd.s32 $0xFFFFFF00  }
0x41: {  	_ =	swait.ge @!p0 [sflag:s3], $0x600  }
0x42: {  	[sflag:s3] =	ssyncset.done @!p0 $0x0  }
0x43: {  	s4 =	simm.s32 $0x18720;
	[sflag:s3] =	ssyncadd.s32 @!p0 $0xFFFFFA00  }
0x44: {  	s19 =	simm.s32 $0x18920;
	v12 =	vld [tilespmem:s4+$0x10]  }
0x45: {  	v13 =	vld [tilespmem:s19+$0x10];
	_ =	sdelay $0x2  }
0x46: {  	v14 =	vld [tilespmem:s19+$0xFFFFFFE0]  }
0x47: {  	v15 =	vld [tilespmem:s4+$0xFFFFFFF0];
	v23 =	vmul.u32 $0x5, v12  }
0x48: {  	v19 =	vld [tilespmem:s4+$0x0];
	v24 =	vmul.u32 $0x5, v13  }
0x49: {  	v17 =	vld [tilespmem:s4+$0xFFFFFFE0];
	v18 =	vadd.s32 $0x3, v23  }
0x4a: {  	v20 =	vadd.s32 $0x3, v24  }
0x4b: {  	v16 =	vmul.u32 $0x5, v14;
	v22 =	vadd.s32 $0x4, v23  }
0x4c: {  	v21 =	vld [tilespmem:s19+$0x0];
	v15 =	vmul.u32 $0x5, v15;
	v25 =	vadd.s32 $0x4, v24  }
0x4d: {  	v12 =	vld [tilespmem:s19+$0xFFFFFFF0];
	v14 =	vmul.u32 $0x5, v19;
	v26 =	vadd.s32 $0x3, v16  }
0x4e: {  	v17 =	vmul.u32 $0x5, v17;
	v27 =	vadd.s32 $0x3, v15;
	v18 =	vld.idx.msk [tilespmem:v18+s2+$0x0], $0xffff  }
0x4f: {  	v28 =	vadd.s32 $0x3, v14;
	v20 =	vld.idx.msk [tilespmem:v20+s18+$0x0], $0xffff  }
0x50: {  	v30 =	vadd.s32 $0x4, v17;
	v22 =	vld.idx.msk [tilespmem:v22+s2+$0x0], $0xffff  }
0x51: {  	v31 =	vadd.s32 $0x4, v16;
	v25 =	vld.idx.msk [tilespmem:v25+s18+$0x0], $0xffff  }
0x52: {  	v13 =	vmul.u32 $0x5, v12;
	v12 =	vmul.u32 $0x5, v21;
	v21 =	vadd.s32 $0x3, v17;
	v26 =	vld.idx.msk [tilespmem:v26+s18+$0x0], $0xffff  }
0x53: {  	v39 =	vadd.s32 $0x1, v16;
	v27 =	vld.idx.msk [tilespmem:v27+s2+$0x0], $0xffff  }
0x54: {  	v19 =	vadd.s32 $0x3, v13;
	v28 =	vld.idx.msk [tilespmem:v28+s2+$0x0], $0xffff  }
0x55: {  	v50 =	vadd.s32 $0x2, v24;
	v30 =	vld.idx.msk [tilespmem:v30+s2+$0x0], $0xffff  }
0x56: {  	v29 =	vadd.s32 $0x3, v12;
	v31 =	vld.idx.msk [tilespmem:v31+s18+$0x0], $0xffff  }
0x57: {  	v36 =	vadd.s32 $0x4, v14;
	v21 =	vld.idx.msk [tilespmem:v21+s2+$0x0], $0xffff  }
0x58: {  	v37 =	vadd.s32 $0x1, v17;
	v5 =	vld.idx.msk [tilespmem:v39+s18+$0x0], $0xffff;
	v18 =	vadd.f32 v20, v18;
	v20 =	vadd.s32 $0x4, v15  }
0x59: {  	v38 =	vadd.s32 $0x2, v17;
	v19 =	vld.idx.msk [tilespmem:v19+s18+$0x0], $0xffff;
	v22 =	vadd.f32 v25, v22;
	v25 =	vadd.s32 $0x4, v12  }
0x5a: {  	v40 =	vadd.s32 $0x2, v16;
	v32 =	vadd.s32 $0x4, v13;
	v59 =	vld.idx.msk [tilespmem:v50+s18+$0x0], $0xffff;
	v18 =	vmul.f32 $1.953125000e-03, v18  }
0x5b: {  	v41 =	vadd.s32 $0x1, v15;
	v42 =	vadd.s32 $0x2, v15;
	v34 =	vadd.s32 $0x1, v14;
	v29 =	vld.idx.msk [tilespmem:v29+s18+$0x0], $0xffff  }
0x5c: {  	v22 =	vmul.f32 $1.953125000e-03, v22;
	v21 =	vadd.f32 v26, v21;
	v26 =	vld.idx.msk [tilespmem:v36+s2+$0x0], $0xffff;
	v18 =	vmul.f32 v18, v18  }
0x5d: {  	v33 =	vadd.s32 $0x2, v14;
	v10 =	vadd.s32 $0x1, v23;
	v30 =	vadd.f32 v31, v30;
	v20 =	vld.idx.msk [tilespmem:v20+s2+$0x0], $0xffff  }
0x5e: {  	v47 =	vadd.s32 $0x1, v24;
	v19 =	vadd.f32 v19, v27;
	v60 =	vld.idx.msk [tilespmem:v25+s18+$0x0], $0xffff;
	v18 =	vsub.f32 v22, v18  }
0x5f: {  	v43 =	vadd.s32 $0x1, v13;
	v35 =	vadd.s32 $0x2, v13;
	v39 =	vand.u32 $0xFFFF0000, v59;
	v22 =	vld.idx.msk [tilespmem:v32+s18+$0x0], $0xffff  }
0x60: {  	v51 =	vld.idx.msk [tilespmem:v23+s2+$0x0], $0xffff;
	v30 =	vmul.f32 $1.953125000e-03, v30;
	v19 =	vmul.f32 $1.953125000e-03, v19;
	v18 =	vadd.f32 $9.999999740e-06, v18  }
0x61: {  	v27 =	vadd.s32 $0x1, v12;
	v21 =	vmul.f32 $1.953125000e-03, v21;
	v25 =	vadd.f32 v29, v28;
	v28 =	vld.idx.msk [tilespmem:v37+s2+$0x0], $0xffff  }
0x62: {  	v29 =	vmul.f32 v19, v19;
	v19 =	vshrl.u32 v18, $0x1;
	v61 =	vmul.f32 $5.000000000e-01, v18  }
0x63: {  	v63 =	vld.idx.msk [tilespmem:v38+s2+$0x0], $0xffff;
	v21 =	vmul.f32 v21, v21;
	v18 =	vmul.f32 $1.953125000e-03, v25;
	v31 =	vsub.s32 $0x5F3759DF, v19  }
0x64: {  	v26 =	vadd.f32 v60, v26;
	v19 =	vadd.f32 v22, v20;
	v20 =	vmul.f32 v31, v61  }
0x65: {  	v25 =	vadd.s32 $0x2, v12;
	v60 =	vshll.u32 v51, $0x10;
	v22 =	vmul.f32 v18, v18  }
0x66: {  	v58 =	vld.idx.msk [tilespmem:v24+s18+$0x0], $0xffff;
	v18 =	vshll.u32 v28, $0x10;
	v26 =	vmul.f32 $1.953125000e-03, v26;
	v20 =	vmul.f32 v31, v20  }
0x67: {  	v6 =	vmul.f32 $1.953125000e-03, v19;
	v19 =	vand.u32 $0xFFFF0000, v28;
	v28 =	vsub.f32 v30, v21  }
0x68: {  	v21 =	vand.u32 $0xFFFF0000, v63;
	v26 =	vsub.f32 v26, v22;
	v30 =	vsub.f32 $1.500000000e+00, v20  }
0x69: {  	v22 =	vshll.u32 v5, $0x10;
	v29 =	vsub.f32 v6, v29;
	v28 =	vadd.f32 $9.999999740e-06, v28  }
0x6a: {  	v18 =	vadd.f32 v22, v18;
	v20 =	vshll.u32 v63, $0x10;
	v7 =	vmul.f32 v31, v30  }
0x6b: {  	v26 =	vadd.f32 $9.999999740e-06, v26;
	v63 =	vshll.u32 v58, $0x10;
	v29 =	vadd.f32 $9.999999740e-06, v29  }
0x6c: {  	v31 =	vshrl.u32 v28, $0x1;
	v30 =	vmul.f32 $5.000000000e-01, v28;
	v8 =	vmul.f32 v7, v61  }
0x6d: {  	v47 =	vld.idx.msk [tilespmem:v47+s18+$0x0], $0xffff;
	v32 =	vmul.f32 $5.000000000e-01, v26;
	v28 =	vshrl.u32 v29, $0x1;
	v9 =	vsub.s32 $0x5F3759DF, v31  }
0x6e: {  	v31 =	vmul.f32 $5.000000000e-01, v29;
	v29 =	vshrl.u32 v26, $0x1;
	v45 =	vmul.f32 v8, v7  }
0x6f: {  	v44 =	vsub.s32 $0x5F3759DF, v28;
	v28 =	vld.idx.msk [tilespmem:v40+s18+$0x0], $0xffff;
	v46 =	vsub.s32 $0x5F3759DF, v29;
	v29 =	vadd.s32 $0x2, v23  }
0x70: {  	v41 =	vld.idx.msk [tilespmem:v41+s2+$0x0], $0xffff;
	v26 =	vmul.f32 v9, v30;
	v23 =	vand.u32 $0xFFFF0000, v5;
	v45 =	vsub.f32 $1.500000000e+00, v45  }
0x71: {  	v48 =	vmul.f32 v44, v31;
	v49 =	vmul.f32 v46, v32;
	v19 =	vadd.f32 v23, v19  }
0x72: {  	v40 =	vld.idx.msk [tilespmem:v10+s2+$0x0], $0xffff;
	v52 =	vmul.f32 v9, v26;
	v8 =	vshll.u32 v47, $0x10;
	v37 =	vmul.f32 v45, v7  }
0x73: {  	v47 =	vand.u32 $0xFFFF0000, v47;
	v48 =	vmul.f32 v44, v48;
	v49 =	vmul.f32 v46, v49  }
0x74: {  	v38 =	vsub.f32 $1.500000000e+00, v52;
	v24 =	vshll.u32 v28, $0x10;
	v36 =	vmul.f32 v37, v61  }
0x75: {  	v26 =	vand.u32 $0xFFFF0000, v28;
	v28 =	vshll.u32 v41, $0x10;
	v48 =	vsub.f32 $1.500000000e+00, v48  }
0x76: {  	v52 =	vld.idx.msk [tilespmem:v29+s2+$0x0], $0xffff;
	v49 =	vsub.f32 $1.500000000e+00, v49;
	v29 =	vand.u32 $0xFFFF0000, v41;
	v36 =	vmul.f32 v36, v37  }
0x77: {  	v5 =	vshll.u32 v40, $0x10;
	v40 =	vand.u32 $0xFFFF0000, v40;
	v38 =	vmul.f32 v9, v38  }
0x78: {  	v45 =	vand.u32 $0xFFFF0000, v58;
	v9 =	vshll.u32 v59, $0x10;
	v36 =	vsub.f32 $1.500000000e+00, v36  }
0x79: {  	v50 =	vadd.f32 v8, v5;
	v40 =	vadd.f32 v47, v40;
	v41 =	vmul.f32 v44, v48  }
0x7a: {  	v43 =	vld.idx.msk [tilespmem:v43+s18+$0x0], $0xffff;
	v44 =	vadd.f32 v63, v60;
	v61 =	vand.u32 $0xFFFF0000, v51;
	v36 =	vmul.f32 v36, v37  }
0x7b: {  	v34 =	vld.idx.msk [tilespmem:v34+s2+$0x0], $0xffff;
	v20 =	vadd.f32 v24, v20;
	v45 =	vadd.f32 v45, v61;
	v6 =	vshll.u32 v52, $0x10  }
0x7c: {  	v7 =	vand.u32 $0xFFFF0000, v52;
	v48 =	vadd.f32 v9, v6;
	v44 =	vmul.f32 v36, v44  }
0x7d: {  	v37 =	vadd.f32 v39, v7;
	v45 =	vmul.f32 v36, v45;
	v10 =	vmul.f32 v36, v50  }
0x7e: {  	v21 =	vadd.f32 v26, v21;
	v40 =	vmul.f32 v36, v40;
	v52 =	vmul.f32 v36, v48  }
0x7f: {  	v33 =	vld.idx.msk [tilespmem:v33+s2+$0x0], $0xffff;
	v36 =	vmul.f32 v36, v37;
	v37 =	vshll.u32 v43, $0x10;
	v43 =	vand.u32 $0xFFFF0000, v43  }
0x80: {  	v47 =	vshll.u32 v34, $0x10;
	v23 =	vadd.f32 v37, v28;
	v24 =	vadd.f32 v43, v29  }
0x81: {  	v34 =	vand.u32 $0xFFFF0000, v34;
	v44 =	vadd.f32 v44, v54;
	v45 =	vadd.f32 v45, v53  }
0x82: {  	v63 =	vmul.f32 v38, v30;
	v51 =	vadd.f32 v10, v56;
	v40 =	vadd.f32 v40, v55  }
0x83: {  	v42 =	vld.idx.msk [tilespmem:v42+s2+$0x0], $0xffff;
	v5 =	vmul.f32 v41, v31;
	v60 =	vadd.f32 v52, v3;
	v36 =	vadd.f32 v36, v4  }
0x84: {  	v48 =	vshll.u32 v33, $0x10;
	v50 =	vsub.f32 $0.0e+00, v44;
	v45 =	vsub.f32 $0.0e+00, v45  }
0x85: {  	v17 =	vld.idx.msk [tilespmem:v17+s2+$0x0], $0xffff;
	v33 =	vand.u32 $0xFFFF0000, v33;
	v59 =	vsub.f32 $0.0e+00, v51;
	v40 =	vsub.f32 $0.0e+00, v40  }
0x86: {  	v44 =	vsub.f32 $0.0e+00, v60;
	v58 =	vmul.f32 $1.442695020e+00, v50;
	v45 =	vmul.f32 $1.442695020e+00, v45  }
0x87: {  	v36 =	vsub.f32 $0.0e+00, v36;
	v39 =	vmul.f32 $1.442695020e+00, v59;
	v61 =	vmul.f32 $1.442695020e+00, v40  }
0x88: {  	s20 =	simm.s32 $0x30;
	v40 =	vshll.u32 v42, $0x10;
	v44 =	vmul.f32 $1.442695020e+00, v44;
	(erf) = vpow2.f32 v58  }
0x89: {  	v35 =	vld.idx.msk [tilespmem:v35+s18+$0x0], $0xffff;
	v36 =	vmul.f32 $1.442695020e+00, v36;
	v58 =	vmov s20;
	(erf) = vpow2.f32 v45  }
0x8a: {  	v45 =	vmul.f32 v5, v41;
	v51 =	vmul.u32 $0x6, v58;
	v58 =	vshll.u32 v17, $0x10  }
0x8b: {  	(erf) = vpow2.f32 v39;
	v39 =	vand.u32 $0xFFFF0000, v42;
	v42 =	vmul.f32 v63, v38  }
0x8c: {  	v17 =	vand.u32 $0xFFFF0000, v17;
	(erf) = vpow2.f32 v61;
	v61 =	vld.idx.msk [tilespmem:v25+s18+$0x0], $0xffff;
	v25 =	vbroadcast v51, $0x0  }
0x8d: {  	v45 =	vsub.f32 $1.500000000e+00, v45;
	(erf) = vpow2.f32 v44;
	v44 =	vmul.f32 v46, v49  }
0x8e: {  	v42 =	vsub.f32 $1.500000000e+00, v42;
	(erf) = vpow2.f32 v36;
	v36 =	vshll.u32 v35, $0x10  }
0x8f: {  	v35 =	vand.u32 $0xFFFF0000, v35;
	v41 =	vmul.f32 v45, v41;
	v46 =	vmul.f32 v44, v32  }
0x90: {  	v38 =	vmul.f32 v42, v38;
	v26 =	vadd.f32 v36, v40;
	v28 =	vadd.f32 v35, v39  }
0x91: {  	v35 =	vadd.s32 v1, v25;
	v36 =	vadd.s32 v2, v25;
	v31 =	vmul.f32 v41, v31  }
0x92: {  	v46 =	vmul.f32 v46, v44;
	v30 =	vmul.f32 v38, v30;
	v45 =	vand.u32 $0xFFFF0000, v61;
	v6 =	vpop (erf)  }
0x93: {  	v16 =	vld.idx.msk [tilespmem:v16+s18+$0x0], $0xffff;
	v31 =	vmul.f32 v31, v41;
	v33 =	vadd.f32 v45, v33;
	v49 =	vadd.f32 $1.000000000e+00, v6;
	v7 =	vpop (erf)  }
0x94: {  	v14 =	vld.idx.msk [tilespmem:v14+s2+$0x0], $0xffff;
	v8 =	vsub.f32 $1.500000000e+00, v46;
	v30 =	vmul.f32 v30, v38;
	v9 =	vadd.f32 $1.000000000e+00, v7;
	v10 =	vpop (erf)  }
0x95: {  	v7 =	vld.idx.msk [tilespmem:v13+s18+$0x0], $0xffff;
	v13 =	vadd.s32 v11, v25;
	v31 =	vsub.f32 $1.500000000e+00, v31;
	v50 =	vadd.f32 $1.000000000e+00, v10  }
0x96: {  	v27 =	vld.idx.msk [tilespmem:v27+s18+$0x0], $0xffff;
	(erf) = vrcp.f32 v49;
	v59 =	vpop (erf);
	v42 =	vmul.f32 v8, v44;
	v10 =	vadd.s32 v62, v25  }
0x97: {  	v44 =	vshll.u32 v61, $0x10;
	v30 =	vsub.f32 $1.500000000e+00, v30;
	v49 =	vadd.f32 $1.000000000e+00, v59  }
0x98: {  	v6 =	vld.idx.msk [tilespmem:v15+s2+$0x0], $0xffff;
	(erf) = vrcp.f32 v9;
	v59 =	vshll.u32 v16, $0x10;
	v16 =	vand.u32 $0xFFFF0000, v16  }
0x99: {  	v60 =	vpop (erf);
	v9 =	vshll.u32 v14, $0x10;
	v14 =	vand.u32 $0xFFFF0000, v14;
	v31 =	vmul.f32 v31, v41  }
0x9a: {  	v48 =	vadd.f32 v44, v48;
	v46 =	vadd.f32 $1.000000000e+00, v60;
	(erf) = vrcp.f32 v50  }
0x9b: {  	v50 =	vshll.u32 v27, $0x10;
	v27 =	vand.u32 $0xFFFF0000, v27;
	v32 =	vmul.f32 v42, v32  }
0x9c: {  	v12 =	vld.idx.msk [tilespmem:v12+s18+$0x0], $0xffff;
	v63 =	vpop (erf);
	v30 =	vmul.f32 v30, v38;
	v16 =	vadd.f32 v16, v17;
	(erf) = vrcp.f32 v49  }
0x9d: {  	v5 =	vadd.f32 $1.000000000e+00, v63;
	v15 =	vshll.u32 v6, $0x10;
	v29 =	vadd.f32 v50, v47  }
0x9e: {  	v27 =	vadd.f32 v27, v34;
	v17 =	vmul.f32 v31, v23;
	v24 =	vmul.f32 v31, v24  }
0x9f: {  	v50 =	vadd.f32 v59, v58;
	v26 =	vmul.f32 v31, v26;
	v28 =	vmul.f32 v31, v28  }
0xa0: {  	(erf) = vrcp.f32 v46;
	v32 =	vmul.f32 v32, v42;
	v46 =	vand.u32 $0xFFFF0000, v6  }
0xa1: {  	v60 =	vshll.u32 v7, $0x10;
	v49 =	vand.u32 $0xFFFF0000, v7;
	v6 =	vshll.u32 v12, $0x10  }
0xa2: {  	v12 =	vand.u32 $0xFFFF0000, v12;
	v18 =	vmul.f32 v30, v18;
	v23 =	vadd.f32 v60, v15  }
0xa3: {  	v19 =	vmul.f32 v30, v19;
	v51 =	vadd.f32 v49, v46;
	v52 =	vadd.f32 v6, v9  }
0xa4: {  	v20 =	vmul.f32 v30, v20;
	v12 =	vadd.f32 v12, v14;
	v17 =	vadd.f32 v17, v56  }
0xa5: {  	v21 =	vmul.f32 v30, v21;
	v24 =	vadd.f32 v24, v55;
	v26 =	vadd.f32 v26, v3  }
0xa6: {  	v34 =	vmul.f32 v30, v50;
	v28 =	vadd.f32 v28, v4;
	v32 =	vsub.f32 $1.500000000e+00, v32  }
0xa7: {  	v14 =	vmul.f32 v30, v16;
	v16 =	vadd.f32 v18, v56;
	v19 =	vadd.f32 v19, v55  }
0xa8: {  	(erf) = vrcp.f32 v5;
	v20 =	vadd.f32 v20, v3;
	v21 =	vadd.f32 v21, v4  }
0xa9: {  	v18 =	vmul.f32 v31, v23;
	v23 =	vadd.f32 v34, v54;
	v14 =	vadd.f32 v14, v53  }
0xaa: {  	v30 =	vmul.f32 v31, v51;
	v17 =	vsub.f32 $0.0e+00, v17;
	v24 =	vsub.f32 $0.0e+00, v24  }
0xab: {  	v34 =	vadd.s32 v0, v25;
	v26 =	vsub.f32 $0.0e+00, v26;
	v28 =	vsub.f32 $0.0e+00, v28  }
0xac: {  	v22 =	vmul.f32 v32, v42;
	v16 =	vsub.f32 $0.0e+00, v16;
	v19 =	vsub.f32 $0.0e+00, v19  }
0xad: {  	v20 =	vsub.f32 $0.0e+00, v20;
	v17 =	vmul.f32 $1.442695020e+00, v17;
	v58 =	vmul.f32 $1.442695020e+00, v24  }
0xae: {  	v21 =	vsub.f32 $0.0e+00, v21;
	v26 =	vmul.f32 $1.442695020e+00, v26;
	v31 =	vmul.f32 v22, v52  }
0xaf: {  	v18 =	vadd.f32 v18, v54;
	v12 =	vmul.f32 v22, v12;
	v29 =	vmul.f32 v22, v29  }
0xb0: {  	v30 =	vadd.f32 v30, v53;
	v27 =	vmul.f32 v22, v27;
	v32 =	vmul.f32 v22, v48  }
0xb1: {  	v23 =	vsub.f32 $0.0e+00, v23;
	v22 =	vmul.f32 v22, v33;
	v16 =	vmul.f32 $1.442695020e+00, v16  }
0xb2: {  	v14 =	vsub.f32 $0.0e+00, v14;
	v19 =	vmul.f32 $1.442695020e+00, v19;
	v20 =	vmul.f32 $1.442695020e+00, v20  }
0xb3: {  	v21 =	vmul.f32 $1.442695020e+00, v21;
	v18 =	vsub.f32 $0.0e+00, v18;
	v30 =	vsub.f32 $0.0e+00, v30  }
0xb4: {  	v23 =	vmul.f32 $1.442695020e+00, v23;
	v31 =	vadd.f32 v31, v54;
	v12 =	vadd.f32 v12, v53  }
0xb5: {  	v14 =	vmul.f32 $1.442695020e+00, v14;
	v29 =	vadd.f32 v29, v56;
	v27 =	vadd.f32 v27, v55  }
0xb6: {  	v32 =	vadd.f32 v32, v3;
	v22 =	vadd.f32 v22, v4;
	v18 =	vmul.f32 $1.442695020e+00, v18  }
0xb7: {  	v30 =	vmul.f32 $1.442695020e+00, v30;
	v31 =	vsub.f32 $0.0e+00, v31;
	v12 =	vsub.f32 $0.0e+00, v12  }
0xb8: {  	s21 =	simm.s32 $0x0;
	(erf) = vpow2.f32 v23;
	v29 =	vsub.f32 $0.0e+00, v29;
	v24 =	vsub.f32 $0.0e+00, v27  }
0xb9: {  	v27 =	vmul.f32 $1.442695020e+00, v28;
	(erf) = vpow2.f32 v14;
	v14 =	vmov s21  }
0xba: {  	s22 =	simm.s32 $0x10;
	v22 =	vsub.f32 $0.0e+00, v22;
	(erf) = vpow2.f32 v16;
	v14 =	vmul.u32 $0x6, v14  }
0xbb: {  	v16 =	vmov s22;
	v28 =	vmul.f32 $1.442695020e+00, v31;
	v12 =	vmul.f32 $1.442695020e+00, v12  }
0xbc: {  	v31 =	vsub.f32 $0.0e+00, v32;
	v29 =	vmul.f32 $1.442695020e+00, v29;
	v32 =	vmul.f32 $1.442695020e+00, v24  }
0xbd: {  	s23 =	simm.s32 $0x20;
	v59 =	vpop (erf);
	v37 =	vmul.f32 $1.442695020e+00, v22;
	(erf) = vpow2.f32 v19;
	v16 =	vmul.u32 $0x6, v16  }
0xbe: {  	v60 =	vpop (erf);
	v19 =	vmov s23;
	(erf) = vpow2.f32 v20;
	v14 =	vbroadcast v14, $0x0  }
0xbf: {  	v61 =	vpop (erf);
	v19 =	vmul.u32 $0x6, v19;
	v31 =	vmul.f32 $1.442695020e+00, v31;
	(erf) = vpow2.f32 v21  }
0xc0: {  	v42 =	vadd.s32 v57, v25;
	v43 =	vpop (erf);
	v63 =	vbroadcast v16, $0x0;
	(erf) = vpow2.f32 v18  }
0xc1: {  	v48 =	vpop (erf);
	v24 =	vor.u32 v62, v14;
	v16 =	vbroadcast v19, $0x0;
	(erf) = vpow2.f32 v30  }
0xc2: {  	v6 =	vpop (erf);
	v23 =	vor.u32 v11, v14;
	v56 =	vadd.s32 v11, v63;
	(erf) = vpow2.f32 v17  }
0xc3: {  	s21 =	simm.s32 $0x18760;
	v22 =	vor.u32 v0, v14;
	v15 =	vor.u32 v1, v14;
	[tilespmem:$0x1FF00] =	vst v56;
	v8 =	vpop (erf);
	(erf) = vpow2.f32 v58  }
0xc4: {  	s22 =	simm.s32 $0x18960;
	v20 =	vor.u32 v2, v14;
	v19 =	vor.u32 v57, v14;
	v58 =	vld [tilespmem:s21+$0x10];
	[tilespmem:v10+s25+$0x0] =	vst.idx.msk $0xffff, v59;
	v14 =	vpop (erf);
	(erf) = vpow2.f32 v26  }
0xc5: {  	v59 =	vld [tilespmem:s22+$0x10];
	[tilespmem:v13+s25+$0x0] =	vst.idx.msk $0xffff, v60;
	v60 =	vadd.s32 v2, v63;
	v55 =	vadd.f32 $1.000000000e+00, v14;
	v14 =	vpop (erf);
	(erf) = vpow2.f32 v27  }
0xc6: {  	v18 =	vadd.s32 v62, v63;
	v26 =	vld [tilespmem:s22+$0xFFFFFFE0];
	[tilespmem:$0x1FF10] =	vst v60;
	v33 =	vadd.f32 $1.000000000e+00, v14;
	v14 =	vpop (erf);
	(erf) = vpow2.f32 v28  }
0xc7: {  	[tilespmem:v34+s25+$0x0] =	vst.idx.msk $0xffff, v61;
	v61 =	vadd.s32 v57, v63;
	v44 =	vadd.f32 $1.000000000e+00, v14;
	v14 =	vpop (erf);
	(erf) = vpow2.f32 v12  }
0xc8: {  	v21 =	vadd.s32 v1, v63;
	v17 =	vadd.s32 v0, v63;
	v27 =	vld [tilespmem:s21+$0xFFFFFFF0];
	[tilespmem:$0x1FF20] =	vst v61;
	v12 =	vpop (erf);
	(erf) = vpow2.f32 v29  }
0xc9: {  	v63 =	vadd.s32 v62, v16;
	[tilespmem:v35+s25+$0x0] =	vst.idx.msk $0xffff, v43;
	v41 =	vadd.f32 $1.000000000e+00, v12;
	v12 =	vpop (erf);
	(erf) = vpow2.f32 v32  }
0xca: {  	v54 =	vadd.f32 $1.000000000e+00, v8;
	v46 =	vadd.f32 $1.000000000e+00, v14;
	v28 =	vld [tilespmem:s22+$0xFFFFFFF0];
	[tilespmem:$0x1FF30] =	vst v63;
	v13 =	vpop (erf);
	(erf) = vpow2.f32 v31  }
0xcb: {  	v45 =	vadd.f32 $1.000000000e+00, v12;
	[tilespmem:v36+s25+$0x0] =	vst.idx.msk $0xffff, v48;
	v36 =	vmul.u32 $0x5, v58;
	v31 =	vpop (erf);
	(erf) = vpow2.f32 v37  }
0xcc: {  	s3 =	sshll.u32 s0, $0x6;
	v29 =	vld [tilespmem:s21+$0x0];
	v47 =	vadd.f32 $1.000000000e+00, v13;
	v39 =	vadd.f32 $1.000000000e+00, v31;
	(erf) = vrcp.f32 v54;
	v31 =	vpop (erf)  }
0xcd: {  	s19 =	sor.u32 s7, s3;
	s20 =	simm.s32 $0x40;
	s23 =	simm.s32 $0x80;
	v34 =	vld [tilespmem:s22+$0x0];
	[tilespmem:v42+s25+$0x0] =	vst.idx.msk $0xffff, v6;
	v37 =	vmul.u32 $0x5, v59;
	v38 =	vadd.f32 $1.000000000e+00, v31;
	(erf) = vrcp.f32 v55;
	v35 =	vpop (erf)  }
.LBB2_3:
0xce: {  	_ =	sdelay $0x3  }
0xcf: {  	v32 =	vadd.s32 $0x3, v36;
	v50 =	vmul.u32 $0x5, v26  }
0xd0: {  	v26 =	vpop (erf);
	v49 =	vmul.u32 $0x5, v27;
	v27 =	vadd.s32 $0x3, v37;
	v48 =	vmul.u32 $0x5, v28  }
0xd1: {  	v31 =	vld [tilespmem:s21+$0xFFFFFFE0];
	v28 =	vadd.s32 $0x4, v36;
	v42 =	vmul.u32 $0x5, v34;
	v53 =	vadd.f32 $1.000000000e+00, v26  }
0xd2: {  	v40 =	vmul.u32 $0x5, v29;
	v29 =	vadd.s32 $0x4, v37  }
0xd3: {  	v0 =	vadd.f32 $1.000000000e+00, v35;
	v35 =	vpop (erf);
	v1 =	vadd.s32 $0x4, v42  }
0xd4: {  	v51 =	vpop (erf);
	v32 =	vld.idx.msk [tilespmem:v32+s2+$0x0], $0xffff;
	v7 =	vadd.s32 $0x1, v49  }
0xd5: {  	v56 =	vadd.s32 $0x3, v48;
	[tilespmem:$0x1FEB0] =	vst v53;
	v53 =	vpop (erf);
	v27 =	vld.idx.msk [tilespmem:v27+s18+$0x0], $0xffff  }
0xd6: {  	v55 =	vmul.u32 $0x5, v31;
	v31 =	vadd.s32 $0x3, v40;
	v28 =	vld.idx.msk [tilespmem:v28+s2+$0x0], $0xffff;
	v57 =	vpop (erf)  }
0xd7: {  	v43 =	vadd.s32 $0x3, v50;
	v29 =	vld.idx.msk [tilespmem:v29+s18+$0x0], $0xffff;
	v59 =	vpop (erf)  }
0xd8: {  	v52 =	vadd.s32 $0x3, v49;
	v1 =	vld.idx.msk [tilespmem:v1+s18+$0x0], $0xffff;
	v63 =	vpop (erf)  }
0xd9: {  	v62 =	vadd.s32 $0x3, v42;
	v7 =	vld.idx.msk [tilespmem:v7+s2+$0x0], $0xffff;
	v2 =	vpop (erf)  }
0xda: {  	v54 =	vadd.s32 $0x4, v50;
	[tilespmem:v24+s25+$0x0] =	vst.idx.msk $0xffff, v2;
	v24 =	vld.idx.msk [tilespmem:v56+s18+$0x0], $0xffff  }
0xdb: {  	v58 =	vadd.s32 $0x4, v49;
	v60 =	vadd.s32 $0x4, v48;
	v34 =	vadd.s32 $0x3, v55;
	v56 =	vld.idx.msk [tilespmem:v31+s2+$0x0], $0xffff  }
0xdc: {  	[tilespmem:$0x1FEA0] =	vst v0;
	v61 =	vadd.s32 $0x4, v40;
	v5 =	vadd.s32 $0x1, v50;
	v0 =	vadd.s32 $0x4, v55;
	v2 =	vpop (erf);
	v43 =	vld.idx.msk [tilespmem:v43+s18+$0x0], $0xffff  }
0xdd: {  	v6 =	vadd.s32 $0x2, v50;
	v8 =	vadd.s32 $0x2, v49;
	(erf) = vrcp.f32 v33;
	[tilespmem:v23+s25+$0x0] =	vst.idx.msk $0xffff, v2;
	v2 =	vld.idx.msk [tilespmem:v52+s2+$0x0], $0xffff  }
0xde: {  	v9 =	vadd.s32 $0x1, v48;
	v3 =	vadd.s32 $0x1, v55;
	(erf) = vrcp.f32 v44;
	v44 =	vld.idx.msk [tilespmem:v62+s18+$0x0], $0xffff  }
0xdf: {  	v10 =	vadd.s32 $0x2, v48;
	v11 =	vadd.s32 $0x1, v40;
	v12 =	vadd.s32 $0x2, v40;
	v62 =	vld [tilespmem:$0x1FFF0]  }
0xe0: {  	v13 =	vadd.s32 $0x1, v42;
	v25 =	vadd.f32 v27, v32;
	v31 =	vadd.f32 $1.000000000e+00, v53;
	v52 =	vld.idx.msk [tilespmem:v34+s2+$0x0], $0xffff  }
0xe1: {  	v14 =	vadd.s32 $0x2, v42;
	v27 =	vadd.f32 v29, v28;
	v33 =	vadd.f32 $1.000000000e+00, v57;
	v0 =	vld.idx.msk [tilespmem:v0+s2+$0x0], $0xffff  }
0xe2: {  	v32 =	vadd.f32 $1.000000000e+00, v59;
	v25 =	vmul.f32 $1.953125000e-03, v25;
	(erf) = vrcp.f32 v46;
	v46 =	vld.idx.msk [tilespmem:v54+s18+$0x0], $0xffff  }
0xe3: {  	v29 =	vadd.f32 $1.000000000e+00, v63;
	v27 =	vmul.f32 $1.953125000e-03, v27;
	v3 =	vld.idx.msk [tilespmem:v3+s2+$0x0], $0xffff;
	(erf) = vrcp.f32 v41  }
0xe4: {  	v34 =	vadd.f32 $1.000000000e+00, v35;
	v28 =	vmul.f32 v25, v25;
	(erf) = vrcp.f32 v45;
	v45 =	vld.idx.msk [tilespmem:v61+s2+$0x0], $0xffff  }
0xe5: {  	v4 =	vadd.s32 $0x2, v55;
	v35 =	vadd.f32 $1.000000000e+00, v51;
	v54 =	vadd.f32 v43, v52;
	v43 =	vld.idx.msk [tilespmem:v60+s18+$0x0], $0xffff  }
0xe6: {  	(erf) = vrcp.f32 v47;
	v2 =	vadd.f32 v24, v2;
	v28 =	vsub.f32 v27, v28;
	v60 =	vld [tilespmem:$0x1FFC0]  }
0xe7: {  	v63 =	vld [tilespmem:$0x1FFD0];
	v23 =	vadd.s32 v62, v16;
	v44 =	vadd.f32 v44, v56;
	v0 =	vadd.f32 v46, v0  }
0xe8: {  	v51 =	vld.idx.msk [tilespmem:v58+s2+$0x0], $0xffff;
	v2 =	vmul.f32 $1.953125000e-03, v2;
	v57 =	vadd.f32 $9.999999740e-06, v28;
	v41 =	vmul.f32 $1.953125000e-03, v54  }
0xe9: {  	v25 =	vld [tilespmem:$0x1FFB0];
	v28 =	vshll.u32 v3, $0x10;
	v52 =	vpop (erf);
	(erf) = vrcp.f32 v39;
	v54 =	vmul.f32 $1.953125000e-03, v44  }
0xea: {  	v59 =	vld [tilespmem:$0x1FFE0];
	v0 =	vmul.f32 $1.953125000e-03, v0;
	v1 =	vadd.f32 v1, v45;
	v2 =	vmul.f32 v2, v2  }
0xeb: {  	v4 =	vld.idx.msk [tilespmem:v4+s2+$0x0], $0xffff;
	v61 =	vshrl.u32 v57, $0x1;
	v57 =	vmul.f32 $5.000000000e-01, v57;
	[tilespmem:v22+s25+$0x0] =	vst.idx.msk $0xffff, v52;
	v27 =	vadd.s32 v60, v16  }
0xec: {  	v53 =	vld.idx.msk [tilespmem:v9+s18+$0x0], $0xffff;
	v22 =	vpop (erf);
	v41 =	vmul.f32 v41, v41;
	v44 =	vsub.s32 $0x5F3759DF, v61;
	[tilespmem:$0x1FEE0] =	vst v27;
	v27 =	vadd.s32 v63, v16  }
0xed: {  	v47 =	vpop (erf);
	(erf) = vrcp.f32 v38;
	v38 =	vld [tilespmem:$0x1FF00];
	[tilespmem:$0x1FEF0] =	vst v27;
	v27 =	vadd.f32 v43, v51;
	v43 =	vmul.f32 v44, v57  }
0xee: {  	[tilespmem:$0x1FEC0] =	vst v23;
	v23 =	vadd.s32 v25, v16;
	v5 =	vld.idx.msk [tilespmem:v5+s18+$0x0], $0xffff;
	v39 =	vmul.f32 v54, v54;
	v1 =	vmul.f32 $1.953125000e-03, v1  }
0xef: {  	v6 =	vld.idx.msk [tilespmem:v6+s18+$0x0], $0xffff;
	[tilespmem:v15+s25+$0x0] =	vst.idx.msk $0xffff, v22;
	v0 =	vsub.f32 v0, v41;
	v45 =	vmul.f32 v44, v43  }
0xf0: {  	v61 =	vadd.s32 v59, v16;
	v46 =	vpop (erf);
	[tilespmem:v20+s25+$0x0] =	vst.idx.msk $0xffff, v47;
	v20 =	vand.u32 $0xFFFF0000, v4;
	v1 =	vsub.f32 v1, v39  }
0xf1: {  	v52 =	vld.idx.msk [tilespmem:v8+s2+$0x0], $0xffff;
	[tilespmem:v19+s25+$0x0] =	vst.idx.msk $0xffff, v46;
	v19 =	vshll.u32 v4, $0x10;
	v0 =	vadd.f32 $9.999999740e-06, v0;
	v41 =	vsub.f32 $1.500000000e+00, v45  }
0xf2: {  	v54 =	vld.idx.msk [tilespmem:v12+s2+$0x0], $0xffff;
	v47 =	vpop (erf);
	v1 =	vadd.f32 $9.999999740e-06, v1;
	v56 =	vmul.f32 $1.953125000e-03, v27;
	v27 =	vand.u32 $0xFFFF0000, v3  }
0xf3: {  	v51 =	vld.idx.msk [tilespmem:v10+s18+$0x0], $0xffff;
	[tilespmem:v18+s25+$0x0] =	vst.idx.msk $0xffff, v47;
	v18 =	vshll.u32 v5, $0x10;
	v15 =	vand.u32 $0xFFFF0000, v5;
	v3 =	vmul.f32 v44, v41  }
0xf4: {  	v16 =	vld.idx.msk [tilespmem:v55+s2+$0x0], $0xffff;
	v8 =	vshrl.u32 v0, $0x1;
	v55 =	vshrl.u32 v1, $0x1;
	v2 =	vsub.f32 v56, v2;
	v43 =	vpop (erf)  }
0xf5: {  	v56 =	vld.idx.msk [tilespmem:v11+s2+$0x0], $0xffff;
	v45 =	vmul.f32 $5.000000000e-01, v0;
	v11 =	vadd.s32 $0x1, v37;
	v4 =	vpop (erf);
	[tilespmem:v38+s25+$0x0] =	vst.idx.msk $0xffff, v43;
	v41 =	vmul.f32 v3, v57  }
0xf6: {  	v10 =	vld.idx.msk [tilespmem:v37+s18+$0x0], $0xffff;
	v2 =	vadd.f32 $9.999999740e-06, v2;
	[tilespmem:v17+s25+$0x0] =	vst.idx.msk $0xffff, v4;
	v4 =	vsub.s32 $0x5F3759DF, v8;
	v8 =	vadd.s32 $0x1, v36  }
0xf7: {  	v38 =	vld.idx.msk [tilespmem:v49+s2+$0x0], $0xffff;
	v49 =	vmul.f32 $5.000000000e-01, v1;
	v1 =	vadd.s32 $0x2, v36;
	v9 =	vmul.f32 v41, v3  }
0xf8: {  	v43 =	vld.idx.msk [tilespmem:v14+s18+$0x0], $0xffff;
	v44 =	vmul.f32 v4, v45;
	v39 =	vshrl.u32 v2, $0x1;
	v47 =	vmul.f32 $5.000000000e-01, v2  }
0xf9: {  	v14 =	vld.idx.msk [tilespmem:v36+s2+$0x0], $0xffff;
	v36 =	vshll.u32 v6, $0x10;
	v0 =	vsub.s32 $0x5F3759DF, v39;
	v9 =	vsub.f32 $1.500000000e+00, v9  }
0xfa: {  	v46 =	vld.idx.msk [tilespmem:v13+s18+$0x0], $0xffff;
	v2 =	vsub.s32 $0x5F3759DF, v55;
	v55 =	vadd.s32 $0x2, v37;
	v12 =	vmul.f32 v0, v47  }
0xfb: {  	v17 =	vld.idx.msk [tilespmem:v50+s18+$0x0], $0xffff;
	v36 =	vadd.f32 v36, v19;
	v13 =	vmul.f32 v2, v49;
	v41 =	vpop (erf);
	v3 =	vmul.f32 v9, v3  }
0xfc: {  	v37 =	vand.u32 $0xFFFF0000, v6;
	[tilespmem:v21+s25+$0x0] =	vst.idx.msk $0xffff, v41;
	v41 =	vmul.f32 v4, v44;
	v44 =	vmul.f32 v0, v12  }
0xfd: {  	v8 =	vld.idx.msk [tilespmem:v8+s2+$0x0], $0xffff;
	v12 =	vmul.f32 v2, v13;
	v13 =	vshll.u32 v10, $0x10;
	v50 =	vmul.f32 v3, v57  }
0xfe: {  	v1 =	vld.idx.msk [tilespmem:v1+s2+$0x0], $0xffff;
	v10 =	vand.u32 $0xFFFF0000, v10;
	v5 =	vsub.f32 $1.500000000e+00, v41;
	v41 =	vshll.u32 v7, $0x10  }
0xff: {  	v11 =	vld.idx.msk [tilespmem:v11+s18+$0x0], $0xffff;
	v9 =	vsub.f32 $1.500000000e+00, v44;
	v12 =	vsub.f32 $1.500000000e+00, v12;
	v6 =	vmul.f32 v50, v3  }
0x100: {  	v44 =	vand.u32 $0xFFFF0000, v7;
	v57 =	vand.u32 $0xFFFF0000, v14;
	v4 =	vmul.f32 v4, v5;
	v5 =	vld.idx.msk [tilespmem:v55+s18+$0x0], $0xffff  }
0x101: {  	v24 =	vld [tilespmem:$0x1FF40];
	v0 =	vmul.f32 v0, v9;
	v55 =	vshll.u32 v14, $0x10;
	v6 =	vsub.f32 $1.500000000e+00, v6  }
0x102: {  	[tilespmem:$0x1FED0] =	vst v23;
	v23 =	vld [tilespmem:$0x1FF50];
	v14 =	vshll.u32 v8, $0x10;
	v9 =	vadd.f32 v10, v57;
	v8 =	vand.u32 $0xFFFF0000, v8  }
0x103: {  	v39 =	vld.idx.msk [tilespmem:v48+s18+$0x0], $0xffff;
	v48 =	vshll.u32 v1, $0x10;
	v7 =	vadd.f32 v13, v55;
	v3 =	vmul.f32 v6, v3  }
0x104: {  	v30 =	vld [tilespmem:$0x1FF60];
	v1 =	vand.u32 $0xFFFF0000, v1;
	v50 =	vshll.u32 v11, $0x10;
	v11 =	vand.u32 $0xFFFF0000, v11  }
0x105: {  	v26 =	vld [tilespmem:$0x1FF70];
	v8 =	vadd.f32 v11, v8;
	v13 =	vshll.u32 v5, $0x10;
	v7 =	vmul.f32 v3, v7  }
0x106: {  	v21 =	vld [tilespmem:$0x1FF90];
	v6 =	vadd.f32 v50, v14;
	v5 =	vand.u32 $0xFFFF0000, v5;
	v9 =	vmul.f32 v3, v9  }
0x107: {  	v22 =	vld [tilespmem:$0x1FF80];
	v2 =	vmul.f32 v2, v12;
	v1 =	vadd.f32 v5, v1;
	v7 =	vadd.f32 v7, v24  }
0x108: {  	v10 =	vadd.f32 v13, v48;
	v6 =	vmul.f32 v3, v6;
	v9 =	vadd.f32 v9, v23  }
0x109: {  	v8 =	vmul.f32 v3, v8;
	v1 =	vmul.f32 v3, v1;
	v55 =	vsub.f32 $0.0e+00, v7  }
0x10a: {  	v57 =	vmul.f32 v3, v10;
	v6 =	vadd.f32 v6, v30;
	v9 =	vsub.f32 $0.0e+00, v9  }
0x10b: {  	v8 =	vadd.f32 v8, v26;
	v1 =	vadd.f32 v1, v21;
	v48 =	vmul.f32 $1.442695020e+00, v55  }
0x10c: {  	v50 =	vsub.f32 $0.0e+00, v6;
	v55 =	vadd.f32 v57, v22;
	v57 =	vmul.f32 $1.442695020e+00, v9  }
0x10d: {  	v12 =	vshll.u32 v54, $0x10;
	v8 =	vsub.f32 $0.0e+00, v8;
	(erf) = vpow2.f32 v48  }
0x10e: {  	v1 =	vsub.f32 $0.0e+00, v1;
	v5 =	vmul.f32 $1.442695020e+00, v50;
	(erf) = vpow2.f32 v57  }
0x10f: {  	v11 =	vmul.f32 $1.442695020e+00, v8;
	v50 =	vand.u32 $0xFFFF0000, v52;
	v6 =	vsub.f32 $0.0e+00, v55  }
0x110: {  	v48 =	vshll.u32 v52, $0x10;
	v52 =	vmul.f32 v4, v45;
	(erf) = vpow2.f32 v5  }
0x111: {  	v13 =	vand.u32 $0xFFFF0000, v54;
	v6 =	vmul.f32 $1.442695020e+00, v6;
	(erf) = vpow2.f32 v11  }
0x112: {  	v3 =	vshll.u32 v53, $0x10;
	v1 =	vmul.f32 $1.442695020e+00, v1;
	v55 =	vmul.f32 v2, v49  }
0x113: {  	v10 =	vshll.u32 v56, $0x10;
	v5 =	vmul.f32 v52, v4;
	(erf) = vpow2.f32 v6  }
0x114: {  	v9 =	vand.u32 $0xFFFF0000, v51;
	v8 =	vmul.f32 v55, v2;
	(erf) = vpow2.f32 v1  }
0x115: {  	v6 =	vand.u32 $0xFFFF0000, v53;
	v53 =	vmul.f32 v0, v47;
	v5 =	vsub.f32 $1.500000000e+00, v5  }
0x116: {  	v11 =	vand.u32 $0xFFFF0000, v56;
	v1 =	vshll.u32 v51, $0x10;
	v51 =	vshll.u32 v46, $0x10;
	v14 =	vpop (erf)  }
0x117: {  	s4 =	sadd.s32 $0x30, s20;
	v7 =	vmul.f32 v53, v0;
	v4 =	vmul.f32 v5, v4;
	v5 =	vsub.f32 $1.500000000e+00, v8;
	v56 =	vpop (erf)  }
0x118: {  	v8 =	vmov s4;
	v54 =	vadd.f32 $1.000000000e+00, v14;
	v55 =	vadd.f32 $1.000000000e+00, v56  }
0x119: {  	v53 =	vmul.u32 $0x6, v8;
	v7 =	vsub.f32 $1.500000000e+00, v7;
	v2 =	vmul.f32 v5, v2;
	v57 =	vpop (erf)  }
0x11a: {  	v52 =	vadd.f32 $1.000000000e+00, v57;
	(erf) = vrcp.f32 v54;
	v14 =	vpop (erf);
	v54 =	vmul.f32 v4, v45  }
0x11b: {  	v58 =	vld [tilespmem:$0x1FFA0];
	v0 =	vmul.f32 v7, v0;
	v14 =	vadd.f32 $1.000000000e+00, v14;
	(erf) = vrcp.f32 v55  }
0x11c: {  	v10 =	vadd.f32 v51, v10;
	v5 =	vmul.f32 v54, v4;
	v55 =	vpop (erf);
	(erf) = vrcp.f32 v52  }
0x11d: {  	v52 =	vbroadcast v53, $0x0;
	v56 =	vadd.f32 $1.000000000e+00, v55;
	v57 =	vpop (erf);
	(erf) = vrcp.f32 v14  }
0x11e: {  	v14 =	vand.u32 $0xFFFF0000, v46;
	v55 =	vmul.f32 v0, v47;
	v47 =	vshll.u32 v43, $0x10  }
0x11f: {  	v5 =	vsub.f32 $1.500000000e+00, v5;
	v8 =	vadd.f32 $1.000000000e+00, v57;
	(erf) = vrcp.f32 v56  }
0x120: {  	v43 =	vand.u32 $0xFFFF0000, v43;
	v7 =	vadd.s32 v58, v52;
	v46 =	vadd.s32 v62, v52  }
0x121: {  	v53 =	vadd.s32 v60, v52;
	v54 =	vadd.s32 v63, v52;
	(erf) = vrcp.f32 v8  }
0x122: {  	v11 =	vadd.f32 v14, v11;
	v56 =	vmul.f32 v2, v49;
	v49 =	vadd.s32 v25, v52  }
0x123: {  	v12 =	vadd.f32 v47, v12;
	v13 =	vadd.f32 v43, v13;
	v8 =	vmul.f32 v55, v0  }
0x124: {  	v40 =	vld.idx.msk [tilespmem:v40+s2+$0x0], $0xffff;
	v4 =	vmul.f32 v5, v4;
	v55 =	vshll.u32 v16, $0x10;
	v45 =	vmul.f32 v56, v2;
	v57 =	vpop (erf)  }
0x125: {  	v42 =	vld.idx.msk [tilespmem:v42+s18+$0x0], $0xffff;
	v16 =	vand.u32 $0xFFFF0000, v16;
	v8 =	vsub.f32 $1.500000000e+00, v8;
	[tilespmem:v7+s25+$0x0] =	vst.idx.msk $0xffff, v57;
	v7 =	vadd.s32 v59, v52;
	v52 =	vpop (erf)  }
0x126: {  	v56 =	vshll.u32 v17, $0x10;
	v17 =	vand.u32 $0xFFFF0000, v17;
	v45 =	vsub.f32 $1.500000000e+00, v45;
	[tilespmem:v46+s25+$0x0] =	vst.idx.msk $0xffff, v52;
	v57 =	vpop (erf)  }
0x127: {  	v16 =	vadd.f32 v17, v16;
	v52 =	vshll.u32 v38, $0x10;
	v0 =	vmul.f32 v8, v0;
	[tilespmem:v49+s25+$0x0] =	vst.idx.msk $0xffff, v57;
	v46 =	vpop (erf)  }
0x128: {  	v38 =	vand.u32 $0xFFFF0000, v38;
	v8 =	vmul.f32 v4, v36;
	v2 =	vmul.f32 v45, v2;
	[tilespmem:v53+s25+$0x0] =	vst.idx.msk $0xffff, v46;
	v46 =	vpop (erf)  }
0x129: {  	v49 =	vshll.u32 v39, $0x10;
	v39 =	vand.u32 $0xFFFF0000, v39;
	[tilespmem:v54+s25+$0x0] =	vst.idx.msk $0xffff, v46;
	v46 =	vadd.f32 v18, v28;
	v18 =	vld [tilespmem:$0x1FEA0]  }
0x12a: {  	v57 =	vshll.u32 v40, $0x10;
	v40 =	vand.u32 $0xFFFF0000, v40;
	v53 =	vshll.u32 v42, $0x10;
	v54 =	vpop (erf)  }
0x12b: {  	v42 =	vand.u32 $0xFFFF0000, v42;
	[tilespmem:v7+s25+$0x0] =	vst.idx.msk $0xffff, v54;
	v54 =	vadd.f32 v15, v27;
	v15 =	vadd.f32 v37, v20  }
0x12c: {  	v17 =	vadd.f32 v49, v52;
	v10 =	vmul.f32 v2, v10;
	v11 =	vmul.f32 v2, v11  }
0x12d: {  	v5 =	vmul.f32 v4, v46;
	v14 =	vmul.f32 v4, v15;
	v15 =	vadd.f32 v56, v55  }
0x12e: {  	v27 =	vadd.f32 v39, v38;
	v7 =	vmul.f32 v4, v54;
	(erf) = vrcp.f32 v18  }
0x12f: {  	v19 =	vadd.f32 v53, v57;
	v15 =	vmul.f32 v4, v15;
	v4 =	vmul.f32 v4, v16  }
0x130: {  	v20 =	vadd.f32 v42, v40;
	v16 =	vmul.f32 v0, v17;
	v17 =	vmul.f32 v0, v27  }
0x131: {  	v12 =	vmul.f32 v2, v12;
	v40 =	vmul.f32 v2, v19  }
0x132: {  	v19 =	vmul.f32 v2, v20;
	v2 =	vmul.f32 v2, v13;
	v13 =	vadd.f32 v17, v23;
	v17 =	vld [tilespmem:$0x1FF10];
	_ =	sdelay $0x6  }
0x133: {  	v18 =	vpop (erf)  }
0x134: {  	[tilespmem:v17+s25+$0x0] =	vst.idx.msk $0xffff, v18;
	v17 =	vld [tilespmem:$0x1FEB0];
	_ =	sdelay $0x4  }
0x135: {  	(erf) = vrcp.f32 v17;
	_ =	sdelay $0x1  }
0x136: {  	v17 =	vadd.f32 v19, v23;
	v19 =	vld [tilespmem:$0x1FF20];
	_ =	sdelay $0x5  }
0x137: {  	(erf) = vrcp.f32 v34  }
0x138: {  	v18 =	vpop (erf)  }
0x139: {  	[tilespmem:v19+s25+$0x0] =	vst.idx.msk $0xffff, v18;
	v19 =	vld [tilespmem:$0x1FF30];
	_ =	sdelay $0x5  }
0x13a: {  	(erf) = vrcp.f32 v35  }
0x13b: {  	v18 =	vpop (erf)  }
0x13c: {  	[tilespmem:v19+s25+$0x0] =	vst.idx.msk $0xffff, v18;
	v19 =	vld [tilespmem:$0x1FEC0];
	_ =	sdelay $0x5  }
0x13d: {  	(erf) = vrcp.f32 v31  }
0x13e: {  	v18 =	vpop (erf)  }
0x13f: {  	[tilespmem:v19+s25+$0x0] =	vst.idx.msk $0xffff, v18;
	v19 =	vld [tilespmem:$0x1FED0];
	_ =	sdelay $0x2  }
0x140: {  	v3 =	vadd.f32 v3, v41;
	v6 =	vadd.f32 v6, v44  }
0x141: {  	v1 =	vadd.f32 v1, v48  }
0x142: {  	v9 =	vadd.f32 v9, v50;
	v3 =	vmul.f32 v0, v3;
	v6 =	vmul.f32 v0, v6  }
0x143: {  	v1 =	vmul.f32 v0, v1;
	v8 =	vadd.f32 v8, v22;
	(erf) = vrcp.f32 v33  }
0x144: {  	v3 =	vadd.f32 v3, v30;
	v6 =	vadd.f32 v6, v26;
	v18 =	vpop (erf)  }
0x145: {  	v1 =	vadd.f32 v1, v22;
	v8 =	vsub.f32 $0.0e+00, v8;
	[tilespmem:v19+s25+$0x0] =	vst.idx.msk $0xffff, v18;
	v19 =	vld [tilespmem:$0x1FEE0]  }
0x146: {  	v10 =	vadd.f32 v10, v30;
	v11 =	vadd.f32 v11, v26  }
0x147: {  	v41 =	vmov s20;
	v12 =	vadd.f32 v12, v22;
	v3 =	vsub.f32 $0.0e+00, v3  }
0x148: {  	s4 =	sadd.s32 $0x10, s20;
	v6 =	vsub.f32 $0.0e+00, v6;
	v1 =	vsub.f32 $0.0e+00, v1;
	v8 =	vmul.f32 $1.442695020e+00, v8  }
0x149: {  	v42 =	vmov s4;
	s4 =	sadd.s32 $0x20, s20;
	v10 =	vsub.f32 $0.0e+00, v10;
	v11 =	vsub.f32 $0.0e+00, v11  }
0x14a: {  	v12 =	vsub.f32 $0.0e+00, v12;
	v43 =	vmov s4;
	v3 =	vmul.f32 $1.442695020e+00, v3  }
0x14b: {  	v5 =	vadd.f32 v5, v30;
	v0 =	vmul.f32 v0, v9;
	(erf) = vrcp.f32 v32  }
0x14c: {  	v7 =	vadd.f32 v7, v26;
	v14 =	vadd.f32 v14, v21;
	(erf) = vrcp.f32 v29;
	v18 =	vpop (erf)  }
0x14d: {  	v6 =	vmul.f32 $1.442695020e+00, v6;
	v9 =	vadd.f32 v40, v24;
	v2 =	vadd.f32 v2, v21;
	[tilespmem:v19+s25+$0x0] =	vst.idx.msk $0xffff, v18;
	v19 =	vld [tilespmem:$0x1FEF0]  }
0x14e: {  	s21 =	sadd.s32 $0x40, s21;
	v1 =	vmul.f32 $1.442695020e+00, v1;
	v5 =	vsub.f32 $0.0e+00, v5;
	v15 =	vadd.f32 v15, v24  }
0x14f: {  	v49 =	vld [tilespmem:s21+$0x10];
	v10 =	vmul.f32 $1.442695020e+00, v10;
	v4 =	vadd.f32 v4, v23;
	v16 =	vadd.f32 v16, v24  }
0x150: {  	v11 =	vmul.f32 $1.442695020e+00, v11;
	v0 =	vadd.f32 v0, v21;
	v7 =	vsub.f32 $0.0e+00, v7  }
0x151: {  	v12 =	vmul.f32 $1.442695020e+00, v12;
	v14 =	vsub.f32 $0.0e+00, v14;
	v15 =	vsub.f32 $0.0e+00, v15  }
0x152: {  	v9 =	vsub.f32 $0.0e+00, v9;
	v5 =	vmul.f32 $1.442695020e+00, v5;
	v4 =	vsub.f32 $0.0e+00, v4  }
0x153: {  	v2 =	vsub.f32 $0.0e+00, v2;
	v7 =	vmul.f32 $1.442695020e+00, v7;
	v15 =	vmul.f32 $1.442695020e+00, v15  }
0x154: {  	v36 =	vmul.u32 $0x5, v49;
	v14 =	vmul.f32 $1.442695020e+00, v14;
	v4 =	vmul.f32 $1.442695020e+00, v4;
	v18 =	vpop (erf)  }
0x155: {  	s22 =	sadd.s32 $0x40, s22;
	v16 =	vsub.f32 $0.0e+00, v16;
	v9 =	vmul.f32 $1.442695020e+00, v9;
	[tilespmem:v19+s25+$0x0] =	vst.idx.msk $0xffff, v18;
	v18 =	vpop (erf);
	(erf) = vpow2.f32 v15  }
0x156: {  	v51 =	vld [tilespmem:s22+$0x10];
	v13 =	vsub.f32 $0.0e+00, v13;
	v2 =	vmul.f32 $1.442695020e+00, v2;
	(erf) = vpow2.f32 v4  }
0x157: {  	v0 =	vsub.f32 $0.0e+00, v0;
	v16 =	vmul.f32 $1.442695020e+00, v16;
	(erf) = vpow2.f32 v5  }
0x158: {  	v13 =	vmul.f32 $1.442695020e+00, v13;
	v17 =	vsub.f32 $0.0e+00, v17;
	(erf) = vpow2.f32 v7  }
0x159: {  	v0 =	vmul.f32 $1.442695020e+00, v0;
	v4 =	vmul.u32 $0x6, v41;
	(erf) = vpow2.f32 v8  }
0x15a: {  	v55 =	vmovc v26;
	v26 =	vmul.f32 $1.442695020e+00, v17;
	v5 =	vmul.u32 $0x6, v42;
	(erf) = vpow2.f32 v14  }
0x15b: {  	v37 =	vmul.u32 $0x5, v51;
	v4 =	vbroadcast v4, $0x0;
	(erf) = vpow2.f32 v16  }
0x15c: {  	v7 =	vmul.u32 $0x6, v43;
	v5 =	vbroadcast v5, $0x0;
	(erf) = vpow2.f32 v13  }
0x15d: {  	v53 =	vmovc v23;
	v54 =	vmovc v24;
	v24 =	vor.u32 v58, v4;
	v23 =	vor.u32 v62, v4;
	(erf) = vpow2.f32 v3  }
0x15e: {  	v22 =	vor.u32 v25, v4;
	v15 =	vor.u32 v60, v4;
	v44 =	vpop (erf);
	(erf) = vpow2.f32 v6  }
0x15f: {  	v20 =	vor.u32 v63, v4;
	v19 =	vor.u32 v59, v4;
	v45 =	vpop (erf);
	(erf) = vpow2.f32 v1  }
0x160: {  	[tilespmem:v61+s25+$0x0] =	vst.idx.msk $0xffff, v18;
	v16 =	vbroadcast v7, $0x0;
	v18 =	vadd.s32 v58, v5;
	v46 =	vpop (erf);
	(erf) = vpow2.f32 v0  }
0x161: {  	v47 =	vadd.s32 v62, v5;
	v17 =	vadd.s32 v25, v5;
	v48 =	vpop (erf);
	(erf) = vpow2.f32 v9  }
0x162: {  	v21 =	vadd.s32 v60, v5;
	v56 =	vadd.s32 v63, v5;
	v50 =	vpop (erf);
	(erf) = vpow2.f32 v26  }
0x163: {  	p1 =	slt.u32 s23, $0xC0;
	v5 =	vadd.s32 v59, v5;
	v61 =	vadd.s32 v58, v16;
	v52 =	vpop (erf);
	(erf) = vpow2.f32 v10  }
.Ltmp4:
0x164: {  	v27 =	vld [tilespmem:s21+$0xFFFFFFF0];
	v3 =	vadd.f32 $1.000000000e+00, v44;
	v1 =	vadd.f32 $1.000000000e+00, v45;
	v57 =	vpop (erf);
	(erf) = vpow2.f32 v11;
	(pc) =	sbr.rel @p1 .LBB2_3-.Ltmp4, $4  }
0x165: {  	v28 =	vld [tilespmem:s22+$0xFFFFFFF0];
	[tilespmem:$0x1FF00] =	vst v47;
	v33 =	vadd.f32 $1.000000000e+00, v46;
	v44 =	vadd.f32 $1.000000000e+00, v48;
	v60 =	vpop (erf);
	(erf) = vpow2.f32 v12  }
0x166: {  	v29 =	vld [tilespmem:s21+$0x0];
	[tilespmem:$0x1FF10] =	vst v56;
	v46 =	vadd.f32 $1.000000000e+00, v50;
	v41 =	vadd.f32 $1.000000000e+00, v52;
	v62 =	vpop (erf);
	(erf) = vpow2.f32 v2  }
0x167: {  	v34 =	vld [tilespmem:s22+$0x0];
	[tilespmem:$0x1FF20] =	vst v5;
	v45 =	vadd.f32 $1.000000000e+00, v57;
	v47 =	vadd.f32 $1.000000000e+00, v60;
	(erf) = vrcp.f32 v3;
	v63 =	vpop (erf)  }
0x168: {  	s20 =	smov.u32 s23;
	s23 =	sadd.s32 $0x40, s23;
	[tilespmem:$0x1FF30] =	vst v61;
	v26 =	vld [tilespmem:s22+$0xFFFFFFE0];
	v39 =	vadd.f32 $1.000000000e+00, v62;
	v38 =	vadd.f32 $1.000000000e+00, v63;
	(erf) = vrcp.f32 v1;
	v35 =	vpop (erf)  }
0x169: {  	v0 =	vadd.s32 $0x3, v36  }
0x16a: {  	v1 =	vadd.s32 $0x3, v37  }
0x16b: {  	v2 =	vadd.s32 $0x4, v36  }
0x16c: {  	v3 =	vadd.s32 $0x4, v37  }
0x16d: {  	v4 =	vld [tilespmem:s21+$0xFFFFFFE0]  }
0x16e: {  	v0 =	vld.idx.msk [tilespmem:v0+s2+$0x0], $0xffff  }
0x16f: {  	v28 =	vmul.u32 $0x5, v28;
	v1 =	vld.idx.msk [tilespmem:v1+s18+$0x0], $0xffff  }
0x170: {  	v31 =	vmul.u32 $0x5, v26;
	v2 =	vld.idx.msk [tilespmem:v2+s2+$0x0], $0xffff  }
0x171: {  	v13 =	vadd.s32 $0x3, v28;
	v3 =	vld.idx.msk [tilespmem:v3+s18+$0x0], $0xffff;
	[tilespmem:$0x1FE80] =	vst v21;
	v21 =	vmul.u32 $0x5, v27  }
0x172: {  	v32 =	vmul.u32 $0x5, v4;
	v5 =	vadd.s32 $0x3, v31  }
0x173: {  	v27 =	vmul.u32 $0x5, v29;
	v12 =	vadd.s32 $0x3, v21  }
0x174: {  	v29 =	vmul.u32 $0x5, v34;
	v14 =	vadd.s32 $0x3, v32  }
0x175: {  	v6 =	vadd.s32 $0x3, v27;
	v0 =	vadd.f32 v1, v0  }
0x176: {  	v7 =	vadd.s32 $0x3, v29;
	v4 =	vld.idx.msk [tilespmem:v13+s18+$0x0], $0xffff  }
0x177: {  	v8 =	vadd.s32 $0x4, v32;
	v2 =	vadd.f32 v3, v2;
	v5 =	vld.idx.msk [tilespmem:v5+s18+$0x0], $0xffff;
	v0 =	vmul.f32 $1.953125000e-03, v0  }
0x178: {  	v25 =	vadd.s32 $0x4, v31;
	v1 =	vld.idx.msk [tilespmem:v12+s2+$0x0], $0xffff  }
0x179: {  	v9 =	vadd.s32 $0x4, v21;
	v2 =	vmul.f32 $1.953125000e-03, v2;
	v3 =	vld.idx.msk [tilespmem:v14+s2+$0x0], $0xffff;
	v0 =	vmul.f32 v0, v0  }
0x17a: {  	v10 =	vadd.s32 $0x4, v28;
	v6 =	vld.idx.msk [tilespmem:v6+s2+$0x0], $0xffff;
	v14 =	vpop (erf)  }
0x17b: {  	v11 =	vadd.s32 $0x4, v27;
	v7 =	vld.idx.msk [tilespmem:v7+s18+$0x0], $0xffff;
	v14 =	vadd.f32 $1.000000000e+00, v14;
	v0 =	vsub.f32 v2, v0  }
0x17c: {  	v13 =	vadd.s32 $0x4, v29;
	v8 =	vld.idx.msk [tilespmem:v8+s2+$0x0], $0xffff  }
0x17d: {  	v43 =	vadd.f32 $1.000000000e+00, v35;
	(erf) = vrcp.f32 v33;
	v2 =	vld.idx.msk [tilespmem:v25+s18+$0x0], $0xffff;
	[tilespmem:$0x1FE10] =	vst v14;
	v0 =	vadd.f32 $9.999999740e-06, v0  }
0x17e: {  	v42 =	vadd.s32 $0x1, v37;
	v61 =	vadd.s32 $0x2, v37;
	(erf) = vrcp.f32 v44;
	v9 =	vld.idx.msk [tilespmem:v9+s2+$0x0], $0xffff  }
0x17f: {  	v56 =	vmovc v30;
	(erf) = vrcp.f32 v46;
	v30 =	vld.idx.msk [tilespmem:v10+s18+$0x0], $0xffff;
	v12 =	vshrl.u32 v0, $0x1;
	v0 =	vmul.f32 $5.000000000e-01, v0  }
0x180: {  	(erf) = vrcp.f32 v41;
	v1 =	vadd.f32 v4, v1;
	v34 =	vld.idx.msk [tilespmem:v11+s2+$0x0], $0xffff;
	v12 =	vsub.s32 $0x5F3759DF, v12  }
0x181: {  	v46 =	vpop (erf);
	(erf) = vrcp.f32 v45;
	v3 =	vadd.f32 v5, v3;
	v11 =	vld.idx.msk [tilespmem:v13+s18+$0x0], $0xffff;
	v26 =	vmul.f32 v12, v0  }
0x182: {  	v49 =	vpop (erf);
	(erf) = vrcp.f32 v47;
	v6 =	vadd.f32 v7, v6;
	v1 =	vmul.f32 $1.953125000e-03, v1  }
0x183: {  	v48 =	vadd.s32 $0x1, v32;
	v3 =	vmul.f32 $1.953125000e-03, v3;
	v10 =	vmul.f32 v12, v26  }
0x184: {  	v44 =	vadd.s32 $0x2, v32;
	v6 =	vmul.f32 $1.953125000e-03, v6;
	v1 =	vmul.f32 v1, v1  }
0x185: {  	v2 =	vadd.f32 v2, v8;
	v3 =	vmul.f32 v3, v3;
	v10 =	vsub.f32 $1.500000000e+00, v10  }
0x186: {  	v6 =	vmul.f32 v6, v6;
	v4 =	vadd.f32 v30, v9;
	v5 =	vadd.f32 v11, v34  }
0x187: {  	v41 =	vadd.s32 $0x1, v36;
	v2 =	vmul.f32 $1.953125000e-03, v2;
	v35 =	vmul.f32 v12, v10  }
0x188: {  	v45 =	vadd.s32 $0x1, v31;
	v9 =	vld.idx.msk [tilespmem:v36+s2+$0x0], $0xffff;
	v4 =	vmul.f32 $1.953125000e-03, v4;
	v40 =	vmul.f32 $1.953125000e-03, v5  }
0x189: {  	v49 =	vadd.f32 $1.000000000e+00, v49;
	v2 =	vsub.f32 v2, v3;
	v8 =	vmul.f32 v35, v0  }
0x18a: {  	v47 =	vpop (erf);
	(erf) = vrcp.f32 v39;
	v1 =	vsub.f32 v4, v1;
	v4 =	vsub.f32 v40, v6  }
0x18b: {  	v47 =	vadd.f32 $1.000000000e+00, v47;
	v2 =	vadd.f32 $9.999999740e-06, v2;
	v39 =	vmul.f32 v8, v35  }
0x18c: {  	v50 =	vpop (erf);
	(erf) = vrcp.f32 v38;
	v1 =	vadd.f32 $9.999999740e-06, v1;
	v10 =	vld.idx.msk [tilespmem:v37+s18+$0x0], $0xffff;
	v4 =	vadd.f32 $9.999999740e-06, v4  }
0x18d: {  	v5 =	vld.idx.msk [tilespmem:v41+s2+$0x0], $0xffff;
	v37 =	vshll.u32 v9, $0x10;
	v9 =	vand.u32 $0xFFFF0000, v9;
	v3 =	vsub.f32 $1.500000000e+00, v39  }
0x18e: {  	v57 =	vmovc v59;
	v59 =	vmul.f32 $5.000000000e-01, v2;
	v60 =	vshrl.u32 v1, $0x1;
	v8 =	vshrl.u32 v2, $0x1  }
0x18f: {  	v62 =	vmovc v58;
	v7 =	vsub.s32 $0x5F3759DF, v8;
	v8 =	vadd.s32 $0x2, v36;
	v58 =	vmul.f32 v3, v35  }
0x190: {  	v6 =	vld.idx.msk [tilespmem:v42+s18+$0x0], $0xffff;
	v52 =	vmul.f32 $5.000000000e-01, v1;
	v25 =	vshrl.u32 v4, $0x1;
	v30 =	vmul.f32 $5.000000000e-01, v4  }
0x191: {  	v1 =	vld.idx.msk [tilespmem:v61+s18+$0x0], $0xffff;
	v61 =	vsub.s32 $0x5F3759DF, v25;
	v38 =	vshll.u32 v10, $0x10;
	v0 =	vmul.f32 v58, v0  }
0x192: {  	v10 =	vand.u32 $0xFFFF0000, v10;
	v11 =	vmul.f32 v7, v59;
	v39 =	vshll.u32 v5, $0x10  }
0x193: {  	v12 =	vadd.f32 v38, v37;
	v3 =	vsub.s32 $0x5F3759DF, v60;
	v0 =	vmul.f32 v0, v58  }
0x194: {  	v40 =	vadd.f32 v10, v9;
	v5 =	vand.u32 $0xFFFF0000, v5;
	v63 =	vmul.f32 v3, v52;
	v8 =	vld.idx.msk [tilespmem:v8+s2+$0x0], $0xffff  }
0x195: {  	v9 =	vshll.u32 v6, $0x10;
	v6 =	vand.u32 $0xFFFF0000, v6;
	v0 =	vsub.f32 $1.500000000e+00, v0  }
0x196: {  	v9 =	vadd.f32 v9, v39;
	v36 =	vmul.f32 v7, v11;
	v11 =	vmul.f32 v3, v63  }
0x197: {  	v5 =	vadd.f32 v6, v5;
	v42 =	vshll.u32 v1, $0x10;
	v0 =	vmul.f32 v0, v58  }
0x198: {  	v1 =	vand.u32 $0xFFFF0000, v1;
	v4 =	vsub.f32 $1.500000000e+00, v36;
	v35 =	vsub.f32 $1.500000000e+00, v11  }
0x199: {  	v41 =	vshll.u32 v8, $0x10;
	v8 =	vand.u32 $0xFFFF0000, v8;
	v10 =	vmul.f32 v0, v12;
	v12 =	vpop (erf)  }
0x19a: {  	v34 =	vld [tilespmem:$0x1FF80];
	v6 =	vadd.f32 v42, v41;
	v2 =	vmul.f32 v0, v40;
	v9 =	vmul.f32 v0, v9;
	v14 =	vpop (erf)  }
0x19b: {  	v25 =	vld [tilespmem:$0x1FF90];
	v13 =	vmul.f32 v61, v30;
	v1 =	vadd.f32 v1, v8;
	v10 =	vadd.f32 v10, v54;
	v42 =	vpop (erf)  }
0x19c: {  	v4 =	vmul.f32 v7, v4;
	v2 =	vadd.f32 v2, v53;
	v9 =	vadd.f32 v9, v56;
	v41 =	vpop (erf)  }
0x19d: {  	v5 =	vmul.f32 v0, v5;
	v6 =	vmul.f32 v0, v6;
	v10 =	vsub.f32 $0.0e+00, v10;
	v40 =	vpop (erf)  }
0x19e: {  	v0 =	vmul.f32 v0, v1;
	v2 =	vsub.f32 $0.0e+00, v2;
	v9 =	vsub.f32 $0.0e+00, v9;
	v51 =	vpop (erf)  }
0x19f: {  	v3 =	vmul.f32 v3, v35;
	v5 =	vadd.f32 v5, v55;
	v10 =	vmul.f32 $1.442695020e+00, v10;
	[tilespmem:$0x1FE20] =	vst v51;
	v60 =	vpop (erf)  }
0x1a0: {  	v6 =	vadd.f32 v6, v34;
	v0 =	vadd.f32 v0, v25;
	v2 =	vmul.f32 $1.442695020e+00, v2;
	[tilespmem:$0x1FE30] =	vst v60;
	v63 =	vpop (erf)  }
0x1a1: {  	v5 =	vsub.f32 $0.0e+00, v5;
	v8 =	vmul.f32 $1.442695020e+00, v9;
	(erf) = vpow2.f32 v10;
	[tilespmem:$0x1FE40] =	vst v63;
	v33 =	vpop (erf)  }
0x1a2: {  	v58 =	vsub.f32 $0.0e+00, v6;
	v10 =	vmul.f32 v3, v52;
	(erf) = vpow2.f32 v2;
	[tilespmem:$0x1FE50] =	vst v33;
	v9 =	vpop (erf)  }
0x1a3: {  	v6 =	vadd.s32 $0x1, v21;
	v5 =	vmul.f32 $1.442695020e+00, v5;
	(erf) = vpow2.f32 v8;
	[tilespmem:$0x1FE60] =	vst v9;
	v9 =	vpop (erf)  }
0x1a4: {  	v26 =	vadd.s32 $0x2, v31;
	v8 =	vmul.f32 v4, v59;
	v10 =	vmul.f32 v10, v3;
	[tilespmem:$0x1FE70] =	vst v9;
	v9 =	vpop (erf)  }
0x1a5: {  	v0 =	vsub.f32 $0.0e+00, v0;
	(erf) = vpow2.f32 v5;
	v5 =	vmul.f32 v61, v13;
	[tilespmem:$0x1FE90] =	vst v9  }
0x1a6: {  	v1 =	vmul.f32 $1.442695020e+00, v58;
	v36 =	vmul.f32 v8, v4;
	v10 =	vsub.f32 $1.500000000e+00, v10;
	v58 =	vld.idx.msk [tilespmem:v48+s2+$0x0], $0xffff  }
0x1a7: {  	v0 =	vmul.f32 $1.442695020e+00, v0;
	v33 =	vadd.s32 $0x2, v29;
	v5 =	vsub.f32 $1.500000000e+00, v5;
	v63 =	vld.idx.msk [tilespmem:v45+s18+$0x0], $0xffff  }
0x1a8: {  	(erf) = vpow2.f32 v1;
	v6 =	vld.idx.msk [tilespmem:v6+s2+$0x0], $0xffff;
	v7 =	vsub.f32 $1.500000000e+00, v36;
	v3 =	vmul.f32 v10, v3  }
0x1a9: {  	v1 =	vadd.s32 $0x2, v21;
	v8 =	vadd.s32 $0x1, v28;
	v2 =	vmul.f32 v61, v5  }
0x1aa: {  	v9 =	vadd.s32 $0x2, v28;
	v4 =	vmul.f32 v7, v4;
	v60 =	vmul.f32 v3, v52;
	v11 =	vpop (erf)  }
0x1ab: {  	(erf) = vpow2.f32 v0;
	v35 =	vld.idx.msk [tilespmem:v26+s18+$0x0], $0xffff;
	v37 =	vadd.f32 $1.000000000e+00, v11;
	v11 =	vmul.f32 v2, v30  }
0x1ac: {  	v48 =	vadd.f32 $1.000000000e+00, v12;
	v59 =	vmul.f32 v4, v59;
	v36 =	vmul.f32 v60, v3  }
0x1ad: {  	v38 =	vpop (erf);
	v13 =	vand.u32 $0xFFFF0000, v58;
	v12 =	vand.u32 $0xFFFF0000, v63;
	v60 =	vshll.u32 v6, $0x10  }
0x1ae: {  	v5 =	vadd.f32 $1.000000000e+00, v38;
	v39 =	vpop (erf);
	v12 =	vadd.f32 v12, v13;
	(erf) = vrcp.f32 v37  }
0x1af: {  	v1 =	vld.idx.msk [tilespmem:v1+s2+$0x0], $0xffff;
	v7 =	vadd.f32 $1.000000000e+00, v39;
	v51 =	vpop (erf);
	v11 =	vmul.f32 v11, v2;
	v61 =	vmul.f32 v59, v4  }
0x1b0: {  	v9 =	vld.idx.msk [tilespmem:v9+s18+$0x0], $0xffff;
	v45 =	vsub.f32 $1.500000000e+00, v36;
	v59 =	vshll.u32 v35, $0x10;
	v0 =	vadd.f32 $1.000000000e+00, v51  }
0x1b1: {  	(erf) = vrcp.f32 v5;
	v5 =	vadd.s32 $0x1, v27;
	v51 =	vadd.f32 $1.000000000e+00, v46  }
0x1b2: {  	v10 =	vpop (erf);
	v46 =	vadd.f32 $1.000000000e+00, v50;
	(erf) = vrcp.f32 v7;
	v11 =	vsub.f32 $1.500000000e+00, v11  }
0x1b3: {  	v26 =	vld.idx.msk [tilespmem:v33+s18+$0x0], $0xffff;
	v7 =	vadd.s32 $0x2, v27;
	v10 =	vadd.f32 $1.000000000e+00, v10;
	v37 =	vsub.f32 $1.500000000e+00, v61  }
0x1b4: {  	v3 =	vmul.f32 v45, v3;
	v61 =	vshll.u32 v1, $0x10;
	v1 =	vand.u32 $0xFFFF0000, v1  }
0x1b5: {  	v32 =	vld.idx.msk [tilespmem:v32+s2+$0x0], $0xffff;
	v33 =	vshll.u32 v9, $0x10;
	(erf) = vrcp.f32 v0;
	v2 =	vmul.f32 v11, v2  }
0x1b6: {  	v9 =	vand.u32 $0xFFFF0000, v9;
	(erf) = vrcp.f32 v10;
	v10 =	vld.idx.msk [tilespmem:v44+s2+$0x0], $0xffff;
	v4 =	vmul.f32 v37, v4  }
0x1b7: {  	v0 =	vadd.s32 $0x1, v29;
	v1 =	vadd.f32 v9, v1;
	v11 =	vpop (erf);
	v38 =	vmul.f32 v2, v30  }
0x1b8: {  	v8 =	vld.idx.msk [tilespmem:v8+s18+$0x0], $0xffff;
	v9 =	vshll.u32 v26, $0x10;
	v12 =	vmul.f32 v4, v12;
	v11 =	vadd.f32 $1.000000000e+00, v11  }
0x1b9: {  	v31 =	vld.idx.msk [tilespmem:v31+s18+$0x0], $0xffff;
	v44 =	vadd.f32 $1.000000000e+00, v14;
	v14 =	vand.u32 $0xFFFF0000, v35;
	v52 =	vmul.f32 v38, v2  }
0x1ba: {  	v5 =	vld.idx.msk [tilespmem:v5+s2+$0x0], $0xffff;
	v38 =	vshll.u32 v32, $0x10;
	v12 =	vadd.f32 v12, v55;
	(erf) = vrcp.f32 v11  }
0x1bb: {  	v7 =	vld.idx.msk [tilespmem:v7+s2+$0x0], $0xffff;
	v11 =	vshll.u32 v58, $0x10;
	v39 =	vshll.u32 v10, $0x10;
	v58 =	vshll.u32 v63, $0x10  }
0x1bc: {  	v0 =	vld.idx.msk [tilespmem:v0+s18+$0x0], $0xffff;
	v10 =	vand.u32 $0xFFFF0000, v10;
	v11 =	vadd.f32 v58, v11;
	v52 =	vsub.f32 $1.500000000e+00, v52  }
0x1bd: {  	v21 =	vld.idx.msk [tilespmem:v21+s2+$0x0], $0xffff;
	v63 =	vshll.u32 v8, $0x10;
	v45 =	vadd.f32 v59, v39;
	v10 =	vadd.f32 v14, v10  }
0x1be: {  	v28 =	vld.idx.msk [tilespmem:v28+s18+$0x0], $0xffff;
	(erf) = vrcp.f32 v43;
	v13 =	vadd.f32 v63, v60;
	v14 =	vadd.f32 v33, v61  }
0x1bf: {  	v39 =	vand.u32 $0xFFFF0000, v32;
	v58 =	vshll.u32 v31, $0x10;
	v31 =	vand.u32 $0xFFFF0000, v31  }
0x1c0: {  	v30 =	vld.idx.msk [tilespmem:v29+s18+$0x0], $0xffff;
	v35 =	vshll.u32 v5, $0x10;
	v5 =	vand.u32 $0xFFFF0000, v5;
	v36 =	vshll.u32 v7, $0x10  }
0x1c1: {  	v37 =	vshll.u32 v0, $0x10;
	v0 =	vand.u32 $0xFFFF0000, v0;
	v9 =	vadd.f32 v9, v36;
	v36 =	vld [tilespmem:$0x1FE10]  }
0x1c2: {  	v59 =	vshll.u32 v21, $0x10;
	v33 =	vadd.f32 v0, v5;
	v5 =	vadd.f32 v58, v38  }
0x1c3: {  	v60 =	vshll.u32 v28, $0x10;
	v31 =	vadd.f32 v31, v39;
	v11 =	vmul.f32 v4, v11  }
0x1c4: {  	v12 =	vsub.f32 $0.0e+00, v12;
	v45 =	vmul.f32 v4, v45;
	v5 =	vmul.f32 v4, v5  }
0x1c5: {  	v32 =	vadd.f32 v60, v59;
	v10 =	vmul.f32 v4, v10;
	v4 =	vmul.f32 v4, v31  }
0x1c6: {  	v63 =	vshll.u32 v30, $0x10;
	v5 =	vadd.f32 v5, v54;
	(erf) = vrcp.f32 v36  }
0x1c7: {  	v2 =	vmul.f32 v52, v2;
	v4 =	vadd.f32 v4, v53;
	(erf) = vrcp.f32 v51  }
0x1c8: {  	v52 =	vld.idx.msk [tilespmem:v27+s2+$0x0], $0xffff;
	v11 =	vadd.f32 v11, v56;
	(erf) = vrcp.f32 v49;
	v5 =	vsub.f32 $0.0e+00, v5  }
0x1c9: {  	v12 =	vmul.f32 $1.442695020e+00, v12;
	v49 =	vpop (erf);
	v4 =	vsub.f32 $0.0e+00, v4;
	(erf) = vrcp.f32 v47  }
0x1ca: {  	v11 =	vsub.f32 $0.0e+00, v11;
	v47 =	vpop (erf);
	(erf) = vrcp.f32 v46;
	v5 =	vmul.f32 $1.442695020e+00, v5  }
0x1cb: {  	v59 =	vld [tilespmem:$0x1FFF0];
	v45 =	vadd.f32 v45, v34;
	v46 =	vpop (erf);
	v4 =	vmul.f32 $1.442695020e+00, v4;
	(erf) = vrcp.f32 v48  }
0x1cc: {  	v27 =	vld [tilespmem:$0x1FFB0];
	v58 =	vand.u32 $0xFFFF0000, v30;
	v11 =	vmul.f32 $1.442695020e+00, v11;
	v48 =	vpop (erf);
	(erf) = vrcp.f32 v44  }
0x1cd: {  	v30 =	vld [tilespmem:$0x1FFC0];
	v45 =	vsub.f32 $0.0e+00, v45;
	v61 =	vshll.u32 v52, $0x10;
	v44 =	vpop (erf);
	(erf) = vpow2.f32 v5  }
0x1ce: {  	v50 =	vadd.f32 v63, v61;
	v63 =	vld [tilespmem:$0x1FFD0];
	[tilespmem:v24+s25+$0x0] =	vst.idx.msk $0xffff, v42;
	v5 =	vpop (erf);
	(erf) = vpow2.f32 v4  }
0x1cf: {  	v45 =	vmul.f32 $1.442695020e+00, v45;
	[tilespmem:v23+s25+$0x0] =	vst.idx.msk $0xffff, v41;
	v4 =	vpop (erf);
	(erf) = vpow2.f32 v11  }
0x1d0: {  	[tilespmem:v22+s25+$0x0] =	vst.idx.msk $0xffff, v40;
	v11 =	vpop (erf);
	(erf) = vpow2.f32 v12  }
0x1d1: {  	v12 =	vpop (erf);
	(erf) = vpow2.f32 v45;
	v45 =	vld [tilespmem:$0x1FE20];
	_ =	sdelay $0x4  }
0x1d2: {  	[tilespmem:v15+s25+$0x0] =	vst.idx.msk $0xffff, v45  }
0x1d3: {  	v15 =	vld [tilespmem:$0x1FE30];
	_ =	sdelay $0x4  }
0x1d4: {  	[tilespmem:v20+s25+$0x0] =	vst.idx.msk $0xffff, v15  }
0x1d5: {  	v15 =	vld [tilespmem:$0x1FE40];
	_ =	sdelay $0x4  }
0x1d6: {  	[tilespmem:v19+s25+$0x0] =	vst.idx.msk $0xffff, v15  }
0x1d7: {  	v15 =	vld [tilespmem:$0x1FE50];
	_ =	sdelay $0x4  }
0x1d8: {  	v21 =	vand.u32 $0xFFFF0000, v21;
	v28 =	vand.u32 $0xFFFF0000, v28;
	[tilespmem:v18+s25+$0x0] =	vst.idx.msk $0xffff, v15  }
0x1d9: {  	v39 =	vadd.s32 v57, v16;
	v7 =	vand.u32 $0xFFFF0000, v7;
	v43 =	vadd.f32 v37, v35;
	v15 =	vld [tilespmem:$0x1FF00]  }
0x1da: {  	v35 =	vadd.f32 v28, v21;
	v29 =	vadd.s32 v59, v16;
	v38 =	vadd.s32 v27, v16  }
0x1db: {  	v28 =	vadd.s32 v30, v16;
	v37 =	vadd.s32 v63, v16;
	v16 =	vand.u32 $0xFFFF0000, v26  }
0x1dc: {  	v7 =	vadd.f32 v16, v7;
	v16 =	vld [tilespmem:$0x1FE60];
	_ =	sdelay $0x2  }
0x1dd: {  	s4 =	sadd.s32 $0x30, s20;
	v6 =	vand.u32 $0xFFFF0000, v6;
	v8 =	vand.u32 $0xFFFF0000, v8  }
0x1de: {  	v6 =	vadd.f32 v8, v6;
	v8 =	vmov s4  }
0x1df: {  	v1 =	vmul.f32 v3, v1;
	v8 =	vmul.u32 $0x6, v8;
	v13 =	vmul.f32 v3, v13;
	[tilespmem:v15+s25+$0x0] =	vst.idx.msk $0xffff, v16  }
0x1e0: {  	v6 =	vmul.f32 v3, v6;
	v14 =	vmul.f32 v3, v14;
	v15 =	vld [tilespmem:$0x1FE70]  }
0x1e1: {  	v8 =	vbroadcast v8, $0x0;
	v60 =	vmul.f32 v3, v32;
	v52 =	vand.u32 $0xFFFF0000, v52  }
0x1e2: {  	v9 =	vmul.f32 v2, v9;
	v43 =	vmul.f32 v2, v43;
	v52 =	vadd.f32 v58, v52  }
0x1e3: {  	v21 =	vmul.f32 v2, v33;
	v61 =	vmul.f32 v3, v35;
	v3 =	vadd.s32 v62, v8  }
0x1e4: {  	v50 =	vmul.f32 v2, v50;
	v52 =	vmul.f32 v2, v52;
	v26 =	vadd.s32 v59, v8  }
0x1e5: {  	v2 =	vmul.f32 v2, v7;
	v7 =	vadd.s32 v27, v8;
	[tilespmem:v17+s25+$0x0] =	vst.idx.msk $0xffff, v15  }
0x1e6: {  	v33 =	vadd.s32 v30, v8;
	v15 =	vld [tilespmem:$0x1FE80]  }
0x1e7: {  	v51 =	vadd.s32 v63, v8  }
0x1e8: {  	v8 =	vadd.s32 v57, v8;
	v40 =	vld [tilespmem:$0x1FE90];
	[tilespmem:v3+s25+$0x0] =	vst.idx.msk $0xffff, v49  }
0x1e9: {  	[tilespmem:v26+s25+$0x0] =	vst.idx.msk $0xffff, v47  }
0x1ea: {  	[tilespmem:v7+s25+$0x0] =	vst.idx.msk $0xffff, v46  }
0x1eb: {  	[tilespmem:v33+s25+$0x0] =	vst.idx.msk $0xffff, v48  }
0x1ec: {  	[tilespmem:v51+s25+$0x0] =	vst.idx.msk $0xffff, v44  }
0x1ed: {  	v52 =	vadd.f32 v52, v53;
	[tilespmem:v8+s25+$0x0] =	vst.idx.msk $0xffff, v5  }
0x1ee: {  	v1 =	vadd.f32 v1, v25;
	[tilespmem:v15+s25+$0x0] =	vst.idx.msk $0xffff, v40  }
0x1ef: {  	v10 =	vadd.f32 v10, v25;
	v58 =	vsub.f32 $0.0e+00, v52;
	v52 =	vld [tilespmem:$0x1FF10];
	_ =	sdelay $0x1  }
0x1f0: {  	v1 =	vsub.f32 $0.0e+00, v1;
	v10 =	vsub.f32 $0.0e+00, v10  }
0x1f1: {  	v13 =	vadd.f32 v13, v56;
	v31 =	vadd.f32 v60, v54  }
0x1f2: {  	v6 =	vadd.f32 v6, v55;
	v10 =	vmul.f32 $1.442695020e+00, v10;
	v32 =	vadd.f32 v61, v53  }
0x1f3: {  	v13 =	vsub.f32 $0.0e+00, v13;
	v31 =	vsub.f32 $0.0e+00, v31  }
0x1f4: {  	v1 =	vmul.f32 $1.442695020e+00, v1;
	v14 =	vadd.f32 v14, v34;
	v32 =	vsub.f32 $0.0e+00, v32  }
0x1f5: {  	v13 =	vmul.f32 $1.442695020e+00, v13;
	v31 =	vmul.f32 $1.442695020e+00, v31;
	v2 =	vadd.f32 v2, v25;
	v25 =	vpop (erf)  }
0x1f6: {  	v6 =	vsub.f32 $0.0e+00, v6;
	v42 =	vmul.f32 $1.442695020e+00, v32;
	(erf) = vpow2.f32 v10;
	v10 =	vpop (erf);
	[tilespmem:v52+s25+$0x0] =	vst.idx.msk $0xffff, v4  }
0x1f7: {  	v14 =	vsub.f32 $0.0e+00, v14;
	v50 =	vadd.f32 v50, v54;
	(erf) = vpow2.f32 v31;
	v22 =	vpop (erf);
	v19 =	vld [tilespmem:$0x1FF20]  }
0x1f8: {  	v43 =	vadd.f32 v43, v56;
	v6 =	vmul.f32 $1.442695020e+00, v6;
	(erf) = vpow2.f32 v42;
	v24 =	vpop (erf)  }
0x1f9: {  	v14 =	vmul.f32 $1.442695020e+00, v14;
	v50 =	vsub.f32 $0.0e+00, v50;
	(erf) = vpow2.f32 v13;
	v13 =	vpop (erf)  }
0x1fa: {  	v9 =	vadd.f32 v9, v34;
	v0 =	vadd.f32 v21, v55;
	(erf) = vpow2.f32 v6;
	v60 =	vpop (erf)  }
0x1fb: {  	v61 =	vsub.f32 $0.0e+00, v43;
	(erf) = vpow2.f32 v14;
	v31 =	vpop (erf);
	v20 =	vmul.f32 $1.442695020e+00, v50  }
0x1fc: {  	v0 =	vsub.f32 $0.0e+00, v0;
	v32 =	vmul.f32 $1.442695020e+00, v58;
	(erf) = vpow2.f32 v1;
	v34 =	vpop (erf)  }
0x1fd: {  	v9 =	vsub.f32 $0.0e+00, v9;
	v35 =	vmul.f32 $1.442695020e+00, v61;
	v36 =	vpop (erf);
	(erf) = vpow2.f32 v20  }
0x1fe: {  	v0 =	vmul.f32 $1.442695020e+00, v0;
	v2 =	vsub.f32 $0.0e+00, v2;
	v41 =	vpop (erf);
	(erf) = vpow2.f32 v32  }
0x1ff: {  	v42 =	vmul.f32 $1.442695020e+00, v9;
	v9 =	vmov s20;
	v43 =	vpop (erf);
	(erf) = vpow2.f32 v35;
	[tilespmem:v19+s25+$0x0] =	vst.idx.msk $0xffff, v11  }
0x200: {  	v2 =	vmul.f32 $1.442695020e+00, v2;
	v9 =	vmul.u32 $0x6, v9;
	v45 =	vpop (erf);
	(erf) = vpow2.f32 v0;
	v15 =	vld [tilespmem:$0x1FF30]  }
0x201: {  	v6 =	vadd.f32 $1.000000000e+00, v60;
	(erf) = vpow2.f32 v42;
	v47 =	vpop (erf)  }
0x202: {  	v14 =	vadd.f32 $1.000000000e+00, v31;
	(erf) = vpow2.f32 v2;
	v48 =	vpop (erf);
	v8 =	vadd.f32 $1.000000000e+00, v36  }
0x203: {  	v1 =	vadd.f32 $1.000000000e+00, v34;
	(erf) = vrcp.f32 v6;
	v50 =	vpop (erf)  }
0x204: {  	v51 =	vbroadcast v9, $0x0;
	(erf) = vrcp.f32 v14;
	v9 =	vpop (erf);
	v11 =	vadd.f32 $1.000000000e+00, v43  }
0x205: {  	v60 =	vadd.f32 $1.000000000e+00, v41;
	(erf) = vrcp.f32 v1;
	v61 =	vpop (erf)  }
0x206: {  	s21 =	sadd.s32 $0x10, s20;
	(erf) = vrcp.f32 v8;
	v8 =	vpop (erf)  }
0x207: {  	v0 =	vadd.f32 $1.000000000e+00, v45;
	v46 =	vmov s21;
	(erf) = vrcp.f32 v60;
	v21 =	vpop (erf)  }
0x208: {  	s22 =	sadd.s32 $0x20, s20;
	v7 =	vmul.u32 $0x6, v46;
	v20 =	vor.u32 v62, v51;
	(erf) = vrcp.f32 v11;
	v11 =	vpop (erf);
	[tilespmem:v15+s25+$0x0] =	vst.idx.msk $0xffff, v12  }
0x209: {  	v49 =	vmov s22;
	v3 =	vadd.f32 $1.000000000e+00, v47;
	v2 =	vadd.f32 $1.000000000e+00, v48;
	v23 =	vpop (erf);
	[tilespmem:v29+s25+$0x0] =	vst.idx.msk $0xffff, v25  }
0x20a: {  	v7 =	vbroadcast v7, $0x0;
	(erf) = vrcp.f32 v0;
	v26 =	vpop (erf);
	[tilespmem:v38+s25+$0x0] =	vst.idx.msk $0xffff, v10;
	v10 =	vor.u32 v59, v51  }
0x20b: {  	v6 =	vadd.f32 $1.000000000e+00, v50;
	v9 =	vadd.f32 $1.000000000e+00, v9;
	(erf) = vrcp.f32 v3;
	v29 =	vpop (erf)  }
0x20c: {  	v31 =	vor.u32 v63, v51;
	(erf) = vrcp.f32 v2;
	v25 =	vor.u32 v27, v51;
	v32 =	vpop (erf);
	[tilespmem:v28+s25+$0x0] =	vst.idx.msk $0xffff, v22  }
0x20d: {  	v8 =	vadd.f32 $1.000000000e+00, v8;
	(erf) = vrcp.f32 v6;
	v28 =	vor.u32 v30, v51;
	[tilespmem:v20+s25+$0x0] =	vst.idx.msk $0xffff, v32  }
0x20e: {  	v1 =	vadd.f32 $1.000000000e+00, v61;
	(erf) = vrcp.f32 v9;
	v9 =	vadd.f32 $1.000000000e+00, v21;
	v33 =	vpop (erf);
	[tilespmem:v37+s25+$0x0] =	vst.idx.msk $0xffff, v24  }
0x20f: {  	v58 =	vmul.u32 $0x6, v49;
	v5 =	vor.u32 v57, v51;
	[tilespmem:v10+s25+$0x0] =	vst.idx.msk $0xffff, v33;
	v10 =	vadd.f32 $1.000000000e+00, v11  }
0x210: {  	v34 =	vadd.s32 v62, v7;
	(erf) = vrcp.f32 v1;
	v35 =	vpop (erf);
	[tilespmem:v39+s25+$0x0] =	vst.idx.msk $0xffff, v13  }
0x211: {  	v36 =	vadd.s32 v59, v7;
	v4 =	vbroadcast v58, $0x0;
	(erf) = vrcp.f32 v8;
	v8 =	vpop (erf);
	[tilespmem:v25+s25+$0x0] =	vst.idx.msk $0xffff, v35  }
0x212: {  	v0 =	vadd.f32 $1.000000000e+00, v23;
	(erf) = vrcp.f32 v9;
	v9 =	vpop (erf);
	[tilespmem:v28+s25+$0x0] =	vst.idx.msk $0xffff, v8;
	v8 =	vadd.s32 v27, v7  }
0x213: {  	v3 =	vadd.f32 $1.000000000e+00, v26;
	(erf) = vrcp.f32 v10;
	[tilespmem:v31+s25+$0x0] =	vst.idx.msk $0xffff, v9;
	v9 =	vadd.s32 v30, v7;
	v10 =	vpop (erf)  }
0x214: {  	v2 =	vadd.f32 $1.000000000e+00, v29;
	v37 =	vadd.s32 v63, v7;
	(erf) = vrcp.f32 v0;
	[tilespmem:v5+s25+$0x0] =	vst.idx.msk $0xffff, v10;
	v38 =	vpop (erf)  }
0x215: {  	v39 =	vadd.s32 v57, v7;
	(erf) = vrcp.f32 v3;
	[tilespmem:v34+s25+$0x0] =	vst.idx.msk $0xffff, v38;
	v40 =	vpop (erf)  }
0x216: {  	v41 =	vadd.s32 v62, v4;
	(erf) = vrcp.f32 v2;
	[tilespmem:v36+s25+$0x0] =	vst.idx.msk $0xffff, v40;
	v42 =	vpop (erf)  }
0x217: {  	v43 =	vadd.s32 v59, v4;
	[tilespmem:v8+s25+$0x0] =	vst.idx.msk $0xffff, v42;
	v44 =	vpop (erf)  }
0x218: {  	v45 =	vadd.s32 v27, v4;
	[tilespmem:v9+s25+$0x0] =	vst.idx.msk $0xffff, v44;
	v46 =	vpop (erf)  }
0x219: {  	v47 =	vadd.s32 v30, v4;
	[tilespmem:v37+s25+$0x0] =	vst.idx.msk $0xffff, v46;
	v48 =	vpop (erf)  }
0x21a: {  	v49 =	vadd.s32 v63, v4;
	[tilespmem:v39+s25+$0x0] =	vst.idx.msk $0xffff, v48;
	v50 =	vpop (erf)  }
0x21b: {  	v51 =	vadd.s32 v57, v4;
	[tilespmem:v41+s25+$0x0] =	vst.idx.msk $0xffff, v50;
	v52 =	vpop (erf)  }
0x21c: {  	[tilespmem:v43+s25+$0x0] =	vst.idx.msk $0xffff, v52;
	v58 =	vpop (erf)  }
0x21d: {  	[tilespmem:v45+s25+$0x0] =	vst.idx.msk $0xffff, v58;
	v60 =	vpop (erf)  }
0x21e: {  	s23 =	smul.u32 $0xC0, s19;
	[tilespmem:v47+s25+$0x0] =	vst.idx.msk $0xffff, v60;
	v61 =	vpop (erf)  }
0x21f: {  	[tilespmem:v49+s25+$0x0] =	vst.idx.msk $0xffff, v61;
	v63 =	vpop (erf)  }
0x220: {  	s4 =	sadd.s32 s1, s23;
	[tilespmem:v51+s25+$0x0] =	vst.idx.msk $0xffff, v63  }
0x221: {  	[hbm4b:s4+s2] =	stream.linear.scatter [tilespmem:s25], [sflag:$0x3], $0x600, $0x38;
	[tilespmem:$0x19780] =	vst v63  }
0x222: {  	s4 =	sadd.s32 s14, s3  }
0x223: {  	p1 =	sgt.u32 s4, $0x270  }
0x224: {  	s4 =	sshll.u32 @!p1 s4, $0x5  }
0x225: {  	s21 =	simm.s32 @!p1 $0x0;
	s22 =	simm.s32 @!p1 $0x18700;
	s20 =	sadd.s32 @!p1 s6, s4  }
0x226: {  	[tilespmem:s22], [sflag:$0x1] =	stream.linear.gather @!p1 [hbm4b:s20+s21], $0x100, $0x38;
	[tilespmem:$0x19780] =	vst v63  }
0x227: {  	s19 =	sor.u32 $0x20, s19;
	s4 =	sadd.s32 @!p1 s8, s4;
	s20 =	simm.s32 @!p1 $0x18900  }
0x228: {  	[tilespmem:s20], [sflag:$0x1] =	stream.linear.gather @!p1 [hbm4b:s4+s21], $0x100, $0x38;
	[tilespmem:$0x19780] =	vst v63  }
0x229: {  	p1 =	sgt.u32 s19, $0x270  }
.Ltmp5:
0x22a: {  	_ = 	snop;
	(pc) =	sbr.rel @p1 .LBB2_8-.Ltmp5, $2  }
0x22b: {  	_ =	sdelay $0x2  }
0x22c: {  	v11 =	vmov v59  }
0x22d: {  	_ =	swait.ge [sflag:s26], $0x100  }
0x22e: {  	[sflag:s26] =	ssyncset.done $0x0  }
0x22f: {  	[sflag:s26] =	ssyncadd.s32 $0xFFFFFF00  }
0x230: {  	_ =	swait.ge [sflag:s26], $0x100  }
0x231: {  	[sflag:s26] =	ssyncset.done $0x0  }
0x232: {  	s4 =	simm.s32 @!p0 $0x4;
	[sflag:s26] =	ssyncadd.s32 $0xFFFFFF00  }
0x233: {  	_ =	swait.ge @!p0 [sflag:s4], $0x600  }
0x234: {  	[sflag:s4] =	ssyncset.done @!p0 $0x0  }
0x235: {  	s23 =	simm.s32 $0x18820;
	[sflag:s4] =	ssyncadd.s32 @!p0 $0xFFFFFA00  }
0x236: {  	s20 =	simm.s32 $0x18A20;
	v0 =	vld [tilespmem:s23+$0x10]  }
0x237: {  	v1 =	vld [tilespmem:s20+$0x10];
	_ =	sdelay $0x2  }
0x238: {  	v2 =	vld [tilespmem:s20+$0xFFFFFFE0]  }
0x239: {  	v3 =	vld [tilespmem:s23+$0xFFFFFFF0];
	v0 =	vmul.u32 $0x5, v0  }
0x23a: {  	v4 =	vld [tilespmem:s20+$0xFFFFFFF0];
	v1 =	vmul.u32 $0x5, v1  }
0x23b: {  	v5 =	vld [tilespmem:s23+$0xFFFFFFE0];
	v6 =	vadd.s32 $0x3, v0  }
0x23c: {  	v7 =	vld [tilespmem:s23+$0x0];
	v8 =	vadd.s32 $0x3, v1  }
0x23d: {  	v9 =	vld [tilespmem:s20+$0x0];
	v16 =	vmul.u32 $0x5, v2;
	v52 =	vadd.s32 $0x4, v0  }
0x23e: {  	v15 =	vmul.u32 $0x5, v3;
	v58 =	vadd.s32 $0x4, v1  }
0x23f: {  	v13 =	vmul.u32 $0x5, v4;
	v10 =	vadd.s32 $0x3, v16  }
0x240: {  	v17 =	vmul.u32 $0x5, v5;
	v59 =	vadd.s32 $0x3, v15;
	v60 =	vld.idx.msk [tilespmem:v6+s2+$0x0], $0xffff  }
0x241: {  	v14 =	vmul.u32 $0x5, v7;
	v61 =	vadd.s32 $0x3, v13;
	v63 =	vld.idx.msk [tilespmem:v8+s18+$0x0], $0xffff  }
0x242: {  	v12 =	vmul.u32 $0x5, v9;
	v32 =	vadd.s32 $0x3, v17;
	v2 =	vld.idx.msk [tilespmem:v52+s2+$0x0], $0xffff  }
0x243: {  	v33 =	vadd.s32 $0x3, v14;
	v3 =	vld.idx.msk [tilespmem:v58+s18+$0x0], $0xffff  }
0x244: {  	v34 =	vadd.s32 $0x3, v12;
	v10 =	vld.idx.msk [tilespmem:v10+s18+$0x0], $0xffff  }
0x245: {  	v18 =	vadd.s32 $0x4, v17;
	v4 =	vld.idx.msk [tilespmem:v59+s2+$0x0], $0xffff  }
0x246: {  	v19 =	vadd.s32 $0x4, v16;
	v6 =	vld.idx.msk [tilespmem:v61+s18+$0x0], $0xffff  }
0x247: {  	v35 =	vadd.s32 $0x4, v15;
	v8 =	vld.idx.msk [tilespmem:v32+s2+$0x0], $0xffff  }
0x248: {  	v20 =	vadd.s32 $0x4, v13;
	v9 =	vld.idx.msk [tilespmem:v33+s2+$0x0], $0xffff  }
0x249: {  	v45 =	vmov v11;
	v21 =	vadd.s32 $0x4, v14;
	v11 =	vld.idx.msk [tilespmem:v34+s18+$0x0], $0xffff  }
0x24a: {  	v22 =	vadd.s32 $0x1, v17;
	v18 =	vld.idx.msk [tilespmem:v18+s2+$0x0], $0xffff  }
0x24b: {  	v23 =	vadd.s32 $0x2, v17;
	v19 =	vld.idx.msk [tilespmem:v19+s18+$0x0], $0xffff  }
0x24c: {  	v24 =	vadd.s32 $0x1, v16;
	v7 =	vld.idx.msk [tilespmem:v35+s2+$0x0], $0xffff  }
0x24d: {  	v42 =	vld.idx.msk [tilespmem:v20+s18+$0x0], $0xffff  }
0x24e: {  	v40 =	vadd.s32 $0x4, v12;
	v26 =	vadd.s32 $0x2, v16;
	v28 =	vadd.s32 $0x1, v15;
	v43 =	vld.idx.msk [tilespmem:v21+s2+$0x0], $0xffff  }
0x24f: {  	v36 =	vadd.s32 $0x2, v15;
	v37 =	vadd.s32 $0x1, v13;
	v44 =	vld.idx.msk [tilespmem:v22+s2+$0x0], $0xffff;
	v5 =	vadd.f32 v63, v60  }
0x250: {  	v27 =	vadd.s32 $0x1, v12;
	v25 =	vadd.s32 $0x2, v12;
	v29 =	vadd.s32 $0x1, v1;
	v21 =	vld.idx.msk [tilespmem:v23+s2+$0x0], $0xffff  }
0x251: {  	v38 =	vadd.s32 $0x2, v1;
	v23 =	vld.idx.msk [tilespmem:v24+s18+$0x0], $0xffff;
	v2 =	vadd.f32 v3, v2;
	v5 =	vmul.f32 $1.953125000e-03, v5  }
0x252: {  	v35 =	vadd.s32 $0x2, v13;
	v34 =	vadd.s32 $0x1, v14;
	v4 =	vadd.f32 v6, v4  }
0x253: {  	v41 =	vadd.f32 v10, v8;
	v2 =	vmul.f32 $1.953125000e-03, v2;
	v5 =	vmul.f32 v5, v5  }
0x254: {  	v33 =	vadd.s32 $0x2, v14;
	v3 =	vld.idx.msk [tilespmem:v40+s18+$0x0], $0xffff;
	v9 =	vadd.f32 v11, v9;
	v18 =	vadd.f32 v19, v18  }
0x255: {  	v59 =	vadd.s32 $0x1, v0;
	v6 =	vadd.f32 v42, v7;
	v2 =	vsub.f32 v2, v5  }
0x256: {  	v19 =	vand.u32 $0xFFFF0000, v44;
	v22 =	vshll.u32 v23, $0x10;
	v4 =	vmul.f32 $1.953125000e-03, v4  }
0x257: {  	v60 =	vadd.s32 $0x2, v0;
	v9 =	vmul.f32 $1.953125000e-03, v9;
	v2 =	vadd.f32 $9.999999740e-06, v2  }
0x258: {  	v23 =	vand.u32 $0xFFFF0000, v23;
	v6 =	vmul.f32 $1.953125000e-03, v6;
	v4 =	vmul.f32 v4, v4  }
0x259: {  	v3 =	vadd.f32 v3, v43;
	v46 =	vshrl.u32 v2, $0x1;
	v2 =	vmul.f32 $5.000000000e-01, v2  }
0x25a: {  	v9 =	vmul.f32 v9, v9;
	v5 =	vmul.f32 $1.953125000e-03, v41;
	v11 =	vsub.s32 $0x5F3759DF, v46  }
0x25b: {  	v61 =	vld.idx.msk [tilespmem:v28+s2+$0x0], $0xffff;
	v4 =	vsub.f32 v6, v4;
	v3 =	vmul.f32 $1.953125000e-03, v3;
	v47 =	vmul.f32 v11, v2  }
0x25c: {  	v20 =	vmul.f32 $1.953125000e-03, v18;
	v18 =	vshll.u32 v44, $0x10;
	v5 =	vmul.f32 v5, v5  }
0x25d: {  	v4 =	vadd.f32 $9.999999740e-06, v4;
	v3 =	vsub.f32 v3, v9;
	v7 =	vmul.f32 v11, v47  }
0x25e: {  	v10 =	vld.idx.msk [tilespmem:v59+s2+$0x0], $0xffff;
	v5 =	vsub.f32 v20, v5;
	v20 =	vshll.u32 v21, $0x10;
	v21 =	vand.u32 $0xFFFF0000, v21  }
0x25f: {  	v1 =	vld.idx.msk [tilespmem:v1+s18+$0x0], $0xffff;
	v50 =	vshrl.u32 v4, $0x1;
	v3 =	vadd.f32 $9.999999740e-06, v3;
	v48 =	vsub.f32 $1.500000000e+00, v7  }
0x260: {  	v31 =	vmul.f32 $5.000000000e-01, v4;
	v46 =	vld.idx.msk [tilespmem:v29+s18+$0x0], $0xffff;
	v29 =	vand.u32 $0xFFFF0000, v61;
	v5 =	vadd.f32 $9.999999740e-06, v5  }
0x261: {  	v58 =	vshrl.u32 v3, $0x1;
	v32 =	vmul.f32 $5.000000000e-01, v3;
	v6 =	vmul.f32 v11, v48  }
0x262: {  	v49 =	vshrl.u32 v5, $0x1;
	v30 =	vmul.f32 $5.000000000e-01, v5;
	v5 =	vsub.s32 $0x5F3759DF, v50  }
0x263: {  	v52 =	vld.idx.msk [tilespmem:v26+s18+$0x0], $0xffff;
	v9 =	vsub.s32 $0x5F3759DF, v58;
	v50 =	vshll.u32 v10, $0x10;
	v51 =	vmul.f32 v6, v2  }
0x264: {  	v0 =	vld.idx.msk [tilespmem:v0+s2+$0x0], $0xffff;
	v26 =	vmul.f32 v5, v31;
	v28 =	vmul.f32 v9, v32;
	v7 =	vsub.s32 $0x5F3759DF, v49  }
0x265: {  	v49 =	vshll.u32 v1, $0x10;
	v1 =	vand.u32 $0xFFFF0000, v1;
	v8 =	vmul.f32 v51, v6  }
0x266: {  	v3 =	vld.idx.msk [tilespmem:v60+s2+$0x0], $0xffff;
	v58 =	vshll.u32 v46, $0x10;
	v59 =	vand.u32 $0xFFFF0000, v46;
	v24 =	vmul.f32 v7, v30  }
0x267: {  	v47 =	vld.idx.msk [tilespmem:v38+s18+$0x0], $0xffff;
	v63 =	vmul.f32 v5, v26;
	v40 =	vmul.f32 v9, v28;
	v8 =	vsub.f32 $1.500000000e+00, v8  }
0x268: {  	v26 =	vand.u32 $0xFFFF0000, v52;
	v28 =	vshll.u32 v61, $0x10;
	v39 =	vmul.f32 v7, v24  }
0x269: {  	v38 =	vld.idx.msk [tilespmem:v36+s2+$0x0], $0xffff;
	v48 =	vshll.u32 v0, $0x10;
	v0 =	vand.u32 $0xFFFF0000, v0;
	v6 =	vmul.f32 v8, v6  }
0x26a: {  	v24 =	vshll.u32 v52, $0x10;
	v44 =	vsub.f32 $1.500000000e+00, v39;
	v39 =	vsub.f32 $1.500000000e+00, v40  }
0x26b: {  	v0 =	vadd.f32 v1, v0;
	v52 =	vshll.u32 v3, $0x10;
	v2 =	vmul.f32 v6, v2  }
0x26c: {  	v3 =	vand.u32 $0xFFFF0000, v3;
	v60 =	vshll.u32 v47, $0x10;
	v9 =	vmul.f32 v9, v39  }
0x26d: {  	v51 =	vand.u32 $0xFFFF0000, v10;
	v4 =	vmul.f32 v7, v44;
	v44 =	vld.idx.msk [tilespmem:v34+s2+$0x0], $0xffff;
	v2 =	vmul.f32 v2, v6  }
0x26e: {  	v11 =	vshll.u32 v38, $0x10;
	v1 =	vadd.f32 v59, v51;
	v51 =	vmul.f32 v9, v32  }
0x26f: {  	v42 =	vld.idx.msk [tilespmem:v37+s18+$0x0], $0xffff;
	v7 =	vand.u32 $0xFFFF0000, v47;
	v8 =	vsub.f32 $1.500000000e+00, v63;
	v2 =	vsub.f32 $1.500000000e+00, v2  }
0x270: {  	v43 =	vld.idx.msk [tilespmem:v35+s18+$0x0], $0xffff;
	v10 =	vadd.f32 v60, v52;
	v3 =	vadd.f32 v7, v3;
	v34 =	vmul.f32 v51, v9  }
0x271: {  	v46 =	vld [tilespmem:$0x1FF90];
	v5 =	vmul.f32 v5, v8;
	v8 =	vadd.f32 v49, v48;
	v2 =	vmul.f32 v2, v6  }
0x272: {  	v47 =	vld [tilespmem:$0x1FF80];
	v49 =	vmul.f32 v4, v30;
	v35 =	vshll.u32 v44, $0x10;
	v59 =	vsub.f32 $1.500000000e+00, v34  }
0x273: {  	v48 =	vld.idx.msk [tilespmem:v33+s2+$0x0], $0xffff;
	v6 =	vadd.f32 v58, v50;
	v50 =	vmul.f32 v5, v31;
	v8 =	vmul.f32 v2, v8  }
0x274: {  	v0 =	vmul.f32 v2, v0;
	v63 =	vmul.f32 v2, v10;
	v10 =	vshll.u32 v42, $0x10  }
0x275: {  	v6 =	vmul.f32 v2, v6;
	v1 =	vmul.f32 v2, v1;
	v10 =	vadd.f32 v10, v28  }
0x276: {  	v2 =	vmul.f32 v2, v3;
	v8 =	vadd.f32 v8, v54;
	v0 =	vadd.f32 v0, v53  }
0x277: {  	v33 =	vmul.f32 v50, v5;
	v6 =	vadd.f32 v6, v56;
	v1 =	vadd.f32 v1, v55  }
0x278: {  	v36 =	vshll.u32 v48, $0x10;
	v41 =	vadd.f32 v63, v47;
	v2 =	vadd.f32 v2, v46  }
0x279: {  	s20 =	simm.s32 $0x30;
	v51 =	vld.idx.msk [tilespmem:v15+s2+$0x0], $0xffff;
	v3 =	vand.u32 $0xFFFF0000, v43;
	v33 =	vsub.f32 $1.500000000e+00, v33;
	v61 =	vsub.f32 $0.0e+00, v8  }
0x27a: {  	v63 =	vmov s20;
	v0 =	vsub.f32 $0.0e+00, v0;
	v6 =	vsub.f32 $0.0e+00, v6  }
0x27b: {  	v39 =	vmul.u32 $0x6, v63;
	v1 =	vsub.f32 $0.0e+00, v1;
	v7 =	vsub.f32 $0.0e+00, v41  }
0x27c: {  	v2 =	vsub.f32 $0.0e+00, v2;
	v5 =	vmul.f32 v33, v5;
	v40 =	vmul.f32 $1.442695020e+00, v61  }
0x27d: {  	v27 =	vld.idx.msk [tilespmem:v27+s18+$0x0], $0xffff;
	v8 =	vand.u32 $0xFFFF0000, v42;
	v0 =	vmul.f32 $1.442695020e+00, v0;
	v6 =	vmul.f32 $1.442695020e+00, v6  }
0x27e: {  	v41 =	vshll.u32 v51, $0x10;
	v1 =	vmul.f32 $1.442695020e+00, v1;
	(erf) = vpow2.f32 v40  }
0x27f: {  	v8 =	vadd.f32 v8, v29;
	v7 =	vmul.f32 $1.442695020e+00, v7;
	(erf) = vpow2.f32 v0  }
0x280: {  	v2 =	vmul.f32 $1.442695020e+00, v2;
	v0 =	vand.u32 $0xFFFF0000, v44;
	v44 =	vld.idx.msk [tilespmem:v25+s18+$0x0], $0xffff;
	(erf) = vpow2.f32 v6  }
0x281: {  	v6 =	vand.u32 $0xFFFF0000, v38;
	(erf) = vpow2.f32 v1;
	v1 =	vand.u32 $0xFFFF0000, v48  }
0x282: {  	v17 =	vld.idx.msk [tilespmem:v17+s2+$0x0], $0xffff;
	v48 =	vshll.u32 v27, $0x10;
	v27 =	vand.u32 $0xFFFF0000, v27;
	(erf) = vpow2.f32 v7  }
0x283: {  	v50 =	vld.idx.msk [tilespmem:v16+s18+$0x0], $0xffff;
	v3 =	vadd.f32 v3, v6;
	v7 =	vmul.f32 v49, v4;
	(erf) = vpow2.f32 v2  }
0x284: {  	v31 =	vmul.f32 v5, v31;
	v63 =	vadd.f32 v48, v35;
	v0 =	vadd.f32 v27, v0  }
0x285: {  	v2 =	vshll.u32 v43, $0x10;
	v7 =	vsub.f32 $1.500000000e+00, v7;
	v33 =	vand.u32 $0xFFFF0000, v44  }
0x286: {  	v25 =	vbroadcast v39, $0x0;
	v2 =	vadd.f32 v2, v11;
	v1 =	vadd.f32 v33, v1  }
0x287: {  	v12 =	vld.idx.msk [tilespmem:v12+s18+$0x0], $0xffff;
	v4 =	vmul.f32 v7, v4;
	v7 =	vmul.f32 v59, v9;
	v59 =	vshll.u32 v17, $0x10;
	v52 =	vpop (erf)  }
0x288: {  	v17 =	vand.u32 $0xFFFF0000, v17;
	v9 =	vand.u32 $0xFFFF0000, v50;
	v37 =	vadd.f32 $1.000000000e+00, v52;
	v58 =	vpop (erf)  }
0x289: {  	v14 =	vld.idx.msk [tilespmem:v14+s2+$0x0], $0xffff;
	v9 =	vadd.f32 v9, v17;
	v30 =	vmul.f32 v4, v30;
	v60 =	vadd.f32 $1.000000000e+00, v58;
	v61 =	vpop (erf)  }
0x28a: {  	v32 =	vmul.f32 v7, v32;
	v38 =	vadd.f32 $1.000000000e+00, v61;
	(erf) = vrcp.f32 v37;
	v42 =	vpop (erf)  }
0x28b: {  	v52 =	vld.idx.msk [tilespmem:v13+s18+$0x0], $0xffff;
	v58 =	vshll.u32 v44, $0x10;
	v37 =	vadd.f32 $1.000000000e+00, v42;
	(erf) = vrcp.f32 v60;
	v43 =	vpop (erf)  }
0x28c: {  	v44 =	vshll.u32 v12, $0x10;
	v34 =	vadd.f32 $1.000000000e+00, v43;
	(erf) = vrcp.f32 v38;
	v49 =	vpop (erf)  }
0x28d: {  	v12 =	vand.u32 $0xFFFF0000, v12;
	(erf) = vrcp.f32 v37;
	v16 =	vadd.f32 $1.000000000e+00, v49  }
0x28e: {  	v60 =	vshll.u32 v50, $0x10;
	v43 =	vshll.u32 v14, $0x10;
	(erf) = vrcp.f32 v34  }
0x28f: {  	v14 =	vand.u32 $0xFFFF0000, v14;
	(erf) = vrcp.f32 v16;
	v16 =	vmul.f32 v30, v4  }
0x290: {  	v42 =	vshll.u32 v52, $0x10;
	v37 =	vand.u32 $0xFFFF0000, v52;
	v30 =	vmul.f32 v31, v5  }
0x291: {  	v12 =	vadd.f32 v12, v14;
	v31 =	vmul.f32 v32, v7;
	v16 =	vsub.f32 $1.500000000e+00, v16  }
0x292: {  	v34 =	vand.u32 $0xFFFF0000, v51;
	v17 =	vadd.f32 v42, v41;
	v30 =	vsub.f32 $1.500000000e+00, v30  }
0x293: {  	v31 =	vsub.f32 $1.500000000e+00, v31;
	v4 =	vmul.f32 v16, v4;
	v16 =	vadd.f32 v22, v18  }
0x294: {  	v5 =	vmul.f32 v30, v5;
	v18 =	vadd.f32 v23, v19;
	v19 =	vadd.f32 v24, v20  }
0x295: {  	v7 =	vmul.f32 v31, v7;
	v20 =	vadd.f32 v26, v21;
	v16 =	vmul.f32 v4, v16  }
0x296: {  	v21 =	vadd.f32 v60, v59;
	v18 =	vmul.f32 v4, v18;
	v61 =	vmul.f32 v4, v19  }
0x297: {  	v22 =	vadd.f32 v37, v34;
	v19 =	vmul.f32 v4, v20;
	v10 =	vmul.f32 v5, v10  }
0x298: {  	v23 =	vadd.f32 v44, v43;
	v8 =	vmul.f32 v5, v8;
	v21 =	vmul.f32 v4, v21  }
0x299: {  	v20 =	vadd.f32 v58, v36;
	v4 =	vmul.f32 v4, v9;
	v14 =	vmul.f32 v5, v17  }
0x29a: {  	v17 =	vmul.f32 v5, v22;
	v2 =	vmul.f32 v5, v2;
	v34 =	vadd.f32 v16, v56  }
0x29b: {  	v3 =	vmul.f32 v5, v3;
	v16 =	vadd.f32 v21, v54;
	v4 =	vadd.f32 v4, v53  }
0x29c: {  	v12 =	vmul.f32 v7, v12;
	v35 =	vadd.f32 v18, v55;
	v6 =	vadd.f32 v61, v47  }
0x29d: {  	v11 =	vmul.f32 v7, v63;
	v19 =	vadd.f32 v19, v46;
	v14 =	vadd.f32 v14, v54  }
0x29e: {  	v0 =	vmul.f32 v7, v0;
	v17 =	vadd.f32 v17, v53;
	v10 =	vadd.f32 v10, v56  }
0x29f: {  	v38 =	vld [tilespmem:$0x1FFD0];
	v1 =	vmul.f32 v7, v1;
	v8 =	vadd.f32 v8, v55;
	v2 =	vadd.f32 v2, v47  }
0x2a0: {  	v41 =	vld [tilespmem:$0x1FFC0];
	v18 =	vmul.f32 v7, v23;
	v3 =	vadd.f32 v3, v46;
	v12 =	vadd.f32 v12, v53  }
0x2a1: {  	v20 =	vmul.f32 v7, v20;
	v40 =	vadd.f32 v11, v56;
	v0 =	vadd.f32 v0, v55  }
0x2a2: {  	v15 =	vadd.s32 v62, v25;
	v1 =	vadd.f32 v1, v46;
	v18 =	vadd.f32 v18, v54  }
0x2a3: {  	v13 =	vadd.s32 v45, v25;
	v20 =	vadd.f32 v20, v47;
	v16 =	vsub.f32 $0.0e+00, v16  }
0x2a4: {  	v29 =	vadd.s32 v38, v25;
	v4 =	vsub.f32 $0.0e+00, v4;
	v9 =	vsub.f32 $0.0e+00, v34  }
0x2a5: {  	v28 =	vadd.s32 v41, v25;
	v5 =	vsub.f32 $0.0e+00, v35;
	v6 =	vsub.f32 $0.0e+00, v6  }
0x2a6: {  	s21 =	simm.s32 $0x0;
	v31 =	vadd.s32 v57, v25;
	v19 =	vsub.f32 $0.0e+00, v19;
	v14 =	vsub.f32 $0.0e+00, v14  }
0x2a7: {  	v55 =	vmov s21;
	v17 =	vsub.f32 $0.0e+00, v17;
	v10 =	vsub.f32 $0.0e+00, v10  }
0x2a8: {  	v8 =	vsub.f32 $0.0e+00, v8;
	v16 =	vmul.f32 $1.442695020e+00, v16;
	v4 =	vmul.f32 $1.442695020e+00, v4  }
0x2a9: {  	v2 =	vsub.f32 $0.0e+00, v2;
	v9 =	vmul.f32 $1.442695020e+00, v9;
	v5 =	vmul.f32 $1.442695020e+00, v5  }
0x2aa: {  	v3 =	vsub.f32 $0.0e+00, v3;
	v6 =	vmul.f32 $1.442695020e+00, v6;
	v19 =	vmul.f32 $1.442695020e+00, v19  }
0x2ab: {  	v27 =	vld [tilespmem:$0x1FFB0];
	v12 =	vsub.f32 $0.0e+00, v12;
	v14 =	vmul.f32 $1.442695020e+00, v14;
	v17 =	vmul.f32 $1.442695020e+00, v17  }
0x2ac: {  	v7 =	vsub.f32 $0.0e+00, v40;
	v10 =	vmul.f32 $1.442695020e+00, v10;
	v8 =	vmul.f32 $1.442695020e+00, v8  }
0x2ad: {  	v0 =	vsub.f32 $0.0e+00, v0;
	v2 =	vmul.f32 $1.442695020e+00, v2;
	v3 =	vmul.f32 $1.442695020e+00, v3  }
0x2ae: {  	v1 =	vsub.f32 $0.0e+00, v1;
	v12 =	vmul.f32 $1.442695020e+00, v12;
	v7 =	vmul.f32 $1.442695020e+00, v7  }
0x2af: {  	s21 =	simm.s32 $0x18860;
	v18 =	vsub.f32 $0.0e+00, v18;
	v0 =	vmul.f32 $1.442695020e+00, v0;
	(erf) = vpow2.f32 v16  }
0x2b0: {  	v11 =	vadd.s32 v27, v25;
	v52 =	vld [tilespmem:s21+$0x10];
	v1 =	vmul.f32 $1.442695020e+00, v1;
	(erf) = vpow2.f32 v4  }
0x2b1: {  	s22 =	simm.s32 $0x10;
	v26 =	vmul.f32 $1.442695020e+00, v18;
	v18 =	vsub.f32 $0.0e+00, v20;
	(erf) = vpow2.f32 v9  }
0x2b2: {  	v56 =	vpop (erf);
	v16 =	vmov s22;
	v4 =	vmul.u32 $0x6, v55;
	(erf) = vpow2.f32 v5  }
0x2b3: {  	s23 =	simm.s32 $0x20;
	v58 =	vpop (erf);
	v16 =	vmul.u32 $0x6, v16;
	v21 =	vmul.f32 $1.442695020e+00, v18;
	(erf) = vpow2.f32 v6  }
0x2b4: {  	v59 =	vpop (erf);
	v18 =	vmov s23;
	v4 =	vbroadcast v4, $0x0;
	(erf) = vpow2.f32 v19  }
0x2b5: {  	v32 =	vpop (erf);
	v36 =	vmul.u32 $0x5, v52;
	v18 =	vmul.u32 $0x6, v18;
	(erf) = vpow2.f32 v14  }
0x2b6: {  	v35 =	vpop (erf);
	v60 =	vbroadcast v16, $0x0;
	v25 =	vor.u32 v62, v4;
	(erf) = vpow2.f32 v17  }
0x2b7: {  	v37 =	vpop (erf);
	v23 =	vbroadcast v18, $0x0;
	v24 =	vor.u32 v45, v4;
	(erf) = vpow2.f32 v10  }
0x2b8: {  	v22 =	vor.u32 v27, v4;
	v30 =	vor.u32 v41, v4;
	v61 =	vpop (erf);
	(erf) = vpow2.f32 v8  }
0x2b9: {  	v20 =	vor.u32 v38, v4;
	v19 =	vor.u32 v57, v4;
	v48 =	vpop (erf);
	(erf) = vpow2.f32 v2  }
0x2ba: {  	[tilespmem:v15+s28+$0x0] =	vst.idx.msk $0xffff, v56;
	s22 =	simm.s32 $0x18A60;
	v18 =	vadd.s32 v62, v60;
	v16 =	vadd.s32 v45, v60;
	v50 =	vpop (erf);
	(erf) = vpow2.f32 v3  }
0x2bb: {  	[tilespmem:v13+s28+$0x0] =	vst.idx.msk $0xffff, v58;
	v54 =	vld [tilespmem:s22+$0x10];
	v15 =	vadd.s32 v41, v60;
	v56 =	vadd.s32 v38, v60;
	v51 =	vpop (erf);
	(erf) = vpow2.f32 v26  }
0x2bc: {  	v17 =	vadd.s32 v27, v60;
	v63 =	vadd.f32 $1.000000000e+00, v61;
	v26 =	vld [tilespmem:s22+$0xFFFFFFE0];
	[tilespmem:$0x1FDE0] =	vst v56;
	v53 =	vpop (erf);
	(erf) = vpow2.f32 v12  }
0x2bd: {  	v61 =	vadd.s32 v62, v23;
	[tilespmem:v11+s28+$0x0] =	vst.idx.msk $0xffff, v59;
	v59 =	vadd.s32 v57, v60;
	v55 =	vpop (erf);
	(erf) = vpow2.f32 v7  }
0x2be: {  	v49 =	vadd.f32 $1.000000000e+00, v48;
	v33 =	vadd.f32 $1.000000000e+00, v50;
	v27 =	vld [tilespmem:s21+$0xFFFFFFF0];
	[tilespmem:$0x1FDF0] =	vst v59;
	v58 =	vpop (erf);
	(erf) = vpow2.f32 v0  }
0x2bf: {  	v44 =	vadd.f32 $1.000000000e+00, v51;
	v46 =	vadd.f32 $1.000000000e+00, v53;
	[tilespmem:v28+s28+$0x0] =	vst.idx.msk $0xffff, v32;
	v60 =	vpop (erf);
	(erf) = vpow2.f32 v21  }
0x2c0: {  	v42 =	vadd.f32 $1.000000000e+00, v55;
	v28 =	vld [tilespmem:s22+$0xFFFFFFF0];
	v45 =	vadd.f32 $1.000000000e+00, v58;
	[tilespmem:$0x1FE00] =	vst v61;
	v62 =	vpop (erf);
	(erf) = vpow2.f32 v1  }
0x2c1: {  	v47 =	vadd.f32 $1.000000000e+00, v60;
	[tilespmem:v29+s28+$0x0] =	vst.idx.msk $0xffff, v35;
	v29 =	vld [tilespmem:s21+$0x0];
	v39 =	vadd.f32 $1.000000000e+00, v62;
	(erf) = vrcp.f32 v63;
	v63 =	vpop (erf)  }
0x2c2: {  	s20 =	simm.s32 $0x40;
	s23 =	simm.s32 $0x80;
	v34 =	vld [tilespmem:s22+$0x0];
	[tilespmem:v31+s28+$0x0] =	vst.idx.msk $0xffff, v37;
	v37 =	vmul.u32 $0x5, v54;
	v38 =	vadd.f32 $1.000000000e+00, v63;
	(erf) = vrcp.f32 v49;
	v35 =	vpop (erf)  }
.LBB2_6:
0x2c3: {  	v1 =	vadd.s32 $0x3, v36  }
0x2c4: {  	v2 =	vpop (erf);
	v61 =	vadd.s32 $0x3, v37  }
0x2c5: {  	v0 =	vld [tilespmem:s21+$0xFFFFFFE0];
	v4 =	vadd.f32 $1.000000000e+00, v2;
	v2 =	vpop (erf);
	v5 =	vadd.s32 $0x4, v36  }
0x2c6: {  	v21 =	vld [tilespmem:$0x1FFD0];
	v8 =	vadd.s32 $0x4, v37;
	v6 =	vpop (erf);
	v50 =	vmul.u32 $0x5, v26  }
0x2c7: {  	v3 =	vadd.f32 $1.000000000e+00, v35;
	v9 =	vpop (erf);
	v49 =	vmul.u32 $0x5, v27;
	v26 =	vld [tilespmem:$0x1FFC0]  }
0x2c8: {  	v48 =	vmul.u32 $0x5, v28;
	v27 =	vpop (erf);
	v62 =	vadd.s32 $0x3, v50;
	v1 =	vld.idx.msk [tilespmem:v1+s2+$0x0], $0xffff  }
0x2c9: {  	[tilespmem:$0x1FD80] =	vst v3;
	v40 =	vmul.u32 $0x5, v29;
	v29 =	vpop (erf);
	v7 =	vadd.s32 $0x3, v49;
	v3 =	vld.idx.msk [tilespmem:v61+s18+$0x0], $0xffff  }
0x2ca: {  	v41 =	vmul.u32 $0x5, v34;
	v11 =	vadd.s32 $0x3, v48;
	v52 =	vpop (erf);
	v5 =	vld.idx.msk [tilespmem:v5+s2+$0x0], $0xffff  }
0x2cb: {  	v55 =	vmul.u32 $0x5, v0;
	v28 =	vadd.s32 $0x3, v40;
	v8 =	vld.idx.msk [tilespmem:v8+s18+$0x0], $0xffff;
	v63 =	vpop (erf)  }
0x2cc: {  	v32 =	vadd.s32 $0x3, v41;
	[tilespmem:v25+s28+$0x0] =	vst.idx.msk $0xffff, v63;
	v25 =	vpop (erf);
	(erf) = vrcp.f32 v33;
	v33 =	vadd.f32 $1.000000000e+00, v27;
	v27 =	vld [tilespmem:$0x1FFF0]  }
0x2cd: {  	[tilespmem:$0x1FD90] =	vst v4;
	v35 =	vadd.f32 $1.000000000e+00, v6;
	v4 =	vld.idx.msk [tilespmem:v62+s18+$0x0], $0xffff  }
0x2ce: {  	v34 =	vadd.f32 $1.000000000e+00, v2;
	v10 =	vadd.s32 $0x4, v50;
	v31 =	vadd.s32 $0x3, v55;
	v7 =	vld.idx.msk [tilespmem:v7+s2+$0x0], $0xffff  }
0x2cf: {  	v0 =	vadd.s32 $0x4, v49;
	v43 =	vadd.s32 $0x4, v48;
	v53 =	vadd.s32 $0x4, v55;
	v11 =	vld.idx.msk [tilespmem:v11+s18+$0x0], $0xffff  }
0x2d0: {  	v51 =	vadd.s32 $0x4, v40;
	v54 =	vadd.s32 $0x4, v41;
	v58 =	vadd.s32 $0x1, v50;
	v2 =	vld.idx.msk [tilespmem:v28+s2+$0x0], $0xffff  }
0x2d1: {  	v59 =	vadd.s32 $0x2, v50;
	v60 =	vadd.s32 $0x1, v49;
	v1 =	vadd.f32 v3, v1;
	v3 =	vld.idx.msk [tilespmem:v32+s18+$0x0], $0xffff  }
0x2d2: {  	v61 =	vadd.s32 $0x2, v49;
	v12 =	vadd.s32 $0x1, v40;
	v13 =	vadd.s32 $0x2, v40;
	[tilespmem:v24+s28+$0x0] =	vst.idx.msk $0xffff, v25;
	v28 =	vld [tilespmem:$0x1FFB0]  }
0x2d3: {  	v14 =	vadd.s32 $0x1, v41;
	v56 =	vadd.s32 $0x1, v55;
	(erf) = vrcp.f32 v44;
	v25 =	vld.idx.msk [tilespmem:v31+s2+$0x0], $0xffff  }
0x2d4: {  	v57 =	vadd.s32 $0x2, v55;
	v63 =	vadd.s32 $0x2, v48;
	(erf) = vrcp.f32 v46;
	v6 =	vld.idx.msk [tilespmem:v53+s2+$0x0], $0xffff  }
0x2d5: {  	v62 =	vadd.s32 $0x1, v48;
	v5 =	vadd.f32 v8, v5;
	v32 =	vadd.f32 $1.000000000e+00, v29;
	v8 =	vld.idx.msk [tilespmem:v10+s18+$0x0], $0xffff  }
0x2d6: {  	v29 =	vadd.f32 $1.000000000e+00, v52;
	(erf) = vrcp.f32 v42;
	v10 =	vld.idx.msk [tilespmem:v0+s2+$0x0], $0xffff;
	v1 =	vmul.f32 $1.953125000e-03, v1  }
0x2d7: {  	v52 =	vadd.s32 v26, v23;
	v31 =	vadd.f32 $1.000000000e+00, v9;
	(erf) = vrcp.f32 v45;
	v9 =	vld.idx.msk [tilespmem:v51+s2+$0x0], $0xffff  }
0x2d8: {  	v24 =	vadd.s32 $0x2, v41;
	[tilespmem:$0x1FDC0] =	vst v52;
	v52 =	vld.idx.msk [tilespmem:v61+s2+$0x0], $0xffff;
	v5 =	vmul.f32 $1.953125000e-03, v5;
	v53 =	vmul.f32 v1, v1  }
0x2d9: {  	v44 =	vadd.s32 v27, v23;
	v51 =	vld.idx.msk [tilespmem:v63+s18+$0x0], $0xffff;
	v7 =	vadd.f32 v11, v7;
	v2 =	vadd.f32 v3, v2  }
0x2da: {  	(erf) = vrcp.f32 v47;
	v11 =	vld.idx.msk [tilespmem:v43+s18+$0x0], $0xffff;
	v4 =	vadd.f32 v4, v25;
	v5 =	vsub.f32 v5, v53  }
0x2db: {  	v46 =	vadd.s32 v28, v23;
	v25 =	vld.idx.msk [tilespmem:v54+s18+$0x0], $0xffff;
	v6 =	vadd.f32 v8, v6;
	v7 =	vmul.f32 $1.953125000e-03, v7  }
0x2dc: {  	v2 =	vmul.f32 $1.953125000e-03, v2;
	v4 =	vmul.f32 $1.953125000e-03, v4;
	v53 =	vadd.f32 $9.999999740e-06, v5;
	v5 =	vld.idx.msk [tilespmem:v56+s2+$0x0], $0xffff;
	v56 =	vpop (erf)  }
0x2dd: {  	v54 =	vadd.s32 v21, v23;
	(erf) = vrcp.f32 v39;
	v39 =	vld.idx.msk [tilespmem:v57+s2+$0x0], $0xffff;
	v6 =	vmul.f32 $1.953125000e-03, v6;
	[tilespmem:v22+s28+$0x0] =	vst.idx.msk $0xffff, v56  }
0x2de: {  	[tilespmem:$0x1FDA0] =	vst v44;
	v7 =	vmul.f32 v7, v7;
	v45 =	vshrl.u32 v53, $0x1;
	v3 =	vmul.f32 $5.000000000e-01, v53;
	v44 =	vld.idx.msk [tilespmem:v59+s18+$0x0], $0xffff  }
0x2df: {  	[tilespmem:$0x1FDB0] =	vst v46;
	v4 =	vmul.f32 v4, v4;
	v59 =	vld [tilespmem:$0x1FFE0];
	v10 =	vadd.f32 v11, v10;
	v8 =	vsub.s32 $0x5F3759DF, v45  }
0x2e0: {  	[tilespmem:$0x1FDD0] =	vst v54;
	v22 =	vpop (erf);
	v2 =	vmul.f32 v2, v2;
	v9 =	vadd.f32 v25, v9;
	v46 =	vmul.f32 v8, v3  }
0x2e1: {  	v42 =	vld.idx.msk [tilespmem:v58+s18+$0x0], $0xffff;
	v47 =	vpop (erf);
	[tilespmem:v30+s28+$0x0] =	vst.idx.msk $0xffff, v22;
	(erf) = vrcp.f32 v38;
	v38 =	vmul.f32 $1.953125000e-03, v10;
	v4 =	vsub.f32 v6, v4  }
0x2e2: {  	v54 =	vld.idx.msk [tilespmem:v13+s2+$0x0], $0xffff;
	v25 =	vpop (erf);
	[tilespmem:v20+s28+$0x0] =	vst.idx.msk $0xffff, v47;
	v22 =	vshll.u32 v5, $0x10;
	v47 =	vmul.f32 $1.953125000e-03, v9;
	v11 =	vmul.f32 v8, v46  }
0x2e3: {  	v57 =	vld.idx.msk [tilespmem:v60+s2+$0x0], $0xffff;
	[tilespmem:v19+s28+$0x0] =	vst.idx.msk $0xffff, v25;
	v45 =	vpop (erf);
	v19 =	vshll.u32 v39, $0x10;
	v20 =	vand.u32 $0xFFFF0000, v39;
	v46 =	vsub.f32 v38, v7  }
0x2e4: {  	v53 =	vld.idx.msk [tilespmem:v62+s18+$0x0], $0xffff;
	v43 =	vpop (erf);
	v4 =	vadd.f32 $9.999999740e-06, v4;
	[tilespmem:v18+s28+$0x0] =	vst.idx.msk $0xffff, v45;
	v30 =	vadd.s32 v59, v23;
	v38 =	vsub.f32 $1.500000000e+00, v11  }
0x2e5: {  	v23 =	vand.u32 $0xFFFF0000, v5;
	v2 =	vsub.f32 v47, v2;
	[tilespmem:v16+s28+$0x0] =	vst.idx.msk $0xffff, v43;
	v16 =	vld.idx.msk [tilespmem:v55+s2+$0x0], $0xffff;
	v55 =	vadd.s32 $0x2, v36  }
0x2e6: {  	v43 =	vld.idx.msk [tilespmem:v24+s18+$0x0], $0xffff;
	v24 =	vadd.s32 $0x2, v37;
	v5 =	vadd.f32 $9.999999740e-06, v46;
	v6 =	vmul.f32 v8, v38  }
0x2e7: {  	v56 =	vld.idx.msk [tilespmem:v12+s2+$0x0], $0xffff;
	v39 =	vshrl.u32 v4, $0x1;
	v45 =	vmul.f32 $5.000000000e-01, v4;
	v2 =	vadd.f32 $9.999999740e-06, v2  }
0x2e8: {  	v46 =	vld.idx.msk [tilespmem:v14+s18+$0x0], $0xffff;
	v7 =	vsub.s32 $0x5F3759DF, v39;
	v47 =	vshrl.u32 v5, $0x1;
	v9 =	vmul.f32 v6, v3  }
0x2e9: {  	v14 =	vld.idx.msk [tilespmem:v36+s2+$0x0], $0xffff;
	v8 =	vadd.s32 $0x1, v36;
	v1 =	vmul.f32 v7, v45;
	v36 =	vshll.u32 v44, $0x10  }
0x2ea: {  	v25 =	vld.idx.msk [tilespmem:v37+s18+$0x0], $0xffff;
	v4 =	vsub.s32 $0x5F3759DF, v47;
	v47 =	vmul.f32 $5.000000000e-01, v5;
	v38 =	vpop (erf);
	v9 =	vmul.f32 v9, v6  }
0x2eb: {  	v18 =	vshll.u32 v42, $0x10;
	v36 =	vadd.f32 v36, v19;
	[tilespmem:v17+s28+$0x0] =	vst.idx.msk $0xffff, v38;
	v17 =	vld.idx.msk [tilespmem:v50+s18+$0x0], $0xffff;
	v50 =	vshrl.u32 v2, $0x1  }
0x2ec: {  	v10 =	vpop (erf);
	v12 =	vmul.f32 v4, v47;
	v38 =	vld.idx.msk [tilespmem:v49+s2+$0x0], $0xffff;
	v5 =	vsub.s32 $0x5F3759DF, v50;
	v9 =	vsub.f32 $1.500000000e+00, v9  }
0x2ed: {  	v49 =	vmul.f32 $5.000000000e-01, v2;
	[tilespmem:v15+s28+$0x0] =	vst.idx.msk $0xffff, v10;
	v15 =	vand.u32 $0xFFFF0000, v42;
	v10 =	vmul.f32 v7, v1;
	v2 =	vld.idx.msk [tilespmem:v55+s2+$0x0], $0xffff  }
0x2ee: {  	v42 =	vshll.u32 v57, $0x10;
	v39 =	vld.idx.msk [tilespmem:v48+s18+$0x0], $0xffff;
	v48 =	vadd.s32 $0x1, v37;
	v6 =	vmul.f32 v9, v6  }
0x2ef: {  	v55 =	vld.idx.msk [tilespmem:v24+s18+$0x0], $0xffff;
	v24 =	vand.u32 $0xFFFF0000, v25;
	v50 =	vmul.f32 v4, v12;
	v13 =	vmul.f32 v5, v49  }
0x2f0: {  	v8 =	vld.idx.msk [tilespmem:v8+s2+$0x0], $0xffff;
	v37 =	vand.u32 $0xFFFF0000, v44;
	v44 =	vand.u32 $0xFFFF0000, v57;
	v3 =	vmul.f32 v6, v3  }
0x2f1: {  	v57 =	vshll.u32 v14, $0x10;
	v10 =	vsub.f32 $1.500000000e+00, v10;
	v12 =	vmul.f32 v5, v13  }
0x2f2: {  	v9 =	vsub.f32 $1.500000000e+00, v50;
	v13 =	vand.u32 $0xFFFF0000, v14;
	v3 =	vmul.f32 v3, v6  }
0x2f3: {  	v7 =	vmul.f32 v7, v10;
	v14 =	vshll.u32 v25, $0x10;
	v13 =	vadd.f32 v24, v13;
	v11 =	vld.idx.msk [tilespmem:v48+s18+$0x0], $0xffff  }
0x2f4: {  	v24 =	vshll.u32 v55, $0x10;
	v10 =	vand.u32 $0xFFFF0000, v55;
	v3 =	vsub.f32 $1.500000000e+00, v3  }
0x2f5: {  	v60 =	vld [tilespmem:$0x1FF40];
	v12 =	vsub.f32 $1.500000000e+00, v12;
	v4 =	vmul.f32 v4, v9;
	v25 =	vshll.u32 v8, $0x10  }
0x2f6: {  	v61 =	vld [tilespmem:$0x1FF50];
	v9 =	vadd.f32 v14, v57;
	v14 =	vshll.u32 v2, $0x10;
	v3 =	vmul.f32 v3, v6  }
0x2f7: {  	v0 =	vld [tilespmem:$0x1FF90];
	v8 =	vand.u32 $0xFFFF0000, v8;
	v2 =	vand.u32 $0xFFFF0000, v2;
	v48 =	vadd.f32 v24, v14  }
0x2f8: {  	v62 =	vld [tilespmem:$0x1FF60];
	v1 =	vshll.u32 v11, $0x10;
	v11 =	vand.u32 $0xFFFF0000, v11;
	v9 =	vmul.f32 v3, v9  }
0x2f9: {  	v63 =	vld [tilespmem:$0x1FF70];
	v6 =	vadd.f32 v1, v25;
	v8 =	vadd.f32 v11, v8;
	v13 =	vmul.f32 v3, v13  }
0x2fa: {  	v2 =	vadd.f32 v10, v2;
	v5 =	vmul.f32 v5, v12;
	v1 =	vld [tilespmem:$0x1FF80];
	v9 =	vadd.f32 v9, v60  }
0x2fb: {  	v6 =	vmul.f32 v3, v6;
	v8 =	vmul.f32 v3, v8;
	v13 =	vadd.f32 v13, v61  }
0x2fc: {  	v50 =	vmul.f32 v3, v48;
	v2 =	vmul.f32 v3, v2;
	v9 =	vsub.f32 $0.0e+00, v9  }
0x2fd: {  	v3 =	vshll.u32 v53, $0x10;
	v6 =	vadd.f32 v6, v62;
	v55 =	vsub.f32 $0.0e+00, v13  }
0x2fe: {  	v8 =	vadd.f32 v8, v63;
	v2 =	vadd.f32 v2, v0;
	v57 =	vmul.f32 $1.442695020e+00, v9  }
0x2ff: {  	v48 =	vadd.f32 v50, v1;
	v6 =	vsub.f32 $0.0e+00, v6;
	v50 =	vmul.f32 $1.442695020e+00, v55  }
0x300: {  	v8 =	vsub.f32 $0.0e+00, v8;
	v2 =	vsub.f32 $0.0e+00, v2;
	(erf) = vpow2.f32 v57  }
0x301: {  	v6 =	vmul.f32 $1.442695020e+00, v6;
	v9 =	vsub.f32 $0.0e+00, v48;
	(erf) = vpow2.f32 v50  }
0x302: {  	v55 =	vmul.f32 $1.442695020e+00, v8;
	v8 =	vand.u32 $0xFFFF0000, v53;
	v53 =	vmul.f32 v4, v47  }
0x303: {  	v48 =	vshll.u32 v52, $0x10;
	v57 =	vmul.f32 $1.442695020e+00, v9;
	(erf) = vpow2.f32 v6  }
0x304: {  	v50 =	vand.u32 $0xFFFF0000, v52;
	v52 =	vmul.f32 v7, v45;
	(erf) = vpow2.f32 v55  }
0x305: {  	v14 =	vshll.u32 v54, $0x10;
	v2 =	vmul.f32 $1.442695020e+00, v2;
	v9 =	vmul.f32 v53, v4  }
0x306: {  	v24 =	vand.u32 $0xFFFF0000, v54;
	v6 =	vmul.f32 v52, v7;
	(erf) = vpow2.f32 v57  }
0x307: {  	v9 =	vsub.f32 $1.500000000e+00, v9;
	v55 =	vmul.f32 v5, v49;
	(erf) = vpow2.f32 v2  }
0x308: {  	v12 =	vshll.u32 v56, $0x10;
	v11 =	vand.u32 $0xFFFF0000, v51;
	v6 =	vsub.f32 $1.500000000e+00, v6  }
0x309: {  	v13 =	vand.u32 $0xFFFF0000, v56;
	v4 =	vmul.f32 v9, v4;
	v10 =	vmul.f32 v55, v5;
	v25 =	vpop (erf)  }
0x30a: {  	v2 =	vshll.u32 v51, $0x10;
	v6 =	vmul.f32 v6, v7;
	v54 =	vadd.f32 $1.000000000e+00, v25;
	v56 =	vpop (erf)  }
0x30b: {  	s4 =	sadd.s32 $0x30, s20;
	v51 =	vshll.u32 v46, $0x10;
	v7 =	vsub.f32 $1.500000000e+00, v10;
	v55 =	vadd.f32 $1.000000000e+00, v56  }
0x30c: {  	v10 =	vmov s4;
	v57 =	vpop (erf);
	(erf) = vrcp.f32 v54;
	v54 =	vmul.f32 v6, v45  }
0x30d: {  	v58 =	vld [tilespmem:$0x1FFA0];
	v53 =	vmul.u32 $0x6, v10;
	v5 =	vmul.f32 v7, v5;
	v52 =	vadd.f32 $1.000000000e+00, v57;
	v25 =	vpop (erf)  }
0x30e: {  	v25 =	vadd.f32 $1.000000000e+00, v25;
	(erf) = vrcp.f32 v55;
	v7 =	vmul.f32 v54, v6  }
0x30f: {  	v12 =	vadd.f32 v51, v12;
	v55 =	vpop (erf);
	(erf) = vrcp.f32 v52;
	v52 =	vbroadcast v53, $0x0  }
0x310: {  	v56 =	vadd.f32 $1.000000000e+00, v55;
	v57 =	vpop (erf);
	(erf) = vrcp.f32 v25;
	v25 =	vand.u32 $0xFFFF0000, v46  }
0x311: {  	v55 =	vmul.f32 v4, v47;
	v47 =	vshll.u32 v43, $0x10;
	v7 =	vsub.f32 $1.500000000e+00, v7  }
0x312: {  	v10 =	vadd.f32 $1.000000000e+00, v57;
	v9 =	vadd.s32 v58, v52;
	(erf) = vrcp.f32 v56  }
0x313: {  	v46 =	vadd.s32 v27, v52;
	v53 =	vadd.s32 v26, v52;
	v54 =	vadd.s32 v21, v52  }
0x314: {  	v13 =	vadd.f32 v25, v13;
	v14 =	vadd.f32 v47, v14;
	(erf) = vrcp.f32 v10  }
0x315: {  	v56 =	vmul.f32 v5, v49;
	v49 =	vadd.s32 v28, v52;
	v6 =	vmul.f32 v7, v6  }
0x316: {  	v40 =	vld.idx.msk [tilespmem:v40+s2+$0x0], $0xffff;
	v10 =	vmul.f32 v55, v4;
	v55 =	vshll.u32 v16, $0x10;
	v16 =	vand.u32 $0xFFFF0000, v16  }
0x317: {  	v41 =	vld.idx.msk [tilespmem:v41+s18+$0x0], $0xffff;
	v45 =	vmul.f32 v56, v5;
	v56 =	vshll.u32 v17, $0x10;
	v17 =	vand.u32 $0xFFFF0000, v17;
	v57 =	vpop (erf)  }
0x318: {  	v10 =	vsub.f32 $1.500000000e+00, v10;
	v19 =	vadd.f32 v56, v55;
	[tilespmem:v9+s28+$0x0] =	vst.idx.msk $0xffff, v57;
	v9 =	vadd.s32 v59, v52;
	v52 =	vpop (erf)  }
0x319: {  	v43 =	vand.u32 $0xFFFF0000, v43;
	v16 =	vadd.f32 v17, v16;
	v45 =	vsub.f32 $1.500000000e+00, v45;
	[tilespmem:v46+s28+$0x0] =	vst.idx.msk $0xffff, v52;
	v57 =	vpop (erf)  }
0x31a: {  	v52 =	vshll.u32 v38, $0x10;
	v4 =	vmul.f32 v10, v4;
	v10 =	vmul.f32 v6, v36;
	[tilespmem:v49+s28+$0x0] =	vst.idx.msk $0xffff, v57;
	v46 =	vpop (erf)  }
0x31b: {  	v38 =	vand.u32 $0xFFFF0000, v38;
	v19 =	vmul.f32 v6, v19;
	v5 =	vmul.f32 v45, v5;
	[tilespmem:v53+s28+$0x0] =	vst.idx.msk $0xffff, v46;
	v46 =	vpop (erf)  }
0x31c: {  	v49 =	vshll.u32 v39, $0x10;
	v39 =	vand.u32 $0xFFFF0000, v39;
	[tilespmem:v54+s28+$0x0] =	vst.idx.msk $0xffff, v46;
	v46 =	vadd.f32 v18, v22;
	v18 =	vld [tilespmem:$0x1FD80]  }
0x31d: {  	v57 =	vshll.u32 v40, $0x10;
	v40 =	vand.u32 $0xFFFF0000, v40;
	v53 =	vshll.u32 v41, $0x10;
	v54 =	vpop (erf)  }
0x31e: {  	v41 =	vand.u32 $0xFFFF0000, v41;
	v17 =	vadd.f32 v49, v52;
	[tilespmem:v9+s28+$0x0] =	vst.idx.msk $0xffff, v54;
	v54 =	vadd.f32 v15, v23  }
0x31f: {  	v12 =	vmul.f32 v5, v12;
	v13 =	vmul.f32 v5, v13;
	v22 =	vadd.f32 v53, v57  }
0x320: {  	v15 =	vadd.f32 v37, v20;
	v7 =	vmul.f32 v6, v46;
	v9 =	vmul.f32 v6, v54  }
0x321: {  	(erf) = vrcp.f32 v18;
	v18 =	vadd.f32 v43, v24;
	v24 =	vadd.f32 v39, v38  }
0x322: {  	v23 =	vadd.f32 v41, v40;
	v15 =	vmul.f32 v6, v15;
	v6 =	vmul.f32 v6, v16  }
0x323: {  	v16 =	vmul.f32 v4, v17;
	v17 =	vadd.f32 v19, v60;
	v19 =	vmul.f32 v4, v24  }
0x324: {  	v14 =	vmul.f32 v5, v14;
	v43 =	vmul.f32 v5, v22  }
0x325: {  	v22 =	vmul.f32 v5, v23;
	v5 =	vmul.f32 v5, v18;
	v18 =	vadd.f32 v19, v61;
	v19 =	vld [tilespmem:$0x1FDE0];
	_ =	sdelay $0x5  }
0x326: {  	v3 =	vadd.f32 v3, v42;
	v8 =	vadd.f32 v8, v44  }
0x327: {  	v2 =	vadd.f32 v2, v48;
	v20 =	vpop (erf)  }
0x328: {  	v3 =	vmul.f32 v4, v3;
	v8 =	vmul.f32 v4, v8;
	[tilespmem:v19+s28+$0x0] =	vst.idx.msk $0xffff, v20;
	v19 =	vld [tilespmem:$0x1FD90]  }
0x329: {  	v11 =	vadd.f32 v11, v50;
	v2 =	vmul.f32 v4, v2;
	v10 =	vadd.f32 v10, v1  }
0x32a: {  	s4 =	sadd.s32 $0x10, s20;
	v3 =	vadd.f32 v3, v62;
	v8 =	vadd.f32 v8, v63  }
0x32b: {  	v55 =	vmov s4;
	s4 =	sadd.s32 $0x20, s20;
	v2 =	vadd.f32 v2, v1;
	v10 =	vsub.f32 $0.0e+00, v10  }
0x32c: {  	v56 =	vmov s4;
	v12 =	vadd.f32 v12, v62;
	v13 =	vadd.f32 v13, v63  }
0x32d: {  	v14 =	vadd.f32 v14, v1;
	v3 =	vsub.f32 $0.0e+00, v3;
	(erf) = vrcp.f32 v19  }
0x32e: {  	v8 =	vsub.f32 $0.0e+00, v8;
	v2 =	vsub.f32 $0.0e+00, v2;
	(erf) = vrcp.f32 v34  }
0x32f: {  	v44 =	vld [tilespmem:$0x1FDF0];
	v10 =	vmul.f32 $1.442695020e+00, v10;
	v12 =	vsub.f32 $0.0e+00, v12;
	(erf) = vrcp.f32 v35  }
0x330: {  	v45 =	vld [tilespmem:$0x1FE00];
	v13 =	vsub.f32 $0.0e+00, v13;
	v3 =	vmul.f32 $1.442695020e+00, v3;
	(erf) = vrcp.f32 v31  }
0x331: {  	v14 =	vsub.f32 $0.0e+00, v14;
	v8 =	vmul.f32 $1.442695020e+00, v8;
	(erf) = vrcp.f32 v33  }
0x332: {  	v2 =	vmul.f32 $1.442695020e+00, v2;
	v54 =	vmov s20;
	(erf) = vrcp.f32 v32  }
0x333: {  	v7 =	vadd.f32 v7, v62;
	v6 =	vadd.f32 v6, v61;
	(erf) = vrcp.f32 v29  }
0x334: {  	v12 =	vmul.f32 $1.442695020e+00, v12;
	v9 =	vadd.f32 v9, v63;
	v15 =	vadd.f32 v15, v0  }
0x335: {  	v48 =	vld [tilespmem:$0x1FDB0];
	v13 =	vmul.f32 $1.442695020e+00, v13;
	v16 =	vadd.f32 v16, v60;
	v17 =	vsub.f32 $0.0e+00, v17  }
0x336: {  	s21 =	sadd.s32 $0x40, s21;
	v46 =	vld [tilespmem:$0x1FDA0];
	v14 =	vmul.f32 $1.442695020e+00, v14;
	v7 =	vsub.f32 $0.0e+00, v7;
	v18 =	vsub.f32 $0.0e+00, v18;
	v20 =	vpop (erf)  }
0x337: {  	v39 =	vld [tilespmem:s21+$0x10];
	v4 =	vmul.f32 v4, v11;
	v11 =	vadd.f32 v43, v60;
	v6 =	vsub.f32 $0.0e+00, v6;
	[tilespmem:v44+s28+$0x0] =	vst.idx.msk $0xffff, v20;
	v20 =	vpop (erf)  }
0x338: {  	v17 =	vmul.f32 $1.442695020e+00, v17;
	v9 =	vsub.f32 $0.0e+00, v9;
	v50 =	vmul.f32 $1.442695020e+00, v18;
	v18 =	vld [tilespmem:$0x1FDC0];
	[tilespmem:v45+s28+$0x0] =	vst.idx.msk $0xffff, v20;
	v20 =	vpop (erf)  }
0x339: {  	v15 =	vsub.f32 $0.0e+00, v15;
	v16 =	vsub.f32 $0.0e+00, v16;
	v7 =	vmul.f32 $1.442695020e+00, v7;
	v47 =	vpop (erf)  }
0x33a: {  	v4 =	vadd.f32 v4, v0;
	v5 =	vadd.f32 v5, v0;
	v6 =	vmul.f32 $1.442695020e+00, v6;
	v49 =	vpop (erf)  }
0x33b: {  	v9 =	vmul.f32 $1.442695020e+00, v9;
	v11 =	vsub.f32 $0.0e+00, v11;
	v15 =	vmul.f32 $1.442695020e+00, v15;
	v51 =	vpop (erf)  }
0x33c: {  	v16 =	vmul.f32 $1.442695020e+00, v16;
	v36 =	vmul.u32 $0x5, v39;
	v52 =	vpop (erf);
	(erf) = vpow2.f32 v17  }
0x33d: {  	v4 =	vsub.f32 $0.0e+00, v4;
	v5 =	vsub.f32 $0.0e+00, v5;
	(erf) = vpow2.f32 v6  }
0x33e: {  	v11 =	vmul.f32 $1.442695020e+00, v11;
	v19 =	vadd.f32 v22, v61;
	[tilespmem:v46+s28+$0x0] =	vst.idx.msk $0xffff, v20;
	(erf) = vpow2.f32 v7  }
0x33f: {  	v4 =	vmul.f32 $1.442695020e+00, v4;
	[tilespmem:v48+s28+$0x0] =	vst.idx.msk $0xffff, v47;
	v6 =	vmul.u32 $0x6, v54;
	(erf) = vpow2.f32 v9  }
0x340: {  	v5 =	vmul.f32 $1.442695020e+00, v5;
	v19 =	vsub.f32 $0.0e+00, v19;
	[tilespmem:v18+s28+$0x0] =	vst.idx.msk $0xffff, v49;
	v18 =	vld [tilespmem:$0x1FDD0];
	(erf) = vpow2.f32 v10  }
0x341: {  	v7 =	vmul.u32 $0x6, v55;
	v6 =	vbroadcast v6, $0x0;
	(erf) = vpow2.f32 v15  }
0x342: {  	v53 =	vmul.f32 $1.442695020e+00, v19;
	v9 =	vmul.u32 $0x6, v56;
	(erf) = vpow2.f32 v16  }
0x343: {  	v7 =	vbroadcast v7, $0x0;
	v25 =	vor.u32 v58, v6;
	(erf) = vpow2.f32 v50  }
0x344: {  	v23 =	vbroadcast v9, $0x0;
	v24 =	vor.u32 v27, v6;
	(erf) = vpow2.f32 v3  }
0x345: {  	s22 =	sadd.s32 $0x40, s22;
	v22 =	vor.u32 v28, v6;
	v20 =	vor.u32 v21, v6;
	v57 =	vpop (erf);
	(erf) = vpow2.f32 v8  }
0x346: {  	v49 =	vld [tilespmem:s22+$0x10];
	v19 =	vor.u32 v59, v6;
	v16 =	vadd.s32 v27, v7;
	v9 =	vpop (erf);
	(erf) = vpow2.f32 v2  }
0x347: {  	v17 =	vadd.s32 v28, v7;
	v15 =	vadd.s32 v26, v7;
	v37 =	vpop (erf);
	(erf) = vpow2.f32 v4  }
0x348: {  	[tilespmem:v18+s28+$0x0] =	vst.idx.msk $0xffff, v51;
	v18 =	vadd.s32 v58, v7;
	v51 =	vadd.s32 v21, v7;
	v38 =	vpop (erf);
	(erf) = vpow2.f32 v11  }
0x349: {  	v55 =	vadd.s32 v58, v23;
	[tilespmem:v30+s28+$0x0] =	vst.idx.msk $0xffff, v52;
	v30 =	vor.u32 v26, v6;
	v48 =	vpop (erf);
	(erf) = vpow2.f32 v53  }
0x34a: {  	p0 =	slt.u32 s23, $0xC0;
	v1 =	vadd.f32 $1.000000000e+00, v57;
	v10 =	vadd.f32 $1.000000000e+00, v9;
	v50 =	vpop (erf);
	(erf) = vpow2.f32 v12  }
.Ltmp6:
0x34b: {  	v27 =	vld [tilespmem:s21+$0xFFFFFFF0];
	v33 =	vadd.f32 $1.000000000e+00, v37;
	v37 =	vmul.u32 $0x5, v49;
	v52 =	vpop (erf);
	(erf) = vpow2.f32 v13;
	(pc) =	sbr.rel @p0 .LBB2_6-.Ltmp6, $4  }
0x34c: {  	v28 =	vld [tilespmem:s22+$0xFFFFFFF0];
	v44 =	vadd.f32 $1.000000000e+00, v38;
	v53 =	vadd.s32 v59, v7;
	v54 =	vpop (erf);
	(erf) = vpow2.f32 v14  }
0x34d: {  	v26 =	vld [tilespmem:s22+$0xFFFFFFE0];
	[tilespmem:$0x1FDE0] =	vst v51;
	v46 =	vadd.f32 $1.000000000e+00, v48;
	v42 =	vadd.f32 $1.000000000e+00, v50;
	v56 =	vpop (erf);
	(erf) = vpow2.f32 v5  }
0x34e: {  	[tilespmem:$0x1FE00] =	vst v55;
	v29 =	vld [tilespmem:s21+$0x0];
	v45 =	vadd.f32 $1.000000000e+00, v52;
	v47 =	vadd.f32 $1.000000000e+00, v54;
	(erf) = vrcp.f32 v1;
	v57 =	vpop (erf)  }
0x34f: {  	s20 =	smov.u32 s23;
	s23 =	sadd.s32 $0x40, s23;
	v34 =	vld [tilespmem:s22+$0x0];
	[tilespmem:$0x1FDF0] =	vst v53;
	v39 =	vadd.f32 $1.000000000e+00, v56;
	v38 =	vadd.f32 $1.000000000e+00, v57;
	(erf) = vrcp.f32 v10;
	v35 =	vpop (erf)  }
0x350: {  	v0 =	vadd.s32 $0x3, v36  }
0x351: {  	v1 =	vadd.s32 $0x3, v37  }
0x352: {  	v2 =	vadd.s32 $0x4, v36  }
0x353: {  	v3 =	vadd.s32 $0x4, v37  }
0x354: {  	v4 =	vld [tilespmem:s21+$0xFFFFFFE0]  }
0x355: {  	v0 =	vld.idx.msk [tilespmem:v0+s2+$0x0], $0xffff  }
0x356: {  	v28 =	vmul.u32 $0x5, v28;
	v1 =	vld.idx.msk [tilespmem:v1+s18+$0x0], $0xffff  }
0x357: {  	v31 =	vmul.u32 $0x5, v26;
	v2 =	vld.idx.msk [tilespmem:v2+s2+$0x0], $0xffff  }
0x358: {  	v57 =	vmov v59;
	v21 =	vmul.u32 $0x5, v27;
	v59 =	vadd.s32 $0x3, v28;
	v3 =	vld.idx.msk [tilespmem:v3+s18+$0x0], $0xffff  }
0x359: {  	v27 =	vmul.u32 $0x5, v29;
	v5 =	vadd.s32 $0x3, v31  }
0x35a: {  	v56 =	vmovc v62;
	v62 =	vmov v58;
	v58 =	vadd.s32 $0x3, v21;
	v29 =	vmul.u32 $0x5, v34  }
0x35b: {  	v32 =	vmul.u32 $0x5, v4;
	v6 =	vadd.s32 $0x3, v27;
	v0 =	vadd.f32 v1, v0  }
0x35c: {  	v7 =	vadd.s32 $0x3, v29  }
0x35d: {  	v54 =	vmovc v60;
	v60 =	vadd.s32 $0x3, v32;
	v4 =	vld.idx.msk [tilespmem:v59+s18+$0x0], $0xffff;
	v2 =	vadd.f32 v3, v2;
	v0 =	vmul.f32 $1.953125000e-03, v0  }
0x35e: {  	v8 =	vadd.s32 $0x4, v32;
	v5 =	vld.idx.msk [tilespmem:v5+s18+$0x0], $0xffff  }
0x35f: {  	v53 =	vmovc v61;
	v61 =	vadd.s32 $0x4, v31;
	v1 =	vld.idx.msk [tilespmem:v58+s2+$0x0], $0xffff;
	v2 =	vmul.f32 $1.953125000e-03, v2;
	v0 =	vmul.f32 v0, v0  }
0x360: {  	v9 =	vadd.s32 $0x4, v21;
	v6 =	vld.idx.msk [tilespmem:v6+s2+$0x0], $0xffff  }
0x361: {  	v14 =	vpop (erf);
	v10 =	vadd.s32 $0x4, v28;
	v7 =	vld.idx.msk [tilespmem:v7+s18+$0x0], $0xffff;
	v0 =	vsub.f32 v2, v0  }
0x362: {  	(erf) = vrcp.f32 v33;
	v14 =	vadd.f32 $1.000000000e+00, v14;
	v11 =	vadd.s32 $0x4, v27;
	v3 =	vld.idx.msk [tilespmem:v60+s2+$0x0], $0xffff  }
0x363: {  	(erf) = vrcp.f32 v44;
	v13 =	vadd.s32 $0x4, v29;
	v8 =	vld.idx.msk [tilespmem:v8+s2+$0x0], $0xffff;
	v0 =	vadd.f32 $9.999999740e-06, v0  }
0x364: {  	(erf) = vrcp.f32 v46;
	v2 =	vld.idx.msk [tilespmem:v61+s18+$0x0], $0xffff;
	[tilespmem:$0x1FCF0] =	vst v14  }
0x365: {  	v55 =	vmovc v63;
	(erf) = vrcp.f32 v42;
	v9 =	vld.idx.msk [tilespmem:v9+s2+$0x0], $0xffff;
	v12 =	vshrl.u32 v0, $0x1;
	v0 =	vmul.f32 $5.000000000e-01, v0  }
0x366: {  	v43 =	vadd.f32 $1.000000000e+00, v35;
	v46 =	vpop (erf);
	(erf) = vrcp.f32 v45;
	v26 =	vld.idx.msk [tilespmem:v10+s18+$0x0], $0xffff;
	v12 =	vsub.s32 $0x5F3759DF, v12  }
0x367: {  	v40 =	vadd.s32 $0x1, v37;
	v49 =	vpop (erf);
	(erf) = vrcp.f32 v47;
	v33 =	vld.idx.msk [tilespmem:v11+s2+$0x0], $0xffff;
	v63 =	vmul.f32 v12, v0  }
0x368: {  	v47 =	vpop (erf);
	(erf) = vrcp.f32 v39;
	v1 =	vadd.f32 v4, v1;
	v3 =	vadd.f32 v5, v3;
	v11 =	vld.idx.msk [tilespmem:v13+s18+$0x0], $0xffff  }
0x369: {  	v50 =	vpop (erf);
	(erf) = vrcp.f32 v38;
	v6 =	vadd.f32 v7, v6;
	v10 =	vmul.f32 v12, v63  }
0x36a: {  	v39 =	vadd.s32 $0x1, v36;
	v1 =	vmul.f32 $1.953125000e-03, v1;
	v3 =	vmul.f32 $1.953125000e-03, v3  }
0x36b: {  	v6 =	vmul.f32 $1.953125000e-03, v6;
	v2 =	vadd.f32 v2, v8;
	v10 =	vsub.f32 $1.500000000e+00, v10  }
0x36c: {  	v1 =	vmul.f32 v1, v1;
	v3 =	vmul.f32 v3, v3;
	v4 =	vadd.f32 v26, v9  }
0x36d: {  	v5 =	vadd.f32 v11, v33;
	v9 =	vld.idx.msk [tilespmem:v36+s2+$0x0], $0xffff;
	v2 =	vmul.f32 $1.953125000e-03, v2;
	v34 =	vmul.f32 v12, v10  }
0x36e: {  	v51 =	vadd.s32 $0x2, v37;
	v6 =	vmul.f32 v6, v6;
	v4 =	vmul.f32 $1.953125000e-03, v4  }
0x36f: {  	v38 =	vmul.f32 $1.953125000e-03, v5;
	v5 =	vld.idx.msk [tilespmem:v39+s2+$0x0], $0xffff;
	v2 =	vsub.f32 v2, v3;
	v8 =	vmul.f32 v34, v0  }
0x370: {  	v45 =	vadd.s32 $0x1, v31;
	v49 =	vadd.f32 $1.000000000e+00, v49;
	v1 =	vsub.f32 v4, v1  }
0x371: {  	v4 =	vsub.f32 v38, v6;
	v2 =	vadd.f32 $9.999999740e-06, v2;
	v35 =	vmul.f32 v8, v34  }
0x372: {  	v60 =	vshll.u32 v9, $0x10;
	v9 =	vand.u32 $0xFFFF0000, v9;
	v1 =	vadd.f32 $9.999999740e-06, v1;
	v10 =	vld.idx.msk [tilespmem:v37+s18+$0x0], $0xffff  }
0x373: {  	v4 =	vadd.f32 $9.999999740e-06, v4;
	v26 =	vmul.f32 $5.000000000e-01, v2;
	v3 =	vsub.f32 $1.500000000e+00, v35  }
0x374: {  	v63 =	vshll.u32 v5, $0x10;
	v5 =	vand.u32 $0xFFFF0000, v5;
	v8 =	vshrl.u32 v2, $0x1  }
0x375: {  	v6 =	vld.idx.msk [tilespmem:v40+s18+$0x0], $0xffff;
	v7 =	vsub.s32 $0x5F3759DF, v8;
	v8 =	vadd.s32 $0x2, v36;
	v41 =	vmul.f32 v3, v34  }
0x376: {  	v42 =	vshrl.u32 v1, $0x1;
	v52 =	vmul.f32 $5.000000000e-01, v1;
	v13 =	vshrl.u32 v4, $0x1  }
0x377: {  	v1 =	vld.idx.msk [tilespmem:v51+s18+$0x0], $0xffff;
	v36 =	vmul.f32 $5.000000000e-01, v4;
	v61 =	vshll.u32 v10, $0x10;
	v0 =	vmul.f32 v41, v0  }
0x378: {  	v10 =	vand.u32 $0xFFFF0000, v10;
	v11 =	vmul.f32 v7, v26;
	v12 =	vadd.f32 v61, v60  }
0x379: {  	v35 =	vadd.f32 v10, v9;
	v3 =	vsub.s32 $0x5F3759DF, v42;
	v0 =	vmul.f32 v0, v41  }
0x37a: {  	v9 =	vshll.u32 v6, $0x10;
	v6 =	vand.u32 $0xFFFF0000, v6;
	v58 =	vmul.f32 v3, v52;
	v8 =	vld.idx.msk [tilespmem:v8+s2+$0x0], $0xffff  }
0x37b: {  	v9 =	vadd.f32 v9, v63;
	v59 =	vmul.f32 v7, v11;
	v0 =	vsub.f32 $1.500000000e+00, v0  }
0x37c: {  	v5 =	vadd.f32 v6, v5;
	v39 =	vshll.u32 v1, $0x10;
	v11 =	vmul.f32 v3, v58  }
0x37d: {  	v4 =	vsub.f32 $1.500000000e+00, v59;
	v59 =	vsub.s32 $0x5F3759DF, v13;
	v0 =	vmul.f32 v0, v41  }
0x37e: {  	v1 =	vand.u32 $0xFFFF0000, v1;
	v61 =	vmul.f32 v59, v36;
	v13 =	vsub.f32 $1.500000000e+00, v11  }
0x37f: {  	v38 =	vshll.u32 v8, $0x10;
	v8 =	vand.u32 $0xFFFF0000, v8;
	v10 =	vmul.f32 v0, v12  }
0x380: {  	v6 =	vadd.f32 v39, v38;
	v2 =	vmul.f32 v0, v35;
	v9 =	vmul.f32 v0, v9  }
0x381: {  	v1 =	vadd.f32 v1, v8;
	v5 =	vmul.f32 v0, v5;
	v35 =	vld [tilespmem:$0x1FF80];
	v10 =	vadd.f32 v10, v54  }
0x382: {  	v4 =	vmul.f32 v7, v4;
	v2 =	vadd.f32 v2, v53;
	v9 =	vadd.f32 v9, v56  }
0x383: {  	v3 =	vmul.f32 v3, v13;
	v5 =	vadd.f32 v5, v55;
	v10 =	vsub.f32 $0.0e+00, v10  }
0x384: {  	v34 =	vld [tilespmem:$0x1FF90];
	v12 =	vpop (erf);
	v6 =	vmul.f32 v0, v6;
	v2 =	vsub.f32 $0.0e+00, v2;
	v9 =	vsub.f32 $0.0e+00, v9  }
0x385: {  	v47 =	vadd.f32 $1.000000000e+00, v47;
	v0 =	vmul.f32 v0, v1;
	v14 =	vpop (erf);
	v10 =	vmul.f32 $1.442695020e+00, v10  }
0x386: {  	v42 =	vpop (erf);
	v5 =	vsub.f32 $0.0e+00, v5;
	v6 =	vadd.f32 v6, v35;
	v2 =	vmul.f32 $1.442695020e+00, v2  }
0x387: {  	v48 =	vadd.s32 $0x1, v32;
	v41 =	vpop (erf);
	v8 =	vmul.f32 $1.442695020e+00, v9;
	(erf) = vpow2.f32 v10  }
0x388: {  	v5 =	vmul.f32 $1.442695020e+00, v5;
	v51 =	vsub.f32 $0.0e+00, v6;
	v9 =	vpop (erf);
	(erf) = vpow2.f32 v2  }
0x389: {  	v0 =	vadd.f32 v0, v34;
	v10 =	vmul.f32 v3, v52;
	[tilespmem:$0x1FD00] =	vst v9;
	v40 =	vpop (erf);
	(erf) = vpow2.f32 v8  }
0x38a: {  	v44 =	vadd.s32 $0x2, v32;
	v1 =	vmul.f32 $1.442695020e+00, v51;
	[tilespmem:$0x1FD10] =	vst v40;
	v58 =	vpop (erf);
	v8 =	vmul.f32 v4, v26  }
0x38b: {  	v0 =	vsub.f32 $0.0e+00, v0;
	[tilespmem:$0x1FD20] =	vst v58;
	(erf) = vpow2.f32 v5;
	v60 =	vpop (erf);
	v5 =	vmul.f32 v59, v61  }
0x38c: {  	v37 =	vadd.s32 $0x2, v31;
	v10 =	vmul.f32 v10, v3;
	[tilespmem:$0x1FD30] =	vst v60;
	v63 =	vpop (erf);
	v33 =	vmul.f32 v8, v4  }
0x38d: {  	v0 =	vmul.f32 $1.442695020e+00, v0;
	(erf) = vpow2.f32 v1;
	[tilespmem:$0x1FD40] =	vst v63;
	v9 =	vpop (erf);
	v5 =	vsub.f32 $1.500000000e+00, v5  }
0x38e: {  	v6 =	vadd.s32 $0x1, v21;
	v10 =	vsub.f32 $1.500000000e+00, v10;
	[tilespmem:$0x1FD50] =	vst v9;
	v9 =	vpop (erf);
	v7 =	vsub.f32 $1.500000000e+00, v33  }
0x38f: {  	v1 =	vadd.s32 $0x2, v21;
	(erf) = vpow2.f32 v0;
	[tilespmem:$0x1FD60] =	vst v9;
	v9 =	vpop (erf);
	v2 =	vmul.f32 v59, v5  }
0x390: {  	v8 =	vadd.s32 $0x1, v28;
	v3 =	vmul.f32 v10, v3;
	[tilespmem:$0x1FD70] =	vst v9;
	v4 =	vmul.f32 v7, v4;
	v11 =	vpop (erf)  }
0x391: {  	v9 =	vadd.s32 $0x2, v28;
	v58 =	vld.idx.msk [tilespmem:v48+s2+$0x0], $0xffff;
	v38 =	vadd.f32 $1.000000000e+00, v11;
	v39 =	vpop (erf);
	v11 =	vmul.f32 v2, v36  }
0x392: {  	v48 =	vadd.f32 $1.000000000e+00, v12;
	v59 =	vld.idx.msk [tilespmem:v45+s18+$0x0], $0xffff;
	v33 =	vmul.f32 v4, v26;
	v5 =	vadd.f32 $1.000000000e+00, v39;
	v40 =	vpop (erf)  }
0x393: {  	v60 =	vld.idx.msk [tilespmem:v37+s18+$0x0], $0xffff;
	v7 =	vadd.f32 $1.000000000e+00, v40;
	(erf) = vrcp.f32 v38;
	v11 =	vmul.f32 v11, v2  }
0x394: {  	v6 =	vld.idx.msk [tilespmem:v6+s2+$0x0], $0xffff;
	v51 =	vpop (erf);
	v38 =	vmul.f32 v3, v52;
	v39 =	vmul.f32 v33, v4;
	v40 =	vadd.s32 $0x2, v29  }
0x395: {  	v8 =	vld.idx.msk [tilespmem:v8+s18+$0x0], $0xffff;
	v0 =	vadd.f32 $1.000000000e+00, v51;
	(erf) = vrcp.f32 v5;
	v5 =	vadd.s32 $0x1, v27  }
0x396: {  	v10 =	vpop (erf);
	v51 =	vadd.f32 $1.000000000e+00, v46;
	v46 =	vadd.f32 $1.000000000e+00, v50;
	(erf) = vrcp.f32 v7  }
0x397: {  	v31 =	vld.idx.msk [tilespmem:v31+s18+$0x0], $0xffff;
	v11 =	vsub.f32 $1.500000000e+00, v11;
	v10 =	vadd.f32 $1.000000000e+00, v10;
	v61 =	vmul.f32 v38, v3  }
0x398: {  	v63 =	vsub.f32 $1.500000000e+00, v39;
	v13 =	vand.u32 $0xFFFF0000, v58;
	v37 =	vshll.u32 v59, $0x10  }
0x399: {  	v1 =	vld.idx.msk [tilespmem:v1+s2+$0x0], $0xffff;
	v12 =	vand.u32 $0xFFFF0000, v59;
	v38 =	vshll.u32 v60, $0x10;
	v39 =	vshll.u32 v6, $0x10  }
0x39a: {  	v32 =	vld.idx.msk [tilespmem:v32+s2+$0x0], $0xffff;
	v59 =	vshll.u32 v8, $0x10;
	(erf) = vrcp.f32 v0;
	v0 =	vadd.s32 $0x1, v29  }
0x39b: {  	v9 =	vld.idx.msk [tilespmem:v9+s18+$0x0], $0xffff;
	v12 =	vadd.f32 v12, v13;
	v13 =	vadd.f32 v59, v39;
	v2 =	vmul.f32 v11, v2  }
0x39c: {  	v59 =	vshll.u32 v31, $0x10;
	(erf) = vrcp.f32 v10;
	v10 =	vld.idx.msk [tilespmem:v44+s2+$0x0], $0xffff;
	v4 =	vmul.f32 v63, v4  }
0x39d: {  	v31 =	vand.u32 $0xFFFF0000, v31;
	v44 =	vadd.f32 $1.000000000e+00, v14;
	v45 =	vsub.f32 $1.500000000e+00, v61;
	v26 =	vld.idx.msk [tilespmem:v40+s18+$0x0], $0xffff  }
0x39e: {  	v14 =	vand.u32 $0xFFFF0000, v60;
	v11 =	vpop (erf);
	v33 =	vmul.f32 v2, v36;
	v5 =	vld.idx.msk [tilespmem:v5+s2+$0x0], $0xffff;
	v12 =	vmul.f32 v4, v12  }
0x39f: {  	v40 =	vshll.u32 v32, $0x10;
	v3 =	vmul.f32 v45, v3;
	v11 =	vadd.f32 $1.000000000e+00, v11;
	v0 =	vld.idx.msk [tilespmem:v0+s18+$0x0], $0xffff  }
0x3a0: {  	v60 =	vshll.u32 v9, $0x10;
	v52 =	vmul.f32 v33, v2;
	v12 =	vadd.f32 v12, v55  }
0x3a1: {  	(erf) = vrcp.f32 v11;
	v11 =	vshll.u32 v58, $0x10;
	v36 =	vshll.u32 v10, $0x10  }
0x3a2: {  	v21 =	vld.idx.msk [tilespmem:v21+s2+$0x0], $0xffff;
	v10 =	vand.u32 $0xFFFF0000, v10;
	v58 =	vshll.u32 v1, $0x10;
	v11 =	vadd.f32 v37, v11  }
0x3a3: {  	v45 =	vadd.f32 v38, v36;
	v10 =	vadd.f32 v14, v10;
	(erf) = vrcp.f32 v43  }
0x3a4: {  	v28 =	vld.idx.msk [tilespmem:v28+s18+$0x0], $0xffff;
	v14 =	vadd.f32 v60, v58;
	v61 =	vshll.u32 v5, $0x10;
	v33 =	vshll.u32 v0, $0x10  }
0x3a5: {  	v38 =	vld [tilespmem:$0x1FCF0];
	v5 =	vand.u32 $0xFFFF0000, v5;
	v0 =	vand.u32 $0xFFFF0000, v0;
	v43 =	vadd.f32 v33, v61  }
0x3a6: {  	v58 =	vand.u32 $0xFFFF0000, v32;
	v33 =	vadd.f32 v0, v5;
	v5 =	vadd.f32 v59, v40  }
0x3a7: {  	v60 =	vshll.u32 v21, $0x10;
	v31 =	vadd.f32 v31, v58;
	v11 =	vmul.f32 v4, v11  }
0x3a8: {  	v21 =	vand.u32 $0xFFFF0000, v21;
	v45 =	vmul.f32 v4, v45;
	v5 =	vmul.f32 v4, v5  }
0x3a9: {  	v10 =	vmul.f32 v4, v10;
	v61 =	vshll.u32 v28, $0x10;
	v4 =	vmul.f32 v4, v31  }
0x3aa: {  	v58 =	vld [tilespmem:$0x1FFB0];
	v28 =	vand.u32 $0xFFFF0000, v28;
	(erf) = vrcp.f32 v38;
	v5 =	vadd.f32 v5, v54  }
0x3ab: {  	v59 =	vld [tilespmem:$0x1FFF0];
	v11 =	vadd.f32 v11, v56;
	(erf) = vrcp.f32 v51;
	v4 =	vadd.f32 v4, v53  }
0x3ac: {  	v0 =	vadd.f32 v28, v21;
	v21 =	vld [tilespmem:$0x1FFC0];
	(erf) = vrcp.f32 v49;
	v5 =	vsub.f32 $0.0e+00, v5  }
0x3ad: {  	v12 =	vsub.f32 $0.0e+00, v12;
	v28 =	vld [tilespmem:$0x1FFD0];
	[tilespmem:v25+s28+$0x0] =	vst.idx.msk $0xffff, v42;
	v49 =	vpop (erf);
	(erf) = vrcp.f32 v47;
	v4 =	vsub.f32 $0.0e+00, v4  }
0x3ae: {  	v11 =	vsub.f32 $0.0e+00, v11;
	[tilespmem:v24+s28+$0x0] =	vst.idx.msk $0xffff, v41;
	v47 =	vpop (erf);
	(erf) = vrcp.f32 v46;
	v5 =	vmul.f32 $1.442695020e+00, v5  }
0x3af: {  	v45 =	vadd.f32 v45, v35;
	v42 =	vld [tilespmem:$0x1FD00];
	v46 =	vpop (erf);
	(erf) = vrcp.f32 v48;
	v4 =	vmul.f32 $1.442695020e+00, v4  }
0x3b0: {  	v11 =	vmul.f32 $1.442695020e+00, v11;
	v48 =	vpop (erf);
	(erf) = vrcp.f32 v44  }
0x3b1: {  	v12 =	vmul.f32 $1.442695020e+00, v12;
	v45 =	vsub.f32 $0.0e+00, v45;
	v44 =	vpop (erf);
	(erf) = vpow2.f32 v5  }
0x3b2: {  	v5 =	vpop (erf);
	(erf) = vpow2.f32 v4  }
0x3b3: {  	v45 =	vmul.f32 $1.442695020e+00, v45;
	v4 =	vpop (erf);
	(erf) = vpow2.f32 v11  }
0x3b4: {  	[tilespmem:v22+s28+$0x0] =	vst.idx.msk $0xffff, v42;
	v11 =	vpop (erf);
	(erf) = vpow2.f32 v12  }
0x3b5: {  	v12 =	vpop (erf);
	(erf) = vpow2.f32 v45;
	v45 =	vld [tilespmem:$0x1FD10];
	_ =	sdelay $0x4  }
0x3b6: {  	[tilespmem:v30+s28+$0x0] =	vst.idx.msk $0xffff, v45  }
0x3b7: {  	v30 =	vld [tilespmem:$0x1FD20];
	_ =	sdelay $0x4  }
0x3b8: {  	v7 =	vadd.s32 $0x2, v27;
	[tilespmem:v20+s28+$0x0] =	vst.idx.msk $0xffff, v30  }
0x3b9: {  	v30 =	vld [tilespmem:$0x1FD30];
	_ =	sdelay $0x3  }
0x3ba: {  	v7 =	vld.idx.msk [tilespmem:v7+s2+$0x0], $0xffff  }
0x3bb: {  	s4 =	sadd.s32 $0x30, s20;
	v6 =	vand.u32 $0xFFFF0000, v6;
	v8 =	vand.u32 $0xFFFF0000, v8;
	v52 =	vsub.f32 $1.500000000e+00, v52;
	v37 =	vld.idx.msk [tilespmem:v29+s18+$0x0], $0xffff;
	[tilespmem:v19+s28+$0x0] =	vst.idx.msk $0xffff, v30  }
0x3bc: {  	v6 =	vadd.f32 v8, v6;
	v8 =	vmov s4;
	v39 =	vadd.s32 v57, v23;
	v30 =	vld [tilespmem:$0x1FD40]  }
0x3bd: {  	v9 =	vand.u32 $0xFFFF0000, v9;
	v1 =	vand.u32 $0xFFFF0000, v1;
	v2 =	vmul.f32 v52, v2;
	v52 =	vld.idx.msk [tilespmem:v27+s2+$0x0], $0xffff  }
0x3be: {  	v13 =	vmul.f32 v3, v13;
	v6 =	vmul.f32 v3, v6;
	v1 =	vadd.f32 v9, v1  }
0x3bf: {  	v9 =	vshll.u32 v26, $0x10;
	v26 =	vand.u32 $0xFFFF0000, v26;
	v63 =	vshll.u32 v7, $0x10  }
0x3c0: {  	v7 =	vand.u32 $0xFFFF0000, v7;
	v14 =	vmul.f32 v3, v14;
	v1 =	vmul.f32 v3, v1  }
0x3c1: {  	v8 =	vmul.u32 $0x6, v8;
	v9 =	vadd.f32 v9, v63;
	v7 =	vadd.f32 v26, v7;
	[tilespmem:v18+s28+$0x0] =	vst.idx.msk $0xffff, v30  }
0x3c2: {  	v32 =	vadd.f32 v61, v60;
	v40 =	vshll.u32 v37, $0x10;
	v63 =	vshll.u32 v52, $0x10;
	v30 =	vld [tilespmem:$0x1FD50]  }
0x3c3: {  	v61 =	vand.u32 $0xFFFF0000, v37;
	v60 =	vand.u32 $0xFFFF0000, v52;
	v50 =	vadd.f32 v40, v63  }
0x3c4: {  	v9 =	vmul.f32 v2, v9;
	v43 =	vmul.f32 v2, v43;
	v52 =	vadd.f32 v61, v60  }
0x3c5: {  	v10 =	vadd.f32 v10, v34;
	v27 =	vmul.f32 v2, v33;
	v50 =	vmul.f32 v2, v50  }
0x3c6: {  	v1 =	vadd.f32 v1, v34;
	v52 =	vmul.f32 v2, v52;
	v2 =	vmul.f32 v2, v7  }
0x3c7: {  	v8 =	vbroadcast v8, $0x0;
	v40 =	vadd.s32 v58, v23;
	v63 =	vmul.f32 v3, v32;
	[tilespmem:v16+s28+$0x0] =	vst.idx.msk $0xffff, v30  }
0x3c8: {  	v36 =	vadd.s32 v59, v23;
	v29 =	vadd.s32 v21, v23;
	v2 =	vadd.f32 v2, v34;
	v34 =	vld [tilespmem:$0x1FD60]  }
0x3c9: {  	v37 =	vadd.s32 v28, v23;
	v23 =	vmul.f32 v3, v0;
	v3 =	vadd.s32 v62, v8  }
0x3ca: {  	v26 =	vadd.s32 v59, v8  }
0x3cb: {  	v7 =	vadd.s32 v58, v8  }
0x3cc: {  	v33 =	vadd.s32 v21, v8  }
0x3cd: {  	v51 =	vadd.s32 v28, v8;
	[tilespmem:v17+s28+$0x0] =	vst.idx.msk $0xffff, v34  }
0x3ce: {  	v19 =	vld [tilespmem:$0x1FD70];
	[tilespmem:v3+s28+$0x0] =	vst.idx.msk $0xffff, v49  }
0x3cf: {  	v8 =	vadd.s32 v57, v8;
	[tilespmem:v26+s28+$0x0] =	vst.idx.msk $0xffff, v47  }
0x3d0: {  	[tilespmem:v7+s28+$0x0] =	vst.idx.msk $0xffff, v46  }
0x3d1: {  	[tilespmem:v33+s28+$0x0] =	vst.idx.msk $0xffff, v48  }
0x3d2: {  	[tilespmem:v51+s28+$0x0] =	vst.idx.msk $0xffff, v44  }
0x3d3: {  	v52 =	vadd.f32 v52, v53;
	[tilespmem:v15+s28+$0x0] =	vst.idx.msk $0xffff, v19  }
0x3d4: {  	[tilespmem:v8+s28+$0x0] =	vst.idx.msk $0xffff, v5  }
0x3d5: {  	v60 =	vsub.f32 $0.0e+00, v52;
	v52 =	vld [tilespmem:$0x1FDE0];
	_ =	sdelay $0x2  }
0x3d6: {  	v13 =	vadd.f32 v13, v56;
	v10 =	vsub.f32 $0.0e+00, v10  }
0x3d7: {  	v6 =	vadd.f32 v6, v55;
	v31 =	vadd.f32 v63, v54  }
0x3d8: {  	v13 =	vsub.f32 $0.0e+00, v13;
	v10 =	vmul.f32 $1.442695020e+00, v10;
	v32 =	vadd.f32 v23, v53  }
0x3d9: {  	v6 =	vsub.f32 $0.0e+00, v6;
	v31 =	vsub.f32 $0.0e+00, v31  }
0x3da: {  	v14 =	vadd.f32 v14, v35;
	v13 =	vmul.f32 $1.442695020e+00, v13;
	v32 =	vsub.f32 $0.0e+00, v32  }
0x3db: {  	v6 =	vmul.f32 $1.442695020e+00, v6;
	v31 =	vmul.f32 $1.442695020e+00, v31;
	v25 =	vpop (erf);
	[tilespmem:v52+s28+$0x0] =	vst.idx.msk $0xffff, v4  }
0x3dc: {  	v14 =	vsub.f32 $0.0e+00, v14;
	v41 =	vmul.f32 $1.442695020e+00, v32;
	(erf) = vpow2.f32 v10;
	v10 =	vpop (erf);
	v19 =	vld [tilespmem:$0x1FDF0]  }
0x3dd: {  	v1 =	vsub.f32 $0.0e+00, v1;
	v50 =	vadd.f32 v50, v54;
	(erf) = vpow2.f32 v31;
	v22 =	vpop (erf)  }
0x3de: {  	v9 =	vadd.f32 v9, v35;
	v43 =	vadd.f32 v43, v56;
	(erf) = vpow2.f32 v41;
	v24 =	vpop (erf)  }
0x3df: {  	v14 =	vmul.f32 $1.442695020e+00, v14;
	v50 =	vsub.f32 $0.0e+00, v50;
	(erf) = vpow2.f32 v13;
	v13 =	vpop (erf)  }
0x3e0: {  	v1 =	vmul.f32 $1.442695020e+00, v1;
	v0 =	vadd.f32 v27, v55;
	(erf) = vpow2.f32 v6;
	v61 =	vpop (erf)  }
0x3e1: {  	v63 =	vsub.f32 $0.0e+00, v43;
	(erf) = vpow2.f32 v14;
	v27 =	vpop (erf);
	v20 =	vmul.f32 $1.442695020e+00, v50  }
0x3e2: {  	v0 =	vsub.f32 $0.0e+00, v0;
	v31 =	vmul.f32 $1.442695020e+00, v60;
	(erf) = vpow2.f32 v1;
	v32 =	vpop (erf)  }
0x3e3: {  	v9 =	vsub.f32 $0.0e+00, v9;
	v35 =	vmul.f32 $1.442695020e+00, v63;
	v38 =	vpop (erf);
	(erf) = vpow2.f32 v20  }
0x3e4: {  	v2 =	vsub.f32 $0.0e+00, v2;
	v0 =	vmul.f32 $1.442695020e+00, v0;
	v41 =	vpop (erf);
	(erf) = vpow2.f32 v31;
	[tilespmem:v19+s28+$0x0] =	vst.idx.msk $0xffff, v11  }
0x3e5: {  	v42 =	vmul.f32 $1.442695020e+00, v9;
	v9 =	vmov s20;
	v43 =	vpop (erf);
	(erf) = vpow2.f32 v35;
	v15 =	vld [tilespmem:$0x1FE00]  }
0x3e6: {  	v9 =	vmul.u32 $0x6, v9;
	v2 =	vmul.f32 $1.442695020e+00, v2;
	v45 =	vpop (erf);
	(erf) = vpow2.f32 v0  }
0x3e7: {  	v6 =	vadd.f32 $1.000000000e+00, v61;
	(erf) = vpow2.f32 v42;
	v47 =	vpop (erf)  }
0x3e8: {  	v14 =	vadd.f32 $1.000000000e+00, v27;
	(erf) = vpow2.f32 v2;
	v48 =	vpop (erf);
	v8 =	vadd.f32 $1.000000000e+00, v38  }
0x3e9: {  	v1 =	vadd.f32 $1.000000000e+00, v32;
	(erf) = vrcp.f32 v6;
	v50 =	vpop (erf)  }
0x3ea: {  	v51 =	vbroadcast v9, $0x0;
	(erf) = vrcp.f32 v14;
	v9 =	vpop (erf);
	v11 =	vadd.f32 $1.000000000e+00, v43  }
0x3eb: {  	s21 =	sadd.s32 $0x10, s20;
	s22 =	sadd.s32 $0x20, s20;
	v61 =	vadd.f32 $1.000000000e+00, v41;
	v0 =	vadd.f32 $1.000000000e+00, v45;
	(erf) = vrcp.f32 v1;
	v63 =	vpop (erf)  }
0x3ec: {  	v49 =	vmov s22;
	v46 =	vmov s21;
	(erf) = vrcp.f32 v8;
	v8 =	vpop (erf)  }
0x3ed: {  	v3 =	vadd.f32 $1.000000000e+00, v47;
	v7 =	vmul.u32 $0x6, v46;
	(erf) = vrcp.f32 v61;
	v23 =	vpop (erf);
	[tilespmem:v15+s28+$0x0] =	vst.idx.msk $0xffff, v12  }
0x3ee: {  	v2 =	vadd.f32 $1.000000000e+00, v48;
	v20 =	vor.u32 v62, v51;
	(erf) = vrcp.f32 v11;
	v11 =	vpop (erf);
	[tilespmem:v36+s28+$0x0] =	vst.idx.msk $0xffff, v25  }
0x3ef: {  	v7 =	vbroadcast v7, $0x0;
	(erf) = vrcp.f32 v0;
	v25 =	vpop (erf);
	[tilespmem:v40+s28+$0x0] =	vst.idx.msk $0xffff, v10;
	v10 =	vor.u32 v59, v51  }
0x3f0: {  	v6 =	vadd.f32 $1.000000000e+00, v50;
	v26 =	vor.u32 v58, v51;
	(erf) = vrcp.f32 v3;
	v27 =	vpop (erf)  }
0x3f1: {  	v9 =	vadd.f32 $1.000000000e+00, v9;
	v31 =	vor.u32 v28, v51;
	(erf) = vrcp.f32 v2;
	[tilespmem:v29+s28+$0x0] =	vst.idx.msk $0xffff, v22;
	v30 =	vpop (erf)  }
0x3f2: {  	v8 =	vadd.f32 $1.000000000e+00, v8;
	v29 =	vor.u32 v21, v51;
	(erf) = vrcp.f32 v6;
	[tilespmem:v37+s28+$0x0] =	vst.idx.msk $0xffff, v24;
	v32 =	vpop (erf)  }
0x3f3: {  	v1 =	vadd.f32 $1.000000000e+00, v63;
	(erf) = vrcp.f32 v9;
	v9 =	vadd.f32 $1.000000000e+00, v23;
	[tilespmem:v20+s28+$0x0] =	vst.idx.msk $0xffff, v32;
	v33 =	vpop (erf)  }
0x3f4: {  	v60 =	vmul.u32 $0x6, v49;
	v5 =	vor.u32 v57, v51;
	[tilespmem:v10+s28+$0x0] =	vst.idx.msk $0xffff, v33;
	v10 =	vadd.f32 $1.000000000e+00, v11  }
0x3f5: {  	v34 =	vadd.s32 v62, v7;
	[tilespmem:v39+s28+$0x0] =	vst.idx.msk $0xffff, v13;
	(erf) = vrcp.f32 v1;
	v35 =	vpop (erf)  }
0x3f6: {  	v4 =	vbroadcast v60, $0x0;
	v36 =	vadd.s32 v59, v7;
	(erf) = vrcp.f32 v8;
	v8 =	vpop (erf);
	[tilespmem:v26+s28+$0x0] =	vst.idx.msk $0xffff, v35  }
0x3f7: {  	v0 =	vadd.f32 $1.000000000e+00, v25;
	(erf) = vrcp.f32 v9;
	v9 =	vpop (erf);
	[tilespmem:v29+s28+$0x0] =	vst.idx.msk $0xffff, v8;
	v8 =	vadd.s32 v58, v7  }
0x3f8: {  	v3 =	vadd.f32 $1.000000000e+00, v27;
	(erf) = vrcp.f32 v10;
	[tilespmem:v31+s28+$0x0] =	vst.idx.msk $0xffff, v9;
	v9 =	vadd.s32 v21, v7;
	v10 =	vpop (erf)  }
0x3f9: {  	v37 =	vadd.s32 v28, v7;
	v2 =	vadd.f32 $1.000000000e+00, v30;
	(erf) = vrcp.f32 v0;
	[tilespmem:v5+s28+$0x0] =	vst.idx.msk $0xffff, v10;
	v38 =	vpop (erf)  }
0x3fa: {  	v39 =	vadd.s32 v57, v7;
	(erf) = vrcp.f32 v3;
	[tilespmem:v34+s28+$0x0] =	vst.idx.msk $0xffff, v38;
	v40 =	vpop (erf)  }
0x3fb: {  	v41 =	vadd.s32 v62, v4;
	(erf) = vrcp.f32 v2;
	[tilespmem:v36+s28+$0x0] =	vst.idx.msk $0xffff, v40;
	v42 =	vpop (erf)  }
0x3fc: {  	v43 =	vadd.s32 v59, v4;
	[tilespmem:v8+s28+$0x0] =	vst.idx.msk $0xffff, v42;
	v44 =	vpop (erf)  }
0x3fd: {  	v45 =	vadd.s32 v58, v4;
	[tilespmem:v9+s28+$0x0] =	vst.idx.msk $0xffff, v44;
	v46 =	vpop (erf)  }
0x3fe: {  	v47 =	vadd.s32 v21, v4;
	[tilespmem:v37+s28+$0x0] =	vst.idx.msk $0xffff, v46;
	v48 =	vpop (erf)  }
0x3ff: {  	v49 =	vadd.s32 v28, v4;
	[tilespmem:v39+s28+$0x0] =	vst.idx.msk $0xffff, v48;
	v50 =	vpop (erf)  }
0x400: {  	v51 =	vadd.s32 v57, v4;
	[tilespmem:v41+s28+$0x0] =	vst.idx.msk $0xffff, v50;
	v52 =	vpop (erf)  }
0x401: {  	[tilespmem:v43+s28+$0x0] =	vst.idx.msk $0xffff, v52;
	v58 =	vpop (erf)  }
0x402: {  	[tilespmem:v45+s28+$0x0] =	vst.idx.msk $0xffff, v58;
	v60 =	vpop (erf)  }
0x403: {  	s23 =	smul.u32 $0xC0, s19;
	[tilespmem:v47+s28+$0x0] =	vst.idx.msk $0xffff, v60;
	v61 =	vpop (erf)  }
0x404: {  	s3 =	sadd.s32 s15, s3;
	[tilespmem:v49+s28+$0x0] =	vst.idx.msk $0xffff, v61;
	v63 =	vpop (erf)  }
0x405: {  	p0 =	sgt.u32 s3, $0x270;
	s4 =	sadd.s32 s1, s23;
	[tilespmem:v51+s28+$0x0] =	vst.idx.msk $0xffff, v63  }
0x406: {  	[hbm4b:s4+s2] =	stream.linear.scatter [tilespmem:s28], [sflag:$0x4], $0x600, $0x38;
	[tilespmem:$0x19780] =	vst v63  }
.Ltmp7:
0x407: {  	s3 =	sshll.u32 @!p0 s3, $0x5;
	(pc) =	sbr.rel .LBB2_8-.Ltmp7, $4  }
0x408: {  	s19 =	simm.s32 @!p0 $0x0;
	s20 =	simm.s32 @!p0 $0x18800;
	s4 =	sadd.s32 @!p0 s6, s3  }
0x409: {  	[tilespmem:s20], [sflag:$0x2] =	stream.linear.gather @!p0 [hbm4b:s4+s19], $0x100, $0x38;
	[tilespmem:$0x19780] =	vst v63  }
0x40a: {  	s3 =	sadd.s32 @!p0 s8, s3;
	s4 =	simm.s32 @!p0 $0x18A00  }
0x40b: {  	v11 =	vmov v59;
	[tilespmem:s4], [sflag:$0x2] =	stream.linear.gather @!p0 [hbm4b:s3+s19], $0x100, $0x38;
	[tilespmem:$0x19780] =	vst v63  }
.LBB2_10:
0x40c: {  	_ =	sfence.sel $0x180000  }
0x40d: {  	[bflag:$0x0] =	sbarrier.arrive $0xFFFF  }
0x40e: {  	_ =	strace $0x90000047  }
0x40f: {  	s0 =	stileid.u32;
	[bflag:$0x2] =	sbarrier.arrive $0xFFFF  }
0x410: {  	p0 =	sne.s32 s0, $0x0;
	s0 =	rddreg [dreg:$0x2]  }
0x411: {  	s0 =	sadd.s32 @!p0 $0x100000, s0  }
0x412: {  	[sflag:s0] =	ssyncadd.tile.s32 @!p0 $0x1;
	_ =	shalt  }
.Lfunc_end2:
_tile_overlayer_lowered:
.L_overlay_start_2:
0x413: {  	(tag) =	ssettag $0x2  }
0x414: {  	s0 =	rddreg [dreg:$0x0];
	s2 =	stileid.u32  }
0x415: {  	s1 =	rddreg [dreg:$0x1];
	p0 =	sne.s32 s2, $0x0  }
0x416: {  	s3 =	rddreg [dreg:$0x2];
	[bflag:$0x3] =	sbarrier.arrive $0xFFFF;
	s2 =	simm.s32 @!p0 $0x1C05  }
0x417: {  	[timem:s3], [sflag:s2] =	dma.local @!p0 [hbm:s0], s1  }
0x418: {  	s0 =	simm.s32 @!p0 $0x5  }
0x419: {  	_ =	swait.ge @!p0 [sflag:s0], s1  }
0x41a: {  	s1 =	ssub.s32 @!p0 $0x0, s1;
	[sflag:s0] =	ssyncset.done @!p0 $0x0  }
0x41b: {  	[sflag:s0] =	ssyncadd.s32 @!p0 s1  }
0x41c: {  	[bflag:$0x3] =	sbarrier.arrive $0xFFFF  }
0x41d: {  	_ =	shalt  }

</sc_bundles>
